<compile_context>
chip_gen: v7x
topology: tpu7x:2x2x1
jax: 0.10.2.dev20260603
libtpu: 0.0.44.dev20260713+nightly
codegen_flags: <defaults>
</compile_context>

<pallas_src>
import functools

import jax
import jax.numpy as jnp
from jax import lax
from jax.experimental import pallas as pl
from jax.experimental.pallas import tpu as pltpu
from jax.experimental.pallas import tpu_sc as plsc

VOCAB_N = 1000000
EMBED_N = 32
ALPHA_C = 0.75
X_MAX_C = 100.0
B_N = 4096

_NC = 2
_NS = 16
_NW = _NC * _NS
_BPW = B_N // _NW
_NBUF = 8


def _make_sc_gather():
    mesh = plsc.VectorSubcoreMesh(core_axis_name="c", subcore_axis_name="s")

    @functools.partial(
        pl.kernel,
        mesh=mesh,
        compiler_params=pltpu.CompilerParams(use_tc_tiling_on_sc=True),
        out_type=[
            jax.ShapeDtypeStruct((B_N,), jnp.float32),
            jax.ShapeDtypeStruct((B_N,), jnp.float32),
            jax.ShapeDtypeStruct((B_N,), jnp.float32),
        ],
        scratch_types=[
            pltpu.SMEM((_BPW,), jnp.int32),
            pltpu.SMEM((_BPW,), jnp.int32),
            pltpu.VMEM((_BPW,), jnp.int32),
            pltpu.VMEM((_BPW,), jnp.int32),
            pltpu.VMEM((_NBUF, EMBED_N, 128), jnp.float32),
            pltpu.VMEM((_NBUF, EMBED_N, 128), jnp.float32),
            pltpu.VMEM((_NBUF, 1, 128), jnp.float32),
            pltpu.VMEM((_NBUF, 1, 128), jnp.float32),
            pltpu.VMEM((_BPW,), jnp.float32),
            pltpu.VMEM((_BPW,), jnp.float32),
            pltpu.VMEM((_BPW,), jnp.float32),
            pltpu.SemaphoreType.DMA,
            pltpu.SemaphoreType.DMA,
            pltpu.SemaphoreType.DMA,
            pltpu.SemaphoreType.DMA,
        ],
    )
    def gather_k(wet_hbm, vet_hbm, wbt_hbm, vbt_hbm, wdata_hbm, vdata_hbm,
                 s_out, wb_out, vb_out,
                 widx_s, vidx_s, widx_v, vidx_v, wtiles_v, vtiles_v,
                 wbr_v, vbr_v, s_v, wb_v, vb_v, wsem, vsem, wbsem, vbsem):
        wid = lax.axis_index("s") * _NC + lax.axis_index("c")
        base = wid * _BPW
        pltpu.sync_copy(wdata_hbm.at[pl.ds(base, _BPW)], widx_v)
        pltpu.sync_copy(vdata_hbm.at[pl.ds(base, _BPW)], vidx_v)

        lanes16 = lax.iota(jnp.int32, 16)

        for g in range(_BPW // 16):
            wchunk = widx_v[pl.ds(g * 16, 16)]
            vchunk = vidx_v[pl.ds(g * 16, 16)]
            for lane in range(16):
                widx_s[g * 16 + lane] = wchunk[lane]
                vidx_s[g * 16 + lane] = vchunk[lane]

        def fire(k, slot):
            iw = widx_s[k]
            iv = vidx_s[k]
            w_off = pl.multiple_of((iw >> 7) * 128, 128)
            v_off = pl.multiple_of((iv >> 7) * 128, 128)
            pltpu.async_copy(wet_hbm.at[:, pl.ds(w_off, 128)],
                             wtiles_v.at[slot], wsem)
            pltpu.async_copy(vet_hbm.at[:, pl.ds(v_off, 128)],
                             vtiles_v.at[slot], vsem)
            pltpu.async_copy(wbt_hbm.at[:, pl.ds(w_off, 128)],
                             wbr_v.at[slot], wbsem)
            pltpu.async_copy(vbt_hbm.at[:, pl.ds(v_off, 128)],
                             vbr_v.at[slot], vbsem)

        for k in range(_NBUF):
            fire(k, k)

        def body(k, carry):
            s16, wb16, vb16 = carry
            slot = k & (_NBUF - 1)
            pltpu.make_async_copy(wet_hbm.at[:, pl.ds(0, 128)],
                                  wtiles_v.at[slot], wsem).wait()
            pltpu.make_async_copy(vet_hbm.at[:, pl.ds(0, 128)],
                                  vtiles_v.at[slot], vsem).wait()
            pltpu.make_async_copy(wbt_hbm.at[:, pl.ds(0, 128)],
                                  wbr_v.at[slot], wbsem).wait()
            pltpu.make_async_copy(vbt_hbm.at[:, pl.ds(0, 128)],
                                  vbr_v.at[slot], vbsem).wait()

            iw = widx_s[k]
            iv = vidx_s[k]
            lw = iw & 127
            lv = iv & 127
            cw = pl.multiple_of((lw >> 4) * 16, 16)
            cv = pl.multiple_of((lv >> 4) * 16, 16)
            sw = lw & 15
            sv = lv & 15
            rot = (lanes16 + (sv - sw)) & 15

            def edot(e, acc):
                w16 = wtiles_v[slot, e, pl.ds(cw, 16)]
                v16 = vtiles_v[slot, e, pl.ds(cv, 16)]
                vr = jnp.take(v16, rot, axis=0)
                return acc + w16 * vr

            acc = lax.fori_loop(0, EMBED_N, edot,
                                jnp.zeros((16,), jnp.float32))
            sub_w = jnp.broadcast_to(sw, (16,))
            sub_v = jnp.broadcast_to(sv, (16,))
            s_k = jnp.take(acc, sub_w, axis=0)
            wb_k = jnp.take(wbr_v[slot, 0, pl.ds(cw, 16)], sub_w, axis=0)
            vb_k = jnp.take(vbr_v[slot, 0, pl.ds(cv, 16)], sub_v, axis=0)

            kpos = k & 15
            s16 = jnp.where(lanes16 == kpos, s_k, s16)
            wb16 = jnp.where(lanes16 == kpos, wb_k, wb16)
            vb16 = jnp.where(lanes16 == kpos, vb_k, vb16)

            @pl.when(kpos == 15)
            def _():
                g = pl.multiple_of((k >> 4) * 16, 16)
                s_v[pl.ds(g, 16)] = s16
                wb_v[pl.ds(g, 16)] = wb16
                vb_v[pl.ds(g, 16)] = vb16

            @pl.when(k + _NBUF < _BPW)
            def _():
                fire(k + _NBUF, slot)

            return s16, wb16, vb16

        z16 = jnp.zeros((16,), jnp.float32)
        lax.fori_loop(0, _BPW, body, (z16, z16, z16))

        pltpu.sync_copy(s_v, s_out.at[pl.ds(base, _BPW)])
        pltpu.sync_copy(wb_v, wb_out.at[pl.ds(base, _BPW)])
        pltpu.sync_copy(vb_v, vb_out.at[pl.ds(base, _BPW)])

    return gather_k


_sc_gather = _make_sc_gather()


def _loss_body(s_ref, wb_ref, vb_ref, lab_ref, out_ref):
    s = s_ref[...]
    b = wb_ref[...] + vb_ref[...]
    l = lab_ref[...]
    wt = jnp.minimum(jnp.power(l * (1.0 / X_MAX_C), ALPHA_C), 1.0)
    c = s - jnp.log(l)
    s_wt = jnp.sum(wt)
    s_b = jnp.sum(b)
    s_b2 = jnp.sum(b * b)
    wtc = wt * c
    s_wtc = jnp.sum(wtc)
    s_wtc2 = jnp.sum(wtc * c)
    bsz = jnp.float32(B_N)
    out_ref[0, 0] = (s_wt * s_b2 + 2.0 * s_b * s_wtc + bsz * s_wtc2) / (bsz * bsz)


def _loss_tc(s, wb, vb, labels):
    return pl.pallas_call(
        _loss_body,
        out_shape=jax.ShapeDtypeStruct((1, 1), jnp.float32),
        out_specs=pl.BlockSpec(memory_space=pltpu.SMEM),
    )(s.reshape(32, 128), wb.reshape(32, 128), vb.reshape(32, 128),
      labels.reshape(32, 128))


def kernel(wdata, vdata, labels, w_embed, v_embed, w_bias, v_bias):
    s, wb, vb = _sc_gather(w_embed.T, v_embed.T, w_bias.T, v_bias.T,
                           wdata, vdata)
    out = _loss_tc(s, wb, vb, labels)
    return out[0, 0]

# --- scband reference (transcript-rebuilt; emitter-appended) ---
"""Pipeline reference for scband-glove-model-16475494547614 (READ-ONLY COPY).

The authoritative reference and input builder live on the scoring server;
editing this copy changes nothing except your own understanding.
"""

import jax, jax.numpy as jnp
import numpy as np

VOCAB = 1000000
EMBED = 32
ALPHA = 0.75
X_MAX = 100.0
B = 4096


def setup_inputs(seed: int = 0) -> dict:
    key = jax.random.key(seed)
    k1, k2, k3, k4, k5, k6, k7 = jax.random.split(key, 7)
    wdata = jax.random.randint(k1, (B,), 0, VOCAB, dtype=jnp.int64 if jax.config.jax_enable_x64 else jnp.int32).astype(jnp.int32)
    vdata = jax.random.randint(k2, (B,), 0, VOCAB, dtype=jnp.int32)
    # labels are co-occurrence counts; keep them strictly positive for log()
    labels = jax.random.uniform(k3, (B,), dtype=jnp.float32) * 99.0 + 1.0
    w_embed = jax.random.normal(k4, (VOCAB, EMBED), dtype=jnp.float32) * 0.01
    v_embed = jax.random.normal(k5, (VOCAB, EMBED), dtype=jnp.float32) * 0.01
    w_bias = jax.random.normal(k6, (VOCAB, 1), dtype=jnp.float32) * 0.01
    v_bias = jax.random.normal(k7, (VOCAB, 1), dtype=jnp.float32) * 0.01
    return {"wdata": wdata, "vdata": vdata, "labels": labels,
            "w_embed": w_embed, "v_embed": v_embed,
            "w_bias": w_bias, "v_bias": v_bias}


def reference(wdata, vdata, labels, w_embed, v_embed, w_bias, v_bias):
    # embedding gathers (SparseCore-friendly)
    w_data_embed = jnp.take(w_embed, wdata, axis=0)          # [B, E]
    v_data_embed = jnp.take(v_embed, vdata, axis=0)          # [B, E]
    w_data_bias = jnp.take(w_bias, wdata, axis=0)            # [B, 1]
    v_data_bias = jnp.take(v_bias, vdata, axis=0)            # [B, 1]
    weights = jnp.power(labels / X_MAX, ALPHA)               # [B]
    weights = jnp.minimum(weights, 1.0)
    # NOTE: faithful to the torch module, which broadcasts [B] + [B,1] -> [B,B]
    inner = jnp.sum(w_data_embed * v_data_embed, axis=1) + w_data_bias + v_data_bias - jnp.log(labels)
    loss = jnp.mean(weights * jnp.power(inner, 2))
    return loss

if __name__ == "__main__":
    import jax
    _d = setup_inputs()
    print(jax.jit(kernel)(*tuple(_d.values())))

</pallas_src>

<mosaic_0001>
#map = affine_map<(d0, d1) -> (0, 0)>
#map1 = affine_map<(d0, d1) -> (0)>
module attributes {stable_mosaic.version = 14 : i64} {
  func.func @gather_k(%arg0: i32, %arg1: i32, %arg2: memref<32x1000000xf32, #tpu.memory_space<hbm>>, %arg3: memref<32x1000000xf32, #tpu.memory_space<hbm>>, %arg4: memref<1x1000000xf32, #tpu.memory_space<hbm>>, %arg5: memref<1x1000000xf32, #tpu.memory_space<hbm>>, %arg6: memref<4096xi32, #tpu.memory_space<hbm>>, %arg7: memref<4096xi32, #tpu.memory_space<hbm>>, %arg8: memref<4096xf32, #tpu.memory_space<hbm>>, %arg9: memref<4096xf32, #tpu.memory_space<hbm>>, %arg10: memref<4096xf32, #tpu.memory_space<hbm>>, %arg11: memref<128xi32, #tpu.memory_space<smem>>, %arg12: memref<128xi32, #tpu.memory_space<smem>>, %arg13: memref<128xi32, #tpu.memory_space<vmem>>, %arg14: memref<128xi32, #tpu.memory_space<vmem>>, %arg15: memref<8x32x128xf32, #tpu.memory_space<vmem>>, %arg16: memref<8x32x128xf32, #tpu.memory_space<vmem>>, %arg17: memref<8x1x128xf32, #tpu.memory_space<vmem>>, %arg18: memref<8x1x128xf32, #tpu.memory_space<vmem>>, %arg19: memref<128xf32, #tpu.memory_space<vmem>>, %arg20: memref<128xf32, #tpu.memory_space<vmem>>, %arg21: memref<128xf32, #tpu.memory_space<vmem>>, %arg22: memref<!tpu.dma_semaphore, #tpu.memory_space<semaphore_mem>>, %arg23: memref<!tpu.dma_semaphore, #tpu.memory_space<semaphore_mem>>, %arg24: memref<!tpu.dma_semaphore, #tpu.memory_space<semaphore_mem>>, %arg25: memref<!tpu.dma_semaphore, #tpu.memory_space<semaphore_mem>>) attributes {dimension_semantics = [#tpu.dimension_semantics<core_parallel>, #tpu.dimension_semantics<subcore_parallel>], iteration_bounds = array<i64: 2, 16>, scalar_prefetch = 0 : i64, scratch_operands = 15 : i64, tpu.core_type = #tpu.core_type<sc_vector_subcore>, window_params = [{transform_indices = #map}, {transform_indices = #map}, {transform_indices = #map}, {transform_indices = #map}, {transform_indices = #map1}, {transform_indices = #map1}, {transform_indices = #map1}, {transform_indices = #map1}, {transform_indices = #map1}]} {
    %mul3A = arith.constant 2 : i32
    %mul3A_0 = arith.muli %arg1, %mul3A : i32
    %add3A = arith.addi %mul3A_0, %arg0 : i32
    %mul3A_1 = arith.constant 128 : i32
    %mul3A_2 = arith.muli %add3A, %mul3A_1 : i32
    "tpu.region"() ({
      %run_scoped3A = tpu.sem_alloc : memref<!tpu.dma_semaphore, #tpu.memory_space<semaphore_mem>>
      %dma_start3A_1874 = tpu.memref_slice %arg6[%mul3A_2] : memref<4096xi32, #tpu.memory_space<hbm>> -> memref<128xi32, #tpu.memory_space<hbm>>
      %dma_start3A_1875 = tpu.memref_slice %arg6[%mul3A_2] : memref<4096xi32, #tpu.memory_space<hbm>> -> memref<128xi32, #tpu.memory_space<hbm>>
      tpu.enqueue_dma source(%dma_start3A_1875 : memref<128xi32, #tpu.memory_space<hbm>>) target(%arg13 : memref<128xi32, #tpu.memory_space<vmem>>) target_semaphore(%run_scoped3A : memref<!tpu.dma_semaphore, #tpu.memory_space<semaphore_mem>>)
      %dma_wait3A = tpu.memref_slice %arg6[%mul3A_2] : memref<4096xi32, #tpu.memory_space<hbm>> -> memref<128xi32, #tpu.memory_space<hbm>>
      %dma_wait3A_1876 = tpu.memref_slice %arg6[%mul3A_2] : memref<4096xi32, #tpu.memory_space<hbm>> -> memref<128xi32, #tpu.memory_space<hbm>>
      tpu.wait_dma2 semaphore(%run_scoped3A : memref<!tpu.dma_semaphore, #tpu.memory_space<semaphore_mem>>) src(%dma_wait3A_1876 : memref<128xi32, #tpu.memory_space<hbm>>) dst(%arg13 : memref<128xi32, #tpu.memory_space<vmem>>)
      tpu.yield
    }) : () -> ()
    "tpu.region"() ({
      %run_scoped3A = tpu.sem_alloc : memref<!tpu.dma_semaphore, #tpu.memory_space<semaphore_mem>>
      %dma_start3A_1874 = tpu.memref_slice %arg7[%mul3A_2] : memref<4096xi32, #tpu.memory_space<hbm>> -> memref<128xi32, #tpu.memory_space<hbm>>
      %dma_start3A_1875 = tpu.memref_slice %arg7[%mul3A_2] : memref<4096xi32, #tpu.memory_space<hbm>> -> memref<128xi32, #tpu.memory_space<hbm>>
      tpu.enqueue_dma source(%dma_start3A_1875 : memref<128xi32, #tpu.memory_space<hbm>>) target(%arg14 : memref<128xi32, #tpu.memory_space<vmem>>) target_semaphore(%run_scoped3A : memref<!tpu.dma_semaphore, #tpu.memory_space<semaphore_mem>>)
      %dma_wait3A = tpu.memref_slice %arg7[%mul3A_2] : memref<4096xi32, #tpu.memory_space<hbm>> -> memref<128xi32, #tpu.memory_space<hbm>>
      %dma_wait3A_1876 = tpu.memref_slice %arg7[%mul3A_2] : memref<4096xi32, #tpu.memory_space<hbm>> -> memref<128xi32, #tpu.memory_space<hbm>>
      tpu.wait_dma2 semaphore(%run_scoped3A : memref<!tpu.dma_semaphore, #tpu.memory_space<semaphore_mem>>) src(%dma_wait3A_1876 : memref<128xi32, #tpu.memory_space<hbm>>) dst(%arg14 : memref<128xi32, #tpu.memory_space<vmem>>)
      tpu.yield
    }) : () -> ()
    %iota3A = tpu.iota {dimensions = array<i32: 0>} : vector<16xi32>
    %get3A = arith.constant 0 : index
    %get3A_3 = tpu.vector_load %arg13[%get3A] {strides = array<i32>} : memref<128xi32, #tpu.memory_space<vmem>>, vector<16xi32>,
    %get3A_4 = vector.shape_cast %get3A_3 : vector<16xi32> to vector<16xi32>
    %get3A_5 = arith.constant 0 : index
    %get3A_6 = tpu.vector_load %arg14[%get3A_5] {strides = array<i32>} : memref<128xi32, #tpu.memory_space<vmem>>, vector<16xi32>,
    %get3A_7 = vector.shape_cast %get3A_6 : vector<16xi32> to vector<16xi32>
    %slice3A = vector.extract_strided_slice %get3A_4 {offsets = [0], sizes = [1], strides = [1]} : vector<16xi32> to vector<1xi32>
    %squeeze3A = vector.extract %slice3A[0] : i32 from vector<1xi32>
    %swap3A = arith.constant 0 : i32
    %swap3A_8 = arith.index_cast %swap3A : i32 to index
    %swap3A_9 = memref.load %arg11[%swap3A_8] : memref<128xi32, #tpu.memory_space<smem>>
    memref.store %squeeze3A, %arg11[%swap3A_8] : memref<128xi32, #tpu.memory_space<smem>>
    %slice3A_10 = vector.extract_strided_slice %get3A_7 {offsets = [0], sizes = [1], strides = [1]} : vector<16xi32> to vector<1xi32>
    %squeeze3A_11 = vector.extract %slice3A_10[0] : i32 from vector<1xi32>
    %swap3A_12 = arith.constant 0 : i32
    %swap3A_13 = arith.index_cast %swap3A_12 : i32 to index
    %swap3A_14 = memref.load %arg12[%swap3A_13] : memref<128xi32, #tpu.memory_space<smem>>
    memref.store %squeeze3A_11, %arg12[%swap3A_13] : memref<128xi32, #tpu.memory_space<smem>>
    %slice3A_15 = vector.extract_strided_slice %get3A_4 {offsets = [1], sizes = [1], strides = [1]} : vector<16xi32> to vector<1xi32>
    %squeeze3A_16 = vector.extract %slice3A_15[0] : i32 from vector<1xi32>
    %swap3A_17 = arith.constant 1 : i32
    %swap3A_18 = arith.index_cast %swap3A_17 : i32 to index
    %swap3A_19 = memref.load %arg11[%swap3A_18] : memref<128xi32, #tpu.memory_space<smem>>
    memref.store %squeeze3A_16, %arg11[%swap3A_18] : memref<128xi32, #tpu.memory_space<smem>>
    %slice3A_20 = vector.extract_strided_slice %get3A_7 {offsets = [1], sizes = [1], strides = [1]} : vector<16xi32> to vector<1xi32>
    %squeeze3A_21 = vector.extract %slice3A_20[0] : i32 from vector<1xi32>
    %swap3A_22 = arith.constant 1 : i32
    %swap3A_23 = arith.index_cast %swap3A_22 : i32 to index
    %swap3A_24 = memref.load %arg12[%swap3A_23] : memref<128xi32, #tpu.memory_space<smem>>
    memref.store %squeeze3A_21, %arg12[%swap3A_23] : memref<128xi32, #tpu.memory_space<smem>>
    %slice3A_25 = vector.extract_strided_slice %get3A_4 {offsets = [2], sizes = [1], strides = [1]} : vector<16xi32> to vector<1xi32>
    %squeeze3A_26 = vector.extract %slice3A_25[0] : i32 from vector<1xi32>
    %swap3A_27 = arith.constant 2 : i32
    %swap3A_28 = arith.index_cast %swap3A_27 : i32 to index
    %swap3A_29 = memref.load %arg11[%swap3A_28] : memref<128xi32, #tpu.memory_space<smem>>
    memref.store %squeeze3A_26, %arg11[%swap3A_28] : memref<128xi32, #tpu.memory_space<smem>>
    %slice3A_30 = vector.extract_strided_slice %get3A_7 {offsets = [2], sizes = [1], strides = [1]} : vector<16xi32> to vector<1xi32>
    %squeeze3A_31 = vector.extract %slice3A_30[0] : i32 from vector<1xi32>
    %swap3A_32 = arith.constant 2 : i32
    %swap3A_33 = arith.index_cast %swap3A_32 : i32 to index
    %swap3A_34 = memref.load %arg12[%swap3A_33] : memref<128xi32, #tpu.memory_space<smem>>
    memref.store %squeeze3A_31, %arg12[%swap3A_33] : memref<128xi32, #tpu.memory_space<smem>>
    %slice3A_35 = vector.extract_strided_slice %get3A_4 {offsets = [3], sizes = [1], strides = [1]} : vector<16xi32> to vector<1xi32>
    %squeeze3A_36 = vector.extract %slice3A_35[0] : i32 from vector<1xi32>
    %swap3A_37 = arith.constant 3 : i32
    %swap3A_38 = arith.index_cast %swap3A_37 : i32 to index
    %swap3A_39 = memref.load %arg11[%swap3A_38] : memref<128xi32, #tpu.memory_space<smem>>
    memref.store %squeeze3A_36, %arg11[%swap3A_38] : memref<128xi32, #tpu.memory_space<smem>>
    %slice3A_40 = vector.extract_strided_slice %get3A_7 {offsets = [3], sizes = [1], strides = [1]} : vector<16xi32> to vector<1xi32>
    %squeeze3A_41 = vector.extract %slice3A_40[0] : i32 from vector<1xi32>
    %swap3A_42 = arith.constant 3 : i32
    %swap3A_43 = arith.index_cast %swap3A_42 : i32 to index
    %swap3A_44 = memref.load %arg12[%swap3A_43] : memref<128xi32, #tpu.memory_space<smem>>
    memref.store %squeeze3A_41, %arg12[%swap3A_43] : memref<128xi32, #tpu.memory_space<smem>>
    %slice3A_45 = vector.extract_strided_slice %get3A_4 {offsets = [4], sizes = [1], strides = [1]} : vector<16xi32> to vector<1xi32>
    %squeeze3A_46 = vector.extract %slice3A_45[0] : i32 from vector<1xi32>
    %swap3A_47 = arith.constant 4 : i32
    %swap3A_48 = arith.index_cast %swap3A_47 : i32 to index
    %swap3A_49 = memref.load %arg11[%swap3A_48] : memref<128xi32, #tpu.memory_space<smem>>
    memref.store %squeeze3A_46, %arg11[%swap3A_48] : memref<128xi32, #tpu.memory_space<smem>>
    %slice3A_50 = vector.extract_strided_slice %get3A_7 {offsets = [4], sizes = [1], strides = [1]} : vector<16xi32> to vector<1xi32>
    %squeeze3A_51 = vector.extract %slice3A_50[0] : i32 from vector<1xi32>
    %swap3A_52 = arith.constant 4 : i32
    %swap3A_53 = arith.index_cast %swap3A_52 : i32 to index
    %swap3A_54 = memref.load %arg12[%swap3A_53] : memref<128xi32, #tpu.memory_space<smem>>
    memref.store %squeeze3A_51, %arg12[%swap3A_53] : memref<128xi32, #tpu.memory_space<smem>>
    %slice3A_55 = vector.extract_strided_slice %get3A_4 {offsets = [5], sizes = [1], strides = [1]} : vector<16xi32> to vector<1xi32>
    %squeeze3A_56 = vector.extract %slice3A_55[0] : i32 from vector<1xi32>
    %swap3A_57 = arith.constant 5 : i32
    %swap3A_58 = arith.index_cast %swap3A_57 : i32 to index
    %swap3A_59 = memref.load %arg11[%swap3A_58] : memref<128xi32, #tpu.memory_space<smem>>
    memref.store %squeeze3A_56, %arg11[%swap3A_58] : memref<128xi32, #tpu.memory_space<smem>>
    %slice3A_60 = vector.extract_strided_slice %get3A_7 {offsets = [5], sizes = [1], strides = [1]} : vector<16xi32> to vector<1xi32>
    %squeeze3A_61 = vector.extract %slice3A_60[0] : i32 from vector<1xi32>
    %swap3A_62 = arith.constant 5 : i32
    %swap3A_63 = arith.index_cast %swap3A_62 : i32 to index
    %swap3A_64 = memref.load %arg12[%swap3A_63] : memref<128xi32, #tpu.memory_space<smem>>
    memref.store %squeeze3A_61, %arg12[%swap3A_63] : memref<128xi32, #tpu.memory_space<smem>>
    %slice3A_65 = vector.extract_strided_slice %get3A_4 {offsets = [6], sizes = [1], strides = [1]} : vector<16xi32> to vector<1xi32>
    %squeeze3A_66 = vector.extract %slice3A_65[0] : i32 from vector<1xi32>
    %swap3A_67 = arith.constant 6 : i32
    %swap3A_68 = arith.index_cast %swap3A_67 : i32 to index
    %swap3A_69 = memref.load %arg11[%swap3A_68] : memref<128xi32, #tpu.memory_space<smem>>
    memref.store %squeeze3A_66, %arg11[%swap3A_68] : memref<128xi32, #tpu.memory_space<smem>>
    %slice3A_70 = vector.extract_strided_slice %get3A_7 {offsets = [6], sizes = [1], strides = [1]} : vector<16xi32> to vector<1xi32>
    %squeeze3A_71 = vector.extract %slice3A_70[0] : i32 from vector<1xi32>
    %swap3A_72 = arith.constant 6 : i32
    %swap3A_73 = arith.index_cast %swap3A_72 : i32 to index
    %swap3A_74 = memref.load %arg12[%swap3A_73] : memref<128xi32, #tpu.memory_space<smem>>
    memref.store %squeeze3A_71, %arg12[%swap3A_73] : memref<128xi32, #tpu.memory_space<smem>>
    %slice3A_75 = vector.extract_strided_slice %get3A_4 {offsets = [7], sizes = [1], strides = [1]} : vector<16xi32> to vector<1xi32>
    %squeeze3A_76 = vector.extract %slice3A_75[0] : i32 from vector<1xi32>
    %swap3A_77 = arith.constant 7 : i32
    %swap3A_78 = arith.index_cast %swap3A_77 : i32 to index
    %swap3A_79 = memref.load %arg11[%swap3A_78] : memref<128xi32, #tpu.memory_space<smem>>
    memref.store %squeeze3A_76, %arg11[%swap3A_78] : memref<128xi32, #tpu.memory_space<smem>>
    %slice3A_80 = vector.extract_strided_slice %get3A_7 {offsets = [7], sizes = [1], strides = [1]} : vector<16xi32> to vector<1xi32>
    %squeeze3A_81 = vector.extract %slice3A_80[0] : i32 from vector<1xi32>
    %swap3A_82 = arith.constant 7 : i32
    %swap3A_83 = arith.index_cast %swap3A_82 : i32 to index
    %swap3A_84 = memref.load %arg12[%swap3A_83] : memref<128xi32, #tpu.memory_space<smem>>
    memref.store %squeeze3A_81, %arg12[%swap3A_83] : memref<128xi32, #tpu.memory_space<smem>>
    %slice3A_85 = vector.extract_strided_slice %get3A_4 {offsets = [8], sizes = [1], strides = [1]} : vector<16xi32> to vector<1xi32>
    %squeeze3A_86 = vector.extract %slice3A_85[0] : i32 from vector<1xi32>
    %swap3A_87 = arith.constant 8 : i32
    %swap3A_88 = arith.index_cast %swap3A_87 : i32 to index
    %swap3A_89 = memref.load %arg11[%swap3A_88] : memref<128xi32, #tpu.memory_space<smem>>
    memref.store %squeeze3A_86, %arg11[%swap3A_88] : memref<128xi32, #tpu.memory_space<smem>>
    %slice3A_90 = vector.extract_strided_slice %get3A_7 {offsets = [8], sizes = [1], strides = [1]} : vector<16xi32> to vector<1xi32>
    %squeeze3A_91 = vector.extract %slice3A_90[0] : i32 from vector<1xi32>
    %swap3A_92 = arith.constant 8 : i32
    %swap3A_93 = arith.index_cast %swap3A_92 : i32 to index
    %swap3A_94 = memref.load %arg12[%swap3A_93] : memref<128xi32, #tpu.memory_space<smem>>
    memref.store %squeeze3A_91, %arg12[%swap3A_93] : memref<128xi32, #tpu.memory_space<smem>>
    %slice3A_95 = vector.extract_strided_slice %get3A_4 {offsets = [9], sizes = [1], strides = [1]} : vector<16xi32> to vector<1xi32>
    %squeeze3A_96 = vector.extract %slice3A_95[0] : i32 from vector<1xi32>
    %swap3A_97 = arith.constant 9 : i32
    %swap3A_98 = arith.index_cast %swap3A_97 : i32 to index
    %swap3A_99 = memref.load %arg11[%swap3A_98] : memref<128xi32, #tpu.memory_space<smem>>
    memref.store %squeeze3A_96, %arg11[%swap3A_98] : memref<128xi32, #tpu.memory_space<smem>>
    %slice3A_100 = vector.extract_strided_slice %get3A_7 {offsets = [9], sizes = [1], strides = [1]} : vector<16xi32> to vector<1xi32>
    %squeeze3A_101 = vector.extract %slice3A_100[0] : i32 from vector<1xi32>
    %swap3A_102 = arith.constant 9 : i32
    %swap3A_103 = arith.index_cast %swap3A_102 : i32 to index
    %swap3A_104 = memref.load %arg12[%swap3A_103] : memref<128xi32, #tpu.memory_space<smem>>
    memref.store %squeeze3A_101, %arg12[%swap3A_103] : memref<128xi32, #tpu.memory_space<smem>>
    %slice3A_105 = vector.extract_strided_slice %get3A_4 {offsets = [10], sizes = [1], strides = [1]} : vector<16xi32> to vector<1xi32>
    %squeeze3A_106 = vector.extract %slice3A_105[0] : i32 from vector<1xi32>
    %swap3A_107 = arith.constant 10 : i32
    %swap3A_108 = arith.index_cast %swap3A_107 : i32 to index
    %swap3A_109 = memref.load %arg11[%swap3A_108] : memref<128xi32, #tpu.memory_space<smem>>
    memref.store %squeeze3A_106, %arg11[%swap3A_108] : memref<128xi32, #tpu.memory_space<smem>>
    %slice3A_110 = vector.extract_strided_slice %get3A_7 {offsets = [10], sizes = [1], strides = [1]} : vector<16xi32> to vector<1xi32>
    %squeeze3A_111 = vector.extract %slice3A_110[0] : i32 from vector<1xi32>
    %swap3A_112 = arith.constant 10 : i32
    %swap3A_113 = arith.index_cast %swap3A_112 : i32 to index
    %swap3A_114 = memref.load %arg12[%swap3A_113] : memref<128xi32, #tpu.memory_space<smem>>
    memref.store %squeeze3A_111, %arg12[%swap3A_113] : memref<128xi32, #tpu.memory_space<smem>>
    %slice3A_115 = vector.extract_strided_slice %get3A_4 {offsets = [11], sizes = [1], strides = [1]} : vector<16xi32> to vector<1xi32>
    %squeeze3A_116 = vector.extract %slice3A_115[0] : i32 from vector<1xi32>
    %swap3A_117 = arith.constant 11 : i32
    %swap3A_118 = arith.index_cast %swap3A_117 : i32 to index
    %swap3A_119 = memref.load %arg11[%swap3A_118] : memref<128xi32, #tpu.memory_space<smem>>
    memref.store %squeeze3A_116, %arg11[%swap3A_118] : memref<128xi32, #tpu.memory_space<smem>>
    %slice3A_120 = vector.extract_strided_slice %get3A_7 {offsets = [11], sizes = [1], strides = [1]} : vector<16xi32> to vector<1xi32>
    %squeeze3A_121 = vector.extract %slice3A_120[0] : i32 from vector<1xi32>
    %swap3A_122 = arith.constant 11 : i32
    %swap3A_123 = arith.index_cast %swap3A_122 : i32 to index
    %swap3A_124 = memref.load %arg12[%swap3A_123] : memref<128xi32, #tpu.memory_space<smem>>
    memref.store %squeeze3A_121, %arg12[%swap3A_123] : memref<128xi32, #tpu.memory_space<smem>>
    %slice3A_125 = vector.extract_strided_slice %get3A_4 {offsets = [12], sizes = [1], strides = [1]} : vector<16xi32> to vector<1xi32>
    %squeeze3A_126 = vector.extract %slice3A_125[0] : i32 from vector<1xi32>
    %swap3A_127 = arith.constant 12 : i32
    %swap3A_128 = arith.index_cast %swap3A_127 : i32 to index
    %swap3A_129 = memref.load %arg11[%swap3A_128] : memref<128xi32, #tpu.memory_space<smem>>
    memref.store %squeeze3A_126, %arg11[%swap3A_128] : memref<128xi32, #tpu.memory_space<smem>>
    %slice3A_130 = vector.extract_strided_slice %get3A_7 {offsets = [12], sizes = [1], strides = [1]} : vector<16xi32> to vector<1xi32>
    %squeeze3A_131 = vector.extract %slice3A_130[0] : i32 from vector<1xi32>
    %swap3A_132 = arith.constant 12 : i32
    %swap3A_133 = arith.index_cast %swap3A_132 : i32 to index
    %swap3A_134 = memref.load %arg12[%swap3A_133] : memref<128xi32, #tpu.memory_space<smem>>
    memref.store %squeeze3A_131, %arg12[%swap3A_133] : memref<128xi32, #tpu.memory_space<smem>>
    %slice3A_135 = vector.extract_strided_slice %get3A_4 {offsets = [13], sizes = [1], strides = [1]} : vector<16xi32> to vector<1xi32>
    %squeeze3A_136 = vector.extract %slice3A_135[0] : i32 from vector<1xi32>
    %swap3A_137 = arith.constant 13 : i32
    %swap3A_138 = arith.index_cast %swap3A_137 : i32 to index
    %swap3A_139 = memref.load %arg11[%swap3A_138] : memref<128xi32, #tpu.memory_space<smem>>
    memref.store %squeeze3A_136, %arg11[%swap3A_138] : memref<128xi32, #tpu.memory_space<smem>>
    %slice3A_140 = vector.extract_strided_slice %get3A_7 {offsets = [13], sizes = [1], strides = [1]} : vector<16xi32> to vector<1xi32>
    %squeeze3A_141 = vector.extract %slice3A_140[0] : i32 from vector<1xi32>
    %swap3A_142 = arith.constant 13 : i32
    %swap3A_143 = arith.index_cast %swap3A_142 : i32 to index
    %swap3A_144 = memref.load %arg12[%swap3A_143] : memref<128xi32, #tpu.memory_space<smem>>
    memref.store %squeeze3A_141, %arg12[%swap3A_143] : memref<128xi32, #tpu.memory_space<smem>>
    %slice3A_145 = vector.extract_strided_slice %get3A_4 {offsets = [14], sizes = [1], strides = [1]} : vector<16xi32> to vector<1xi32>
    %squeeze3A_146 = vector.extract %slice3A_145[0] : i32 from vector<1xi32>
    %swap3A_147 = arith.constant 14 : i32
    %swap3A_148 = arith.index_cast %swap3A_147 : i32 to index
    %swap3A_149 = memref.load %arg11[%swap3A_148] : memref<128xi32, #tpu.memory_space<smem>>
    memref.store %squeeze3A_146, %arg11[%swap3A_148] : memref<128xi32, #tpu.memory_space<smem>>
    %slice3A_150 = vector.extract_strided_slice %get3A_7 {offsets = [14], sizes = [1], strides = [1]} : vector<16xi32> to vector<1xi32>
    %squeeze3A_151 = vector.extract %slice3A_150[0] : i32 from vector<1xi32>
    %swap3A_152 = arith.constant 14 : i32
    %swap3A_153 = arith.index_cast %swap3A_152 : i32 to index
    %swap3A_154 = memref.load %arg12[%swap3A_153] : memref<128xi32, #tpu.memory_space<smem>>
    memref.store %squeeze3A_151, %arg12[%swap3A_153] : memref<128xi32, #tpu.memory_space<smem>>
    %slice3A_155 = vector.extract_strided_slice %get3A_4 {offsets = [15], sizes = [1], strides = [1]} : vector<16xi32> to vector<1xi32>
    %squeeze3A_156 = vector.extract %slice3A_155[0] : i32 from vector<1xi32>
    %swap3A_157 = arith.constant 15 : i32
    %swap3A_158 = arith.index_cast %swap3A_157 : i32 to index
    %swap3A_159 = memref.load %arg11[%swap3A_158] : memref<128xi32, #tpu.memory_space<smem>>
    memref.store %squeeze3A_156, %arg11[%swap3A_158] : memref<128xi32, #tpu.memory_space<smem>>
    %slice3A_160 = vector.extract_strided_slice %get3A_7 {offsets = [15], sizes = [1], strides = [1]} : vector<16xi32> to vector<1xi32>
    %squeeze3A_161 = vector.extract %slice3A_160[0] : i32 from vector<1xi32>
    %swap3A_162 = arith.constant 15 : i32
    %swap3A_163 = arith.index_cast %swap3A_162 : i32 to index
    %swap3A_164 = memref.load %arg12[%swap3A_163] : memref<128xi32, #tpu.memory_space<smem>>
    memref.store %squeeze3A_161, %arg12[%swap3A_163] : memref<128xi32, #tpu.memory_space<smem>>
    %get3A_165 = arith.constant 16 : index
    %get3A_166 = tpu.vector_load %arg13[%get3A_165] {strides = array<i32>} : memref<128xi32, #tpu.memory_space<vmem>>, vector<16xi32>,
    %get3A_167 = vector.shape_cast %get3A_166 : vector<16xi32> to vector<16xi32>
    %get3A_168 = arith.constant 16 : index
    %get3A_169 = tpu.vector_load %arg14[%get3A_168] {strides = array<i32>} : memref<128xi32, #tpu.memory_space<vmem>>, vector<16xi32>,
    %get3A_170 = vector.shape_cast %get3A_169 : vector<16xi32> to vector<16xi32>
    %slice3A_171 = vector.extract_strided_slice %get3A_167 {offsets = [0], sizes = [1], strides = [1]} : vector<16xi32> to vector<1xi32>
    %squeeze3A_172 = vector.extract %slice3A_171[0] : i32 from vector<1xi32>
    %swap3A_173 = arith.constant 16 : i32
    %swap3A_174 = arith.index_cast %swap3A_173 : i32 to index
    %swap3A_175 = memref.load %arg11[%swap3A_174] : memref<128xi32, #tpu.memory_space<smem>>
    memref.store %squeeze3A_172, %arg11[%swap3A_174] : memref<128xi32, #tpu.memory_space<smem>>
    %slice3A_176 = vector.extract_strided_slice %get3A_170 {offsets = [0], sizes = [1], strides = [1]} : vector<16xi32> to vector<1xi32>
    %squeeze3A_177 = vector.extract %slice3A_176[0] : i32 from vector<1xi32>
    %swap3A_178 = arith.constant 16 : i32
    %swap3A_179 = arith.index_cast %swap3A_178 : i32 to index
    %swap3A_180 = memref.load %arg12[%swap3A_179] : memref<128xi32, #tpu.memory_space<smem>>
    memref.store %squeeze3A_177, %arg12[%swap3A_179] : memref<128xi32, #tpu.memory_space<smem>>
    %slice3A_181 = vector.extract_strided_slice %get3A_167 {offsets = [1], sizes = [1], strides = [1]} : vector<16xi32> to vector<1xi32>
    %squeeze3A_182 = vector.extract %slice3A_181[0] : i32 from vector<1xi32>
    %swap3A_183 = arith.constant 17 : i32
    %swap3A_184 = arith.index_cast %swap3A_183 : i32 to index
    %swap3A_185 = memref.load %arg11[%swap3A_184] : memref<128xi32, #tpu.memory_space<smem>>
    memref.store %squeeze3A_182, %arg11[%swap3A_184] : memref<128xi32, #tpu.memory_space<smem>>
    %slice3A_186 = vector.extract_strided_slice %get3A_170 {offsets = [1], sizes = [1], strides = [1]} : vector<16xi32> to vector<1xi32>
    %squeeze3A_187 = vector.extract %slice3A_186[0] : i32 from vector<1xi32>
    %swap3A_188 = arith.constant 17 : i32
    %swap3A_189 = arith.index_cast %swap3A_188 : i32 to index
    %swap3A_190 = memref.load %arg12[%swap3A_189] : memref<128xi32, #tpu.memory_space<smem>>
    memref.store %squeeze3A_187, %arg12[%swap3A_189] : memref<128xi32, #tpu.memory_space<smem>>
    %slice3A_191 = vector.extract_strided_slice %get3A_167 {offsets = [2], sizes = [1], strides = [1]} : vector<16xi32> to vector<1xi32>
    %squeeze3A_192 = vector.extract %slice3A_191[0] : i32 from vector<1xi32>
    %swap3A_193 = arith.constant 18 : i32
    %swap3A_194 = arith.index_cast %swap3A_193 : i32 to index
    %swap3A_195 = memref.load %arg11[%swap3A_194] : memref<128xi32, #tpu.memory_space<smem>>
    memref.store %squeeze3A_192, %arg11[%swap3A_194] : memref<128xi32, #tpu.memory_space<smem>>
    %slice3A_196 = vector.extract_strided_slice %get3A_170 {offsets = [2], sizes = [1], strides = [1]} : vector<16xi32> to vector<1xi32>
    %squeeze3A_197 = vector.extract %slice3A_196[0] : i32 from vector<1xi32>
    %swap3A_198 = arith.constant 18 : i32
    %swap3A_199 = arith.index_cast %swap3A_198 : i32 to index
    %swap3A_200 = memref.load %arg12[%swap3A_199] : memref<128xi32, #tpu.memory_space<smem>>
    memref.store %squeeze3A_197, %arg12[%swap3A_199] : memref<128xi32, #tpu.memory_space<smem>>
    %slice3A_201 = vector.extract_strided_slice %get3A_167 {offsets = [3], sizes = [1], strides = [1]} : vector<16xi32> to vector<1xi32>
    %squeeze3A_202 = vector.extract %slice3A_201[0] : i32 from vector<1xi32>
    %swap3A_203 = arith.constant 19 : i32
    %swap3A_204 = arith.index_cast %swap3A_203 : i32 to index
    %swap3A_205 = memref.load %arg11[%swap3A_204] : memref<128xi32, #tpu.memory_space<smem>>
    memref.store %squeeze3A_202, %arg11[%swap3A_204] : memref<128xi32, #tpu.memory_space<smem>>
    %slice3A_206 = vector.extract_strided_slice %get3A_170 {offsets = [3], sizes = [1], strides = [1]} : vector<16xi32> to vector<1xi32>
    %squeeze3A_207 = vector.extract %slice3A_206[0] : i32 from vector<1xi32>
    %swap3A_208 = arith.constant 19 : i32
    %swap3A_209 = arith.index_cast %swap3A_208 : i32 to index
    %swap3A_210 = memref.load %arg12[%swap3A_209] : memref<128xi32, #tpu.memory_space<smem>>
    memref.store %squeeze3A_207, %arg12[%swap3A_209] : memref<128xi32, #tpu.memory_space<smem>>
    %slice3A_211 = vector.extract_strided_slice %get3A_167 {offsets = [4], sizes = [1], strides = [1]} : vector<16xi32> to vector<1xi32>
    %squeeze3A_212 = vector.extract %slice3A_211[0] : i32 from vector<1xi32>
    %swap3A_213 = arith.constant 20 : i32
    %swap3A_214 = arith.index_cast %swap3A_213 : i32 to index
    %swap3A_215 = memref.load %arg11[%swap3A_214] : memref<128xi32, #tpu.memory_space<smem>>
    memref.store %squeeze3A_212, %arg11[%swap3A_214] : memref<128xi32, #tpu.memory_space<smem>>
    %slice3A_216 = vector.extract_strided_slice %get3A_170 {offsets = [4], sizes = [1], strides = [1]} : vector<16xi32> to vector<1xi32>
    %squeeze3A_217 = vector.extract %slice3A_216[0] : i32 from vector<1xi32>
    %swap3A_218 = arith.constant 20 : i32
    %swap3A_219 = arith.index_cast %swap3A_218 : i32 to index
    %swap3A_220 = memref.load %arg12[%swap3A_219] : memref<128xi32, #tpu.memory_space<smem>>
    memref.store %squeeze3A_217, %arg12[%swap3A_219] : memref<128xi32, #tpu.memory_space<smem>>
    %slice3A_221 = vector.extract_strided_slice %get3A_167 {offsets = [5], sizes = [1], strides = [1]} : vector<16xi32> to vector<1xi32>
    %squeeze3A_222 = vector.extract %slice3A_221[0] : i32 from vector<1xi32>
    %swap3A_223 = arith.constant 21 : i32
    %swap3A_224 = arith.index_cast %swap3A_223 : i32 to index
    %swap3A_225 = memref.load %arg11[%swap3A_224] : memref<128xi32, #tpu.memory_space<smem>>
    memref.store %squeeze3A_222, %arg11[%swap3A_224] : memref<128xi32, #tpu.memory_space<smem>>
    %slice3A_226 = vector.extract_strided_slice %get3A_170 {offsets = [5], sizes = [1], strides = [1]} : vector<16xi32> to vector<1xi32>
    %squeeze3A_227 = vector.extract %slice3A_226[0] : i32 from vector<1xi32>
    %swap3A_228 = arith.constant 21 : i32
    %swap3A_229 = arith.index_cast %swap3A_228 : i32 to index
    %swap3A_230 = memref.load %arg12[%swap3A_229] : memref<128xi32, #tpu.memory_space<smem>>
    memref.store %squeeze3A_227, %arg12[%swap3A_229] : memref<128xi32, #tpu.memory_space<smem>>
    %slice3A_231 = vector.extract_strided_slice %get3A_167 {offsets = [6], sizes = [1], strides = [1]} : vector<16xi32> to vector<1xi32>
    %squeeze3A_232 = vector.extract %slice3A_231[0] : i32 from vector<1xi32>
    %swap3A_233 = arith.constant 22 : i32
    %swap3A_234 = arith.index_cast %swap3A_233 : i32 to index
    %swap3A_235 = memref.load %arg11[%swap3A_234] : memref<128xi32, #tpu.memory_space<smem>>
    memref.store %squeeze3A_232, %arg11[%swap3A_234] : memref<128xi32, #tpu.memory_space<smem>>
    %slice3A_236 = vector.extract_strided_slice %get3A_170 {offsets = [6], sizes = [1], strides = [1]} : vector<16xi32> to vector<1xi32>
    %squeeze3A_237 = vector.extract %slice3A_236[0] : i32 from vector<1xi32>
    %swap3A_238 = arith.constant 22 : i32
    %swap3A_239 = arith.index_cast %swap3A_238 : i32 to index
    %swap3A_240 = memref.load %arg12[%swap3A_239] : memref<128xi32, #tpu.memory_space<smem>>
    memref.store %squeeze3A_237, %arg12[%swap3A_239] : memref<128xi32, #tpu.memory_space<smem>>
    %slice3A_241 = vector.extract_strided_slice %get3A_167 {offsets = [7], sizes = [1], strides = [1]} : vector<16xi32> to vector<1xi32>
    %squeeze3A_242 = vector.extract %slice3A_241[0] : i32 from vector<1xi32>
    %swap3A_243 = arith.constant 23 : i32
    %swap3A_244 = arith.index_cast %swap3A_243 : i32 to index
    %swap3A_245 = memref.load %arg11[%swap3A_244] : memref<128xi32, #tpu.memory_space<smem>>
    memref.store %squeeze3A_242, %arg11[%swap3A_244] : memref<128xi32, #tpu.memory_space<smem>>
    %slice3A_246 = vector.extract_strided_slice %get3A_170 {offsets = [7], sizes = [1], strides = [1]} : vector<16xi32> to vector<1xi32>
    %squeeze3A_247 = vector.extract %slice3A_246[0] : i32 from vector<1xi32>
    %swap3A_248 = arith.constant 23 : i32
    %swap3A_249 = arith.index_cast %swap3A_248 : i32 to index
    %swap3A_250 = memref.load %arg12[%swap3A_249] : memref<128xi32, #tpu.memory_space<smem>>
    memref.store %squeeze3A_247, %arg12[%swap3A_249] : memref<128xi32, #tpu.memory_space<smem>>
    %slice3A_251 = vector.extract_strided_slice %get3A_167 {offsets = [8], sizes = [1], strides = [1]} : vector<16xi32> to vector<1xi32>
    %squeeze3A_252 = vector.extract %slice3A_251[0] : i32 from vector<1xi32>
    %swap3A_253 = arith.constant 24 : i32
    %swap3A_254 = arith.index_cast %swap3A_253 : i32 to index
    %swap3A_255 = memref.load %arg11[%swap3A_254] : memref<128xi32, #tpu.memory_space<smem>>
    memref.store %squeeze3A_252, %arg11[%swap3A_254] : memref<128xi32, #tpu.memory_space<smem>>
    %slice3A_256 = vector.extract_strided_slice %get3A_170 {offsets = [8], sizes = [1], strides = [1]} : vector<16xi32> to vector<1xi32>
    %squeeze3A_257 = vector.extract %slice3A_256[0] : i32 from vector<1xi32>
    %swap3A_258 = arith.constant 24 : i32
    %swap3A_259 = arith.index_cast %swap3A_258 : i32 to index
    %swap3A_260 = memref.load %arg12[%swap3A_259] : memref<128xi32, #tpu.memory_space<smem>>
    memref.store %squeeze3A_257, %arg12[%swap3A_259] : memref<128xi32, #tpu.memory_space<smem>>
    %slice3A_261 = vector.extract_strided_slice %get3A_167 {offsets = [9], sizes = [1], strides = [1]} : vector<16xi32> to vector<1xi32>
    %squeeze3A_262 = vector.extract %slice3A_261[0] : i32 from vector<1xi32>
    %swap3A_263 = arith.constant 25 : i32
    %swap3A_264 = arith.index_cast %swap3A_263 : i32 to index
    %swap3A_265 = memref.load %arg11[%swap3A_264] : memref<128xi32, #tpu.memory_space<smem>>
    memref.store %squeeze3A_262, %arg11[%swap3A_264] : memref<128xi32, #tpu.memory_space<smem>>
    %slice3A_266 = vector.extract_strided_slice %get3A_170 {offsets = [9], sizes = [1], strides = [1]} : vector<16xi32> to vector<1xi32>
    %squeeze3A_267 = vector.extract %slice3A_266[0] : i32 from vector<1xi32>
    %swap3A_268 = arith.constant 25 : i32
    %swap3A_269 = arith.index_cast %swap3A_268 : i32 to index
    %swap3A_270 = memref.load %arg12[%swap3A_269] : memref<128xi32, #tpu.memory_space<smem>>
    memref.store %squeeze3A_267, %arg12[%swap3A_269] : memref<128xi32, #tpu.memory_space<smem>>
    %slice3A_271 = vector.extract_strided_slice %get3A_167 {offsets = [10], sizes = [1], strides = [1]} : vector<16xi32> to vector<1xi32>
    %squeeze3A_272 = vector.extract %slice3A_271[0] : i32 from vector<1xi32>
    %swap3A_273 = arith.constant 26 : i32
    %swap3A_274 = arith.index_cast %swap3A_273 : i32 to index
    %swap3A_275 = memref.load %arg11[%swap3A_274] : memref<128xi32, #tpu.memory_space<smem>>
    memref.store %squeeze3A_272, %arg11[%swap3A_274] : memref<128xi32, #tpu.memory_space<smem>>
    %slice3A_276 = vector.extract_strided_slice %get3A_170 {offsets = [10], sizes = [1], strides = [1]} : vector<16xi32> to vector<1xi32>
    %squeeze3A_277 = vector.extract %slice3A_276[0] : i32 from vector<1xi32>
    %swap3A_278 = arith.constant 26 : i32
    %swap3A_279 = arith.index_cast %swap3A_278 : i32 to index
    %swap3A_280 = memref.load %arg12[%swap3A_279] : memref<128xi32, #tpu.memory_space<smem>>
    memref.store %squeeze3A_277, %arg12[%swap3A_279] : memref<128xi32, #tpu.memory_space<smem>>
    %slice3A_281 = vector.extract_strided_slice %get3A_167 {offsets = [11], sizes = [1], strides = [1]} : vector<16xi32> to vector<1xi32>
    %squeeze3A_282 = vector.extract %slice3A_281[0] : i32 from vector<1xi32>
    %swap3A_283 = arith.constant 27 : i32
    %swap3A_284 = arith.index_cast %swap3A_283 : i32 to index
    %swap3A_285 = memref.load %arg11[%swap3A_284] : memref<128xi32, #tpu.memory_space<smem>>
    memref.store %squeeze3A_282, %arg11[%swap3A_284] : memref<128xi32, #tpu.memory_space<smem>>
    %slice3A_286 = vector.extract_strided_slice %get3A_170 {offsets = [11], sizes = [1], strides = [1]} : vector<16xi32> to vector<1xi32>
    %squeeze3A_287 = vector.extract %slice3A_286[0] : i32 from vector<1xi32>
    %swap3A_288 = arith.constant 27 : i32
    %swap3A_289 = arith.index_cast %swap3A_288 : i32 to index
    %swap3A_290 = memref.load %arg12[%swap3A_289] : memref<128xi32, #tpu.memory_space<smem>>
    memref.store %squeeze3A_287, %arg12[%swap3A_289] : memref<128xi32, #tpu.memory_space<smem>>
    %slice3A_291 = vector.extract_strided_slice %get3A_167 {offsets = [12], sizes = [1], strides = [1]} : vector<16xi32> to vector<1xi32>
    %squeeze3A_292 = vector.extract %slice3A_291[0] : i32 from vector<1xi32>
    %swap3A_293 = arith.constant 28 : i32
    %swap3A_294 = arith.index_cast %swap3A_293 : i32 to index
    %swap3A_295 = memref.load %arg11[%swap3A_294] : memref<128xi32, #tpu.memory_space<smem>>
    memref.store %squeeze3A_292, %arg11[%swap3A_294] : memref<128xi32, #tpu.memory_space<smem>>
    %slice3A_296 = vector.extract_strided_slice %get3A_170 {offsets = [12], sizes = [1], strides = [1]} : vector<16xi32> to vector<1xi32>
    %squeeze3A_297 = vector.extract %slice3A_296[0] : i32 from vector<1xi32>
    %swap3A_298 = arith.constant 28 : i32
    %swap3A_299 = arith.index_cast %swap3A_298 : i32 to index
    %swap3A_300 = memref.load %arg12[%swap3A_299] : memref<128xi32, #tpu.memory_space<smem>>
    memref.store %squeeze3A_297, %arg12[%swap3A_299] : memref<128xi32, #tpu.memory_space<smem>>
    %slice3A_301 = vector.extract_strided_slice %get3A_167 {offsets = [13], sizes = [1], strides = [1]} : vector<16xi32> to vector<1xi32>
    %squeeze3A_302 = vector.extract %slice3A_301[0] : i32 from vector<1xi32>
    %swap3A_303 = arith.constant 29 : i32
    %swap3A_304 = arith.index_cast %swap3A_303 : i32 to index
    %swap3A_305 = memref.load %arg11[%swap3A_304] : memref<128xi32, #tpu.memory_space<smem>>
    memref.store %squeeze3A_302, %arg11[%swap3A_304] : memref<128xi32, #tpu.memory_space<smem>>
    %slice3A_306 = vector.extract_strided_slice %get3A_170 {offsets = [13], sizes = [1], strides = [1]} : vector<16xi32> to vector<1xi32>
    %squeeze3A_307 = vector.extract %slice3A_306[0] : i32 from vector<1xi32>
    %swap3A_308 = arith.constant 29 : i32
    %swap3A_309 = arith.index_cast %swap3A_308 : i32 to index
    %swap3A_310 = memref.load %arg12[%swap3A_309] : memref<128xi32, #tpu.memory_space<smem>>
    memref.store %squeeze3A_307, %arg12[%swap3A_309] : memref<128xi32, #tpu.memory_space<smem>>
    %slice3A_311 = vector.extract_strided_slice %get3A_167 {offsets = [14], sizes = [1], strides = [1]} : vector<16xi32> to vector<1xi32>
    %squeeze3A_312 = vector.extract %slice3A_311[0] : i32 from vector<1xi32>
    %swap3A_313 = arith.constant 30 : i32
    %swap3A_314 = arith.index_cast %swap3A_313 : i32 to index
    %swap3A_315 = memref.load %arg11[%swap3A_314] : memref<128xi32, #tpu.memory_space<smem>>
    memref.store %squeeze3A_312, %arg11[%swap3A_314] : memref<128xi32, #tpu.memory_space<smem>>
    %slice3A_316 = vector.extract_strided_slice %get3A_170 {offsets = [14], sizes = [1], strides = [1]} : vector<16xi32> to vector<1xi32>
    %squeeze3A_317 = vector.extract %slice3A_316[0] : i32 from vector<1xi32>
    %swap3A_318 = arith.constant 30 : i32
    %swap3A_319 = arith.index_cast %swap3A_318 : i32 to index
    %swap3A_320 = memref.load %arg12[%swap3A_319] : memref<128xi32, #tpu.memory_space<smem>>
    memref.store %squeeze3A_317, %arg12[%swap3A_319] : memref<128xi32, #tpu.memory_space<smem>>
    %slice3A_321 = vector.extract_strided_slice %get3A_167 {offsets = [15], sizes = [1], strides = [1]} : vector<16xi32> to vector<1xi32>
    %squeeze3A_322 = vector.extract %slice3A_321[0] : i32 from vector<1xi32>
    %swap3A_323 = arith.constant 31 : i32
    %swap3A_324 = arith.index_cast %swap3A_323 : i32 to index
    %swap3A_325 = memref.load %arg11[%swap3A_324] : memref<128xi32, #tpu.memory_space<smem>>
    memref.store %squeeze3A_322, %arg11[%swap3A_324] : memref<128xi32, #tpu.memory_space<smem>>
    %slice3A_326 = vector.extract_strided_slice %get3A_170 {offsets = [15], sizes = [1], strides = [1]} : vector<16xi32> to vector<1xi32>
    %squeeze3A_327 = vector.extract %slice3A_326[0] : i32 from vector<1xi32>
    %swap3A_328 = arith.constant 31 : i32
    %swap3A_329 = arith.index_cast %swap3A_328 : i32 to index
    %swap3A_330 = memref.load %arg12[%swap3A_329] : memref<128xi32, #tpu.memory_space<smem>>
    memref.store %squeeze3A_327, %arg12[%swap3A_329] : memref<128xi32, #tpu.memory_space<smem>>
    %get3A_331 = arith.constant 32 : index
    %get3A_332 = tpu.vector_load %arg13[%get3A_331] {strides = array<i32>} : memref<128xi32, #tpu.memory_space<vmem>>, vector<16xi32>,
    %get3A_333 = vector.shape_cast %get3A_332 : vector<16xi32> to vector<16xi32>
    %get3A_334 = arith.constant 32 : index
    %get3A_335 = tpu.vector_load %arg14[%get3A_334] {strides = array<i32>} : memref<128xi32, #tpu.memory_space<vmem>>, vector<16xi32>,
    %get3A_336 = vector.shape_cast %get3A_335 : vector<16xi32> to vector<16xi32>
    %slice3A_337 = vector.extract_strided_slice %get3A_333 {offsets = [0], sizes = [1], strides = [1]} : vector<16xi32> to vector<1xi32>
    %squeeze3A_338 = vector.extract %slice3A_337[0] : i32 from vector<1xi32>
    %swap3A_339 = arith.constant 32 : i32
    %swap3A_340 = arith.index_cast %swap3A_339 : i32 to index
    %swap3A_341 = memref.load %arg11[%swap3A_340] : memref<128xi32, #tpu.memory_space<smem>>
    memref.store %squeeze3A_338, %arg11[%swap3A_340] : memref<128xi32, #tpu.memory_space<smem>>
    %slice3A_342 = vector.extract_strided_slice %get3A_336 {offsets = [0], sizes = [1], strides = [1]} : vector<16xi32> to vector<1xi32>
    %squeeze3A_343 = vector.extract %slice3A_342[0] : i32 from vector<1xi32>
    %swap3A_344 = arith.constant 32 : i32
    %swap3A_345 = arith.index_cast %swap3A_344 : i32 to index
    %swap3A_346 = memref.load %arg12[%swap3A_345] : memref<128xi32, #tpu.memory_space<smem>>
    memref.store %squeeze3A_343, %arg12[%swap3A_345] : memref<128xi32, #tpu.memory_space<smem>>
    %slice3A_347 = vector.extract_strided_slice %get3A_333 {offsets = [1], sizes = [1], strides = [1]} : vector<16xi32> to vector<1xi32>
    %squeeze3A_348 = vector.extract %slice3A_347[0] : i32 from vector<1xi32>
    %swap3A_349 = arith.constant 33 : i32
    %swap3A_350 = arith.index_cast %swap3A_349 : i32 to index
    %swap3A_351 = memref.load %arg11[%swap3A_350] : memref<128xi32, #tpu.memory_space<smem>>
    memref.store %squeeze3A_348, %arg11[%swap3A_350] : memref<128xi32, #tpu.memory_space<smem>>
    %slice3A_352 = vector.extract_strided_slice %get3A_336 {offsets = [1], sizes = [1], strides = [1]} : vector<16xi32> to vector<1xi32>
    %squeeze3A_353 = vector.extract %slice3A_352[0] : i32 from vector<1xi32>
    %swap3A_354 = arith.constant 33 : i32
    %swap3A_355 = arith.index_cast %swap3A_354 : i32 to index
    %swap3A_356 = memref.load %arg12[%swap3A_355] : memref<128xi32, #tpu.memory_space<smem>>
    memref.store %squeeze3A_353, %arg12[%swap3A_355] : memref<128xi32, #tpu.memory_space<smem>>
    %slice3A_357 = vector.extract_strided_slice %get3A_333 {offsets = [2], sizes = [1], strides = [1]} : vector<16xi32> to vector<1xi32>
    %squeeze3A_358 = vector.extract %slice3A_357[0] : i32 from vector<1xi32>
    %swap3A_359 = arith.constant 34 : i32
    %swap3A_360 = arith.index_cast %swap3A_359 : i32 to index
    %swap3A_361 = memref.load %arg11[%swap3A_360] : memref<128xi32, #tpu.memory_space<smem>>
    memref.store %squeeze3A_358, %arg11[%swap3A_360] : memref<128xi32, #tpu.memory_space<smem>>
    %slice3A_362 = vector.extract_strided_slice %get3A_336 {offsets = [2], sizes = [1], strides = [1]} : vector<16xi32> to vector<1xi32>
    %squeeze3A_363 = vector.extract %slice3A_362[0] : i32 from vector<1xi32>
    %swap3A_364 = arith.constant 34 : i32
    %swap3A_365 = arith.index_cast %swap3A_364 : i32 to index
    %swap3A_366 = memref.load %arg12[%swap3A_365] : memref<128xi32, #tpu.memory_space<smem>>
    memref.store %squeeze3A_363, %arg12[%swap3A_365] : memref<128xi32, #tpu.memory_space<smem>>
    %slice3A_367 = vector.extract_strided_slice %get3A_333 {offsets = [3], sizes = [1], strides = [1]} : vector<16xi32> to vector<1xi32>
    %squeeze3A_368 = vector.extract %slice3A_367[0] : i32 from vector<1xi32>
    %swap3A_369 = arith.constant 35 : i32
    %swap3A_370 = arith.index_cast %swap3A_369 : i32 to index
    %swap3A_371 = memref.load %arg11[%swap3A_370] : memref<128xi32, #tpu.memory_space<smem>>
    memref.store %squeeze3A_368, %arg11[%swap3A_370] : memref<128xi32, #tpu.memory_space<smem>>
    %slice3A_372 = vector.extract_strided_slice %get3A_336 {offsets = [3], sizes = [1], strides = [1]} : vector<16xi32> to vector<1xi32>
    %squeeze3A_373 = vector.extract %slice3A_372[0] : i32 from vector<1xi32>
    %swap3A_374 = arith.constant 35 : i32
    %swap3A_375 = arith.index_cast %swap3A_374 : i32 to index
    %swap3A_376 = memref.load %arg12[%swap3A_375] : memref<128xi32, #tpu.memory_space<smem>>
    memref.store %squeeze3A_373, %arg12[%swap3A_375] : memref<128xi32, #tpu.memory_space<smem>>
    %slice3A_377 = vector.extract_strided_slice %get3A_333 {offsets = [4], sizes = [1], strides = [1]} : vector<16xi32> to vector<1xi32>
    %squeeze3A_378 = vector.extract %slice3A_377[0] : i32 from vector<1xi32>
    %swap3A_379 = arith.constant 36 : i32
    %swap3A_380 = arith.index_cast %swap3A_379 : i32 to index
    %swap3A_381 = memref.load %arg11[%swap3A_380] : memref<128xi32, #tpu.memory_space<smem>>
    memref.store %squeeze3A_378, %arg11[%swap3A_380] : memref<128xi32, #tpu.memory_space<smem>>
    %slice3A_382 = vector.extract_strided_slice %get3A_336 {offsets = [4], sizes = [1], strides = [1]} : vector<16xi32> to vector<1xi32>
    %squeeze3A_383 = vector.extract %slice3A_382[0] : i32 from vector<1xi32>
    %swap3A_384 = arith.constant 36 : i32
    %swap3A_385 = arith.index_cast %swap3A_384 : i32 to index
    %swap3A_386 = memref.load %arg12[%swap3A_385] : memref<128xi32, #tpu.memory_space<smem>>
    memref.store %squeeze3A_383, %arg12[%swap3A_385] : memref<128xi32, #tpu.memory_space<smem>>
    %slice3A_387 = vector.extract_strided_slice %get3A_333 {offsets = [5], sizes = [1], strides = [1]} : vector<16xi32> to vector<1xi32>
    %squeeze3A_388 = vector.extract %slice3A_387[0] : i32 from vector<1xi32>
    %swap3A_389 = arith.constant 37 : i32
    %swap3A_390 = arith.index_cast %swap3A_389 : i32 to index
    %swap3A_391 = memref.load %arg11[%swap3A_390] : memref<128xi32, #tpu.memory_space<smem>>
    memref.store %squeeze3A_388, %arg11[%swap3A_390] : memref<128xi32, #tpu.memory_space<smem>>
    %slice3A_392 = vector.extract_strided_slice %get3A_336 {offsets = [5], sizes = [1], strides = [1]} : vector<16xi32> to vector<1xi32>
    %squeeze3A_393 = vector.extract %slice3A_392[0] : i32 from vector<1xi32>
    %swap3A_394 = arith.constant 37 : i32
    %swap3A_395 = arith.index_cast %swap3A_394 : i32 to index
    %swap3A_396 = memref.load %arg12[%swap3A_395] : memref<128xi32, #tpu.memory_space<smem>>
    memref.store %squeeze3A_393, %arg12[%swap3A_395] : memref<128xi32, #tpu.memory_space<smem>>
    %slice3A_397 = vector.extract_strided_slice %get3A_333 {offsets = [6], sizes = [1], strides = [1]} : vector<16xi32> to vector<1xi32>
    %squeeze3A_398 = vector.extract %slice3A_397[0] : i32 from vector<1xi32>
    %swap3A_399 = arith.constant 38 : i32
    %swap3A_400 = arith.index_cast %swap3A_399 : i32 to index
    %swap3A_401 = memref.load %arg11[%swap3A_400] : memref<128xi32, #tpu.memory_space<smem>>
    memref.store %squeeze3A_398, %arg11[%swap3A_400] : memref<128xi32, #tpu.memory_space<smem>>
    %slice3A_402 = vector.extract_strided_slice %get3A_336 {offsets = [6], sizes = [1], strides = [1]} : vector<16xi32> to vector<1xi32>
    %squeeze3A_403 = vector.extract %slice3A_402[0] : i32 from vector<1xi32>
    %swap3A_404 = arith.constant 38 : i32
    %swap3A_405 = arith.index_cast %swap3A_404 : i32 to index
    %swap3A_406 = memref.load %arg12[%swap3A_405] : memref<128xi32, #tpu.memory_space<smem>>
    memref.store %squeeze3A_403, %arg12[%swap3A_405] : memref<128xi32, #tpu.memory_space<smem>>
    %slice3A_407 = vector.extract_strided_slice %get3A_333 {offsets = [7], sizes = [1], strides = [1]} : vector<16xi32> to vector<1xi32>
    %squeeze3A_408 = vector.extract %slice3A_407[0] : i32 from vector<1xi32>
    %swap3A_409 = arith.constant 39 : i32
    %swap3A_410 = arith.index_cast %swap3A_409 : i32 to index
    %swap3A_411 = memref.load %arg11[%swap3A_410] : memref<128xi32, #tpu.memory_space<smem>>
    memref.store %squeeze3A_408, %arg11[%swap3A_410] : memref<128xi32, #tpu.memory_space<smem>>
    %slice3A_412 = vector.extract_strided_slice %get3A_336 {offsets = [7], sizes = [1], strides = [1]} : vector<16xi32> to vector<1xi32>
    %squeeze3A_413 = vector.extract %slice3A_412[0] : i32 from vector<1xi32>
    %swap3A_414 = arith.constant 39 : i32
    %swap3A_415 = arith.index_cast %swap3A_414 : i32 to index
    %swap3A_416 = memref.load %arg12[%swap3A_415] : memref<128xi32, #tpu.memory_space<smem>>
    memref.store %squeeze3A_413, %arg12[%swap3A_415] : memref<128xi32, #tpu.memory_space<smem>>
    %slice3A_417 = vector.extract_strided_slice %get3A_333 {offsets = [8], sizes = [1], strides = [1]} : vector<16xi32> to vector<1xi32>
    %squeeze3A_418 = vector.extract %slice3A_417[0] : i32 from vector<1xi32>
    %swap3A_419 = arith.constant 40 : i32
    %swap3A_420 = arith.index_cast %swap3A_419 : i32 to index
    %swap3A_421 = memref.load %arg11[%swap3A_420] : memref<128xi32, #tpu.memory_space<smem>>
    memref.store %squeeze3A_418, %arg11[%swap3A_420] : memref<128xi32, #tpu.memory_space<smem>>
    %slice3A_422 = vector.extract_strided_slice %get3A_336 {offsets = [8], sizes = [1], strides = [1]} : vector<16xi32> to vector<1xi32>
    %squeeze3A_423 = vector.extract %slice3A_422[0] : i32 from vector<1xi32>
    %swap3A_424 = arith.constant 40 : i32
    %swap3A_425 = arith.index_cast %swap3A_424 : i32 to index
    %swap3A_426 = memref.load %arg12[%swap3A_425] : memref<128xi32, #tpu.memory_space<smem>>
    memref.store %squeeze3A_423, %arg12[%swap3A_425] : memref<128xi32, #tpu.memory_space<smem>>
    %slice3A_427 = vector.extract_strided_slice %get3A_333 {offsets = [9], sizes = [1], strides = [1]} : vector<16xi32> to vector<1xi32>
    %squeeze3A_428 = vector.extract %slice3A_427[0] : i32 from vector<1xi32>
    %swap3A_429 = arith.constant 41 : i32
    %swap3A_430 = arith.index_cast %swap3A_429 : i32 to index
    %swap3A_431 = memref.load %arg11[%swap3A_430] : memref<128xi32, #tpu.memory_space<smem>>
    memref.store %squeeze3A_428, %arg11[%swap3A_430] : memref<128xi32, #tpu.memory_space<smem>>
    %slice3A_432 = vector.extract_strided_slice %get3A_336 {offsets = [9], sizes = [1], strides = [1]} : vector<16xi32> to vector<1xi32>
    %squeeze3A_433 = vector.extract %slice3A_432[0] : i32 from vector<1xi32>
    %swap3A_434 = arith.constant 41 : i32
    %swap3A_435 = arith.index_cast %swap3A_434 : i32 to index
    %swap3A_436 = memref.load %arg12[%swap3A_435] : memref<128xi32, #tpu.memory_space<smem>>
    memref.store %squeeze3A_433, %arg12[%swap3A_435] : memref<128xi32, #tpu.memory_space<smem>>
    %slice3A_437 = vector.extract_strided_slice %get3A_333 {offsets = [10], sizes = [1], strides = [1]} : vector<16xi32> to vector<1xi32>
    %squeeze3A_438 = vector.extract %slice3A_437[0] : i32 from vector<1xi32>
    %swap3A_439 = arith.constant 42 : i32
    %swap3A_440 = arith.index_cast %swap3A_439 : i32 to index
    %swap3A_441 = memref.load %arg11[%swap3A_440] : memref<128xi32, #tpu.memory_space<smem>>
    memref.store %squeeze3A_438, %arg11[%swap3A_440] : memref<128xi32, #tpu.memory_space<smem>>
    %slice3A_442 = vector.extract_strided_slice %get3A_336 {offsets = [10], sizes = [1], strides = [1]} : vector<16xi32> to vector<1xi32>
    %squeeze3A_443 = vector.extract %slice3A_442[0] : i32 from vector<1xi32>
    %swap3A_444 = arith.constant 42 : i32
    %swap3A_445 = arith.index_cast %swap3A_444 : i32 to index
    %swap3A_446 = memref.load %arg12[%swap3A_445] : memref<128xi32, #tpu.memory_space<smem>>
    memref.store %squeeze3A_443, %arg12[%swap3A_445] : memref<128xi32, #tpu.memory_space<smem>>
    %slice3A_447 = vector.extract_strided_slice %get3A_333 {offsets = [11], sizes = [1], strides = [1]} : vector<16xi32> to vector<1xi32>
    %squeeze3A_448 = vector.extract %slice3A_447[0] : i32 from vector<1xi32>
    %swap3A_449 = arith.constant 43 : i32
    %swap3A_450 = arith.index_cast %swap3A_449 : i32 to index
    %swap3A_451 = memref.load %arg11[%swap3A_450] : memref<128xi32, #tpu.memory_space<smem>>
    memref.store %squeeze3A_448, %arg11[%swap3A_450] : memref<128xi32, #tpu.memory_space<smem>>
    %slice3A_452 = vector.extract_strided_slice %get3A_336 {offsets = [11], sizes = [1], strides = [1]} : vector<16xi32> to vector<1xi32>
    %squeeze3A_453 = vector.extract %slice3A_452[0] : i32 from vector<1xi32>
    %swap3A_454 = arith.constant 43 : i32
    %swap3A_455 = arith.index_cast %swap3A_454 : i32 to index
    %swap3A_456 = memref.load %arg12[%swap3A_455] : memref<128xi32, #tpu.memory_space<smem>>
    memref.store %squeeze3A_453, %arg12[%swap3A_455] : memref<128xi32, #tpu.memory_space<smem>>
    %slice3A_457 = vector.extract_strided_slice %get3A_333 {offsets = [12], sizes = [1], strides = [1]} : vector<16xi32> to vector<1xi32>
    %squeeze3A_458 = vector.extract %slice3A_457[0] : i32 from vector<1xi32>
    %swap3A_459 = arith.constant 44 : i32
    %swap3A_460 = arith.index_cast %swap3A_459 : i32 to index
    %swap3A_461 = memref.load %arg11[%swap3A_460] : memref<128xi32, #tpu.memory_space<smem>>
    memref.store %squeeze3A_458, %arg11[%swap3A_460] : memref<128xi32, #tpu.memory_space<smem>>
    %slice3A_462 = vector.extract_strided_slice %get3A_336 {offsets = [12], sizes = [1], strides = [1]} : vector<16xi32> to vector<1xi32>
    %squeeze3A_463 = vector.extract %slice3A_462[0] : i32 from vector<1xi32>
    %swap3A_464 = arith.constant 44 : i32
    %swap3A_465 = arith.index_cast %swap3A_464 : i32 to index
    %swap3A_466 = memref.load %arg12[%swap3A_465] : memref<128xi32, #tpu.memory_space<smem>>
    memref.store %squeeze3A_463, %arg12[%swap3A_465] : memref<128xi32, #tpu.memory_space<smem>>
    %slice3A_467 = vector.extract_strided_slice %get3A_333 {offsets = [13], sizes = [1], strides = [1]} : vector<16xi32> to vector<1xi32>
    %squeeze3A_468 = vector.extract %slice3A_467[0] : i32 from vector<1xi32>
    %swap3A_469 = arith.constant 45 : i32
    %swap3A_470 = arith.index_cast %swap3A_469 : i32 to index
    %swap3A_471 = memref.load %arg11[%swap3A_470] : memref<128xi32, #tpu.memory_space<smem>>
    memref.store %squeeze3A_468, %arg11[%swap3A_470] : memref<128xi32, #tpu.memory_space<smem>>
    %slice3A_472 = vector.extract_strided_slice %get3A_336 {offsets = [13], sizes = [1], strides = [1]} : vector<16xi32> to vector<1xi32>
    %squeeze3A_473 = vector.extract %slice3A_472[0] : i32 from vector<1xi32>
    %swap3A_474 = arith.constant 45 : i32
    %swap3A_475 = arith.index_cast %swap3A_474 : i32 to index
    %swap3A_476 = memref.load %arg12[%swap3A_475] : memref<128xi32, #tpu.memory_space<smem>>
    memref.store %squeeze3A_473, %arg12[%swap3A_475] : memref<128xi32, #tpu.memory_space<smem>>
    %slice3A_477 = vector.extract_strided_slice %get3A_333 {offsets = [14], sizes = [1], strides = [1]} : vector<16xi32> to vector<1xi32>
    %squeeze3A_478 = vector.extract %slice3A_477[0] : i32 from vector<1xi32>
    %swap3A_479 = arith.constant 46 : i32
    %swap3A_480 = arith.index_cast %swap3A_479 : i32 to index
    %swap3A_481 = memref.load %arg11[%swap3A_480] : memref<128xi32, #tpu.memory_space<smem>>
    memref.store %squeeze3A_478, %arg11[%swap3A_480] : memref<128xi32, #tpu.memory_space<smem>>
    %slice3A_482 = vector.extract_strided_slice %get3A_336 {offsets = [14], sizes = [1], strides = [1]} : vector<16xi32> to vector<1xi32>
    %squeeze3A_483 = vector.extract %slice3A_482[0] : i32 from vector<1xi32>
    %swap3A_484 = arith.constant 46 : i32
    %swap3A_485 = arith.index_cast %swap3A_484 : i32 to index
    %swap3A_486 = memref.load %arg12[%swap3A_485] : memref<128xi32, #tpu.memory_space<smem>>
    memref.store %squeeze3A_483, %arg12[%swap3A_485] : memref<128xi32, #tpu.memory_space<smem>>
    %slice3A_487 = vector.extract_strided_slice %get3A_333 {offsets = [15], sizes = [1], strides = [1]} : vector<16xi32> to vector<1xi32>
    %squeeze3A_488 = vector.extract %slice3A_487[0] : i32 from vector<1xi32>
    %swap3A_489 = arith.constant 47 : i32
    %swap3A_490 = arith.index_cast %swap3A_489 : i32 to index
    %swap3A_491 = memref.load %arg11[%swap3A_490] : memref<128xi32, #tpu.memory_space<smem>>
    memref.store %squeeze3A_488, %arg11[%swap3A_490] : memref<128xi32, #tpu.memory_space<smem>>
    %slice3A_492 = vector.extract_strided_slice %get3A_336 {offsets = [15], sizes = [1], strides = [1]} : vector<16xi32> to vector<1xi32>
    %squeeze3A_493 = vector.extract %slice3A_492[0] : i32 from vector<1xi32>
    %swap3A_494 = arith.constant 47 : i32
    %swap3A_495 = arith.index_cast %swap3A_494 : i32 to index
    %swap3A_496 = memref.load %arg12[%swap3A_495] : memref<128xi32, #tpu.memory_space<smem>>
    memref.store %squeeze3A_493, %arg12[%swap3A_495] : memref<128xi32, #tpu.memory_space<smem>>
    %get3A_497 = arith.constant 48 : index
    %get3A_498 = tpu.vector_load %arg13[%get3A_497] {strides = array<i32>} : memref<128xi32, #tpu.memory_space<vmem>>, vector<16xi32>,
    %get3A_499 = vector.shape_cast %get3A_498 : vector<16xi32> to vector<16xi32>
    %get3A_500 = arith.constant 48 : index
    %get3A_501 = tpu.vector_load %arg14[%get3A_500] {strides = array<i32>} : memref<128xi32, #tpu.memory_space<vmem>>, vector<16xi32>,
    %get3A_502 = vector.shape_cast %get3A_501 : vector<16xi32> to vector<16xi32>
    %slice3A_503 = vector.extract_strided_slice %get3A_499 {offsets = [0], sizes = [1], strides = [1]} : vector<16xi32> to vector<1xi32>
    %squeeze3A_504 = vector.extract %slice3A_503[0] : i32 from vector<1xi32>
    %swap3A_505 = arith.constant 48 : i32
    %swap3A_506 = arith.index_cast %swap3A_505 : i32 to index
    %swap3A_507 = memref.load %arg11[%swap3A_506] : memref<128xi32, #tpu.memory_space<smem>>
    memref.store %squeeze3A_504, %arg11[%swap3A_506] : memref<128xi32, #tpu.memory_space<smem>>
    %slice3A_508 = vector.extract_strided_slice %get3A_502 {offsets = [0], sizes = [1], strides = [1]} : vector<16xi32> to vector<1xi32>
    %squeeze3A_509 = vector.extract %slice3A_508[0] : i32 from vector<1xi32>
    %swap3A_510 = arith.constant 48 : i32
    %swap3A_511 = arith.index_cast %swap3A_510 : i32 to index
    %swap3A_512 = memref.load %arg12[%swap3A_511] : memref<128xi32, #tpu.memory_space<smem>>
    memref.store %squeeze3A_509, %arg12[%swap3A_511] : memref<128xi32, #tpu.memory_space<smem>>
    %slice3A_513 = vector.extract_strided_slice %get3A_499 {offsets = [1], sizes = [1], strides = [1]} : vector<16xi32> to vector<1xi32>
    %squeeze3A_514 = vector.extract %slice3A_513[0] : i32 from vector<1xi32>
    %swap3A_515 = arith.constant 49 : i32
    %swap3A_516 = arith.index_cast %swap3A_515 : i32 to index
    %swap3A_517 = memref.load %arg11[%swap3A_516] : memref<128xi32, #tpu.memory_space<smem>>
    memref.store %squeeze3A_514, %arg11[%swap3A_516] : memref<128xi32, #tpu.memory_space<smem>>
    %slice3A_518 = vector.extract_strided_slice %get3A_502 {offsets = [1], sizes = [1], strides = [1]} : vector<16xi32> to vector<1xi32>
    %squeeze3A_519 = vector.extract %slice3A_518[0] : i32 from vector<1xi32>
    %swap3A_520 = arith.constant 49 : i32
    %swap3A_521 = arith.index_cast %swap3A_520 : i32 to index
    %swap3A_522 = memref.load %arg12[%swap3A_521] : memref<128xi32, #tpu.memory_space<smem>>
    memref.store %squeeze3A_519, %arg12[%swap3A_521] : memref<128xi32, #tpu.memory_space<smem>>
    %slice3A_523 = vector.extract_strided_slice %get3A_499 {offsets = [2], sizes = [1], strides = [1]} : vector<16xi32> to vector<1xi32>
    %squeeze3A_524 = vector.extract %slice3A_523[0] : i32 from vector<1xi32>
    %swap3A_525 = arith.constant 50 : i32
    %swap3A_526 = arith.index_cast %swap3A_525 : i32 to index
    %swap3A_527 = memref.load %arg11[%swap3A_526] : memref<128xi32, #tpu.memory_space<smem>>
    memref.store %squeeze3A_524, %arg11[%swap3A_526] : memref<128xi32, #tpu.memory_space<smem>>
    %slice3A_528 = vector.extract_strided_slice %get3A_502 {offsets = [2], sizes = [1], strides = [1]} : vector<16xi32> to vector<1xi32>
    %squeeze3A_529 = vector.extract %slice3A_528[0] : i32 from vector<1xi32>
    %swap3A_530 = arith.constant 50 : i32
    %swap3A_531 = arith.index_cast %swap3A_530 : i32 to index
    %swap3A_532 = memref.load %arg12[%swap3A_531] : memref<128xi32, #tpu.memory_space<smem>>
    memref.store %squeeze3A_529, %arg12[%swap3A_531] : memref<128xi32, #tpu.memory_space<smem>>
    %slice3A_533 = vector.extract_strided_slice %get3A_499 {offsets = [3], sizes = [1], strides = [1]} : vector<16xi32> to vector<1xi32>
    %squeeze3A_534 = vector.extract %slice3A_533[0] : i32 from vector<1xi32>
    %swap3A_535 = arith.constant 51 : i32
    %swap3A_536 = arith.index_cast %swap3A_535 : i32 to index
    %swap3A_537 = memref.load %arg11[%swap3A_536] : memref<128xi32, #tpu.memory_space<smem>>
    memref.store %squeeze3A_534, %arg11[%swap3A_536] : memref<128xi32, #tpu.memory_space<smem>>
    %slice3A_538 = vector.extract_strided_slice %get3A_502 {offsets = [3], sizes = [1], strides = [1]} : vector<16xi32> to vector<1xi32>
    %squeeze3A_539 = vector.extract %slice3A_538[0] : i32 from vector<1xi32>
    %swap3A_540 = arith.constant 51 : i32
    %swap3A_541 = arith.index_cast %swap3A_540 : i32 to index
    %swap3A_542 = memref.load %arg12[%swap3A_541] : memref<128xi32, #tpu.memory_space<smem>>
    memref.store %squeeze3A_539, %arg12[%swap3A_541] : memref<128xi32, #tpu.memory_space<smem>>
    %slice3A_543 = vector.extract_strided_slice %get3A_499 {offsets = [4], sizes = [1], strides = [1]} : vector<16xi32> to vector<1xi32>
    %squeeze3A_544 = vector.extract %slice3A_543[0] : i32 from vector<1xi32>
    %swap3A_545 = arith.constant 52 : i32
    %swap3A_546 = arith.index_cast %swap3A_545 : i32 to index
    %swap3A_547 = memref.load %arg11[%swap3A_546] : memref<128xi32, #tpu.memory_space<smem>>
    memref.store %squeeze3A_544, %arg11[%swap3A_546] : memref<128xi32, #tpu.memory_space<smem>>
    %slice3A_548 = vector.extract_strided_slice %get3A_502 {offsets = [4], sizes = [1], strides = [1]} : vector<16xi32> to vector<1xi32>
    %squeeze3A_549 = vector.extract %slice3A_548[0] : i32 from vector<1xi32>
    %swap3A_550 = arith.constant 52 : i32
    %swap3A_551 = arith.index_cast %swap3A_550 : i32 to index
    %swap3A_552 = memref.load %arg12[%swap3A_551] : memref<128xi32, #tpu.memory_space<smem>>
    memref.store %squeeze3A_549, %arg12[%swap3A_551] : memref<128xi32, #tpu.memory_space<smem>>
    %slice3A_553 = vector.extract_strided_slice %get3A_499 {offsets = [5], sizes = [1], strides = [1]} : vector<16xi32> to vector<1xi32>
    %squeeze3A_554 = vector.extract %slice3A_553[0] : i32 from vector<1xi32>
    %swap3A_555 = arith.constant 53 : i32
    %swap3A_556 = arith.index_cast %swap3A_555 : i32 to index
    %swap3A_557 = memref.load %arg11[%swap3A_556] : memref<128xi32, #tpu.memory_space<smem>>
    memref.store %squeeze3A_554, %arg11[%swap3A_556] : memref<128xi32, #tpu.memory_space<smem>>
    %slice3A_558 = vector.extract_strided_slice %get3A_502 {offsets = [5], sizes = [1], strides = [1]} : vector<16xi32> to vector<1xi32>
    %squeeze3A_559 = vector.extract %slice3A_558[0] : i32 from vector<1xi32>
    %swap3A_560 = arith.constant 53 : i32
    %swap3A_561 = arith.index_cast %swap3A_560 : i32 to index
    %swap3A_562 = memref.load %arg12[%swap3A_561] : memref<128xi32, #tpu.memory_space<smem>>
    memref.store %squeeze3A_559, %arg12[%swap3A_561] : memref<128xi32, #tpu.memory_space<smem>>
    %slice3A_563 = vector.extract_strided_slice %get3A_499 {offsets = [6], sizes = [1], strides = [1]} : vector<16xi32> to vector<1xi32>
    %squeeze3A_564 = vector.extract %slice3A_563[0] : i32 from vector<1xi32>
    %swap3A_565 = arith.constant 54 : i32
    %swap3A_566 = arith.index_cast %swap3A_565 : i32 to index
    %swap3A_567 = memref.load %arg11[%swap3A_566] : memref<128xi32, #tpu.memory_space<smem>>
    memref.store %squeeze3A_564, %arg11[%swap3A_566] : memref<128xi32, #tpu.memory_space<smem>>
    %slice3A_568 = vector.extract_strided_slice %get3A_502 {offsets = [6], sizes = [1], strides = [1]} : vector<16xi32> to vector<1xi32>
    %squeeze3A_569 = vector.extract %slice3A_568[0] : i32 from vector<1xi32>
    %swap3A_570 = arith.constant 54 : i32
    %swap3A_571 = arith.index_cast %swap3A_570 : i32 to index
    %swap3A_572 = memref.load %arg12[%swap3A_571] : memref<128xi32, #tpu.memory_space<smem>>
    memref.store %squeeze3A_569, %arg12[%swap3A_571] : memref<128xi32, #tpu.memory_space<smem>>
    %slice3A_573 = vector.extract_strided_slice %get3A_499 {offsets = [7], sizes = [1], strides = [1]} : vector<16xi32> to vector<1xi32>
    %squeeze3A_574 = vector.extract %slice3A_573[0] : i32 from vector<1xi32>
    %swap3A_575 = arith.constant 55 : i32
    %swap3A_576 = arith.index_cast %swap3A_575 : i32 to index
    %swap3A_577 = memref.load %arg11[%swap3A_576] : memref<128xi32, #tpu.memory_space<smem>>
    memref.store %squeeze3A_574, %arg11[%swap3A_576] : memref<128xi32, #tpu.memory_space<smem>>
    %slice3A_578 = vector.extract_strided_slice %get3A_502 {offsets = [7], sizes = [1], strides = [1]} : vector<16xi32> to vector<1xi32>
    %squeeze3A_579 = vector.extract %slice3A_578[0] : i32 from vector<1xi32>
    %swap3A_580 = arith.constant 55 : i32
    %swap3A_581 = arith.index_cast %swap3A_580 : i32 to index
    %swap3A_582 = memref.load %arg12[%swap3A_581] : memref<128xi32, #tpu.memory_space<smem>>
    memref.store %squeeze3A_579, %arg12[%swap3A_581] : memref<128xi32, #tpu.memory_space<smem>>
    %slice3A_583 = vector.extract_strided_slice %get3A_499 {offsets = [8], sizes = [1], strides = [1]} : vector<16xi32> to vector<1xi32>
    %squeeze3A_584 = vector.extract %slice3A_583[0] : i32 from vector<1xi32>
    %swap3A_585 = arith.constant 56 : i32
    %swap3A_586 = arith.index_cast %swap3A_585 : i32 to index
    %swap3A_587 = memref.load %arg11[%swap3A_586] : memref<128xi32, #tpu.memory_space<smem>>
    memref.store %squeeze3A_584, %arg11[%swap3A_586] : memref<128xi32, #tpu.memory_space<smem>>
    %slice3A_588 = vector.extract_strided_slice %get3A_502 {offsets = [8], sizes = [1], strides = [1]} : vector<16xi32> to vector<1xi32>
    %squeeze3A_589 = vector.extract %slice3A_588[0] : i32 from vector<1xi32>
    %swap3A_590 = arith.constant 56 : i32
    %swap3A_591 = arith.index_cast %swap3A_590 : i32 to index
    %swap3A_592 = memref.load %arg12[%swap3A_591] : memref<128xi32, #tpu.memory_space<smem>>
    memref.store %squeeze3A_589, %arg12[%swap3A_591] : memref<128xi32, #tpu.memory_space<smem>>
    %slice3A_593 = vector.extract_strided_slice %get3A_499 {offsets = [9], sizes = [1], strides = [1]} : vector<16xi32> to vector<1xi32>
    %squeeze3A_594 = vector.extract %slice3A_593[0] : i32 from vector<1xi32>
    %swap3A_595 = arith.constant 57 : i32
    %swap3A_596 = arith.index_cast %swap3A_595 : i32 to index
    %swap3A_597 = memref.load %arg11[%swap3A_596] : memref<128xi32, #tpu.memory_space<smem>>
    memref.store %squeeze3A_594, %arg11[%swap3A_596] : memref<128xi32, #tpu.memory_space<smem>>
    %slice3A_598 = vector.extract_strided_slice %get3A_502 {offsets = [9], sizes = [1], strides = [1]} : vector<16xi32> to vector<1xi32>
    %squeeze3A_599 = vector.extract %slice3A_598[0] : i32 from vector<1xi32>
    %swap3A_600 = arith.constant 57 : i32
    %swap3A_601 = arith.index_cast %swap3A_600 : i32 to index
    %swap3A_602 = memref.load %arg12[%swap3A_601] : memref<128xi32, #tpu.memory_space<smem>>
    memref.store %squeeze3A_599, %arg12[%swap3A_601] : memref<128xi32, #tpu.memory_space<smem>>
    %slice3A_603 = vector.extract_strided_slice %get3A_499 {offsets = [10], sizes = [1], strides = [1]} : vector<16xi32> to vector<1xi32>
    %squeeze3A_604 = vector.extract %slice3A_603[0] : i32 from vector<1xi32>
    %swap3A_605 = arith.constant 58 : i32
    %swap3A_606 = arith.index_cast %swap3A_605 : i32 to index
    %swap3A_607 = memref.load %arg11[%swap3A_606] : memref<128xi32, #tpu.memory_space<smem>>
    memref.store %squeeze3A_604, %arg11[%swap3A_606] : memref<128xi32, #tpu.memory_space<smem>>
    %slice3A_608 = vector.extract_strided_slice %get3A_502 {offsets = [10], sizes = [1], strides = [1]} : vector<16xi32> to vector<1xi32>
    %squeeze3A_609 = vector.extract %slice3A_608[0] : i32 from vector<1xi32>
    %swap3A_610 = arith.constant 58 : i32
    %swap3A_611 = arith.index_cast %swap3A_610 : i32 to index
    %swap3A_612 = memref.load %arg12[%swap3A_611] : memref<128xi32, #tpu.memory_space<smem>>
    memref.store %squeeze3A_609, %arg12[%swap3A_611] : memref<128xi32, #tpu.memory_space<smem>>
    %slice3A_613 = vector.extract_strided_slice %get3A_499 {offsets = [11], sizes = [1], strides = [1]} : vector<16xi32> to vector<1xi32>
    %squeeze3A_614 = vector.extract %slice3A_613[0] : i32 from vector<1xi32>
    %swap3A_615 = arith.constant 59 : i32
    %swap3A_616 = arith.index_cast %swap3A_615 : i32 to index
    %swap3A_617 = memref.load %arg11[%swap3A_616] : memref<128xi32, #tpu.memory_space<smem>>
    memref.store %squeeze3A_614, %arg11[%swap3A_616] : memref<128xi32, #tpu.memory_space<smem>>
    %slice3A_618 = vector.extract_strided_slice %get3A_502 {offsets = [11], sizes = [1], strides = [1]} : vector<16xi32> to vector<1xi32>
    %squeeze3A_619 = vector.extract %slice3A_618[0] : i32 from vector<1xi32>
    %swap3A_620 = arith.constant 59 : i32
    %swap3A_621 = arith.index_cast %swap3A_620 : i32 to index
    %swap3A_622 = memref.load %arg12[%swap3A_621] : memref<128xi32, #tpu.memory_space<smem>>
    memref.store %squeeze3A_619, %arg12[%swap3A_621] : memref<128xi32, #tpu.memory_space<smem>>
    %slice3A_623 = vector.extract_strided_slice %get3A_499 {offsets = [12], sizes = [1], strides = [1]} : vector<16xi32> to vector<1xi32>
    %squeeze3A_624 = vector.extract %slice3A_623[0] : i32 from vector<1xi32>
    %swap3A_625 = arith.constant 60 : i32
    %swap3A_626 = arith.index_cast %swap3A_625 : i32 to index
    %swap3A_627 = memref.load %arg11[%swap3A_626] : memref<128xi32, #tpu.memory_space<smem>>
    memref.store %squeeze3A_624, %arg11[%swap3A_626] : memref<128xi32, #tpu.memory_space<smem>>
    %slice3A_628 = vector.extract_strided_slice %get3A_502 {offsets = [12], sizes = [1], strides = [1]} : vector<16xi32> to vector<1xi32>
    %squeeze3A_629 = vector.extract %slice3A_628[0] : i32 from vector<1xi32>
    %swap3A_630 = arith.constant 60 : i32
    %swap3A_631 = arith.index_cast %swap3A_630 : i32 to index
    %swap3A_632 = memref.load %arg12[%swap3A_631] : memref<128xi32, #tpu.memory_space<smem>>
    memref.store %squeeze3A_629, %arg12[%swap3A_631] : memref<128xi32, #tpu.memory_space<smem>>
    %slice3A_633 = vector.extract_strided_slice %get3A_499 {offsets = [13], sizes = [1], strides = [1]} : vector<16xi32> to vector<1xi32>
    %squeeze3A_634 = vector.extract %slice3A_633[0] : i32 from vector<1xi32>
    %swap3A_635 = arith.constant 61 : i32
    %swap3A_636 = arith.index_cast %swap3A_635 : i32 to index
    %swap3A_637 = memref.load %arg11[%swap3A_636] : memref<128xi32, #tpu.memory_space<smem>>
    memref.store %squeeze3A_634, %arg11[%swap3A_636] : memref<128xi32, #tpu.memory_space<smem>>
    %slice3A_638 = vector.extract_strided_slice %get3A_502 {offsets = [13], sizes = [1], strides = [1]} : vector<16xi32> to vector<1xi32>
    %squeeze3A_639 = vector.extract %slice3A_638[0] : i32 from vector<1xi32>
    %swap3A_640 = arith.constant 61 : i32
    %swap3A_641 = arith.index_cast %swap3A_640 : i32 to index
    %swap3A_642 = memref.load %arg12[%swap3A_641] : memref<128xi32, #tpu.memory_space<smem>>
    memref.store %squeeze3A_639, %arg12[%swap3A_641] : memref<128xi32, #tpu.memory_space<smem>>
    %slice3A_643 = vector.extract_strided_slice %get3A_499 {offsets = [14], sizes = [1], strides = [1]} : vector<16xi32> to vector<1xi32>
    %squeeze3A_644 = vector.extract %slice3A_643[0] : i32 from vector<1xi32>
    %swap3A_645 = arith.constant 62 : i32
    %swap3A_646 = arith.index_cast %swap3A_645 : i32 to index
    %swap3A_647 = memref.load %arg11[%swap3A_646] : memref<128xi32, #tpu.memory_space<smem>>
    memref.store %squeeze3A_644, %arg11[%swap3A_646] : memref<128xi32, #tpu.memory_space<smem>>
    %slice3A_648 = vector.extract_strided_slice %get3A_502 {offsets = [14], sizes = [1], strides = [1]} : vector<16xi32> to vector<1xi32>
    %squeeze3A_649 = vector.extract %slice3A_648[0] : i32 from vector<1xi32>
    %swap3A_650 = arith.constant 62 : i32
    %swap3A_651 = arith.index_cast %swap3A_650 : i32 to index
    %swap3A_652 = memref.load %arg12[%swap3A_651] : memref<128xi32, #tpu.memory_space<smem>>
    memref.store %squeeze3A_649, %arg12[%swap3A_651] : memref<128xi32, #tpu.memory_space<smem>>
    %slice3A_653 = vector.extract_strided_slice %get3A_499 {offsets = [15], sizes = [1], strides = [1]} : vector<16xi32> to vector<1xi32>
    %squeeze3A_654 = vector.extract %slice3A_653[0] : i32 from vector<1xi32>
    %swap3A_655 = arith.constant 63 : i32
    %swap3A_656 = arith.index_cast %swap3A_655 : i32 to index
    %swap3A_657 = memref.load %arg11[%swap3A_656] : memref<128xi32, #tpu.memory_space<smem>>
    memref.store %squeeze3A_654, %arg11[%swap3A_656] : memref<128xi32, #tpu.memory_space<smem>>
    %slice3A_658 = vector.extract_strided_slice %get3A_502 {offsets = [15], sizes = [1], strides = [1]} : vector<16xi32> to vector<1xi32>
    %squeeze3A_659 = vector.extract %slice3A_658[0] : i32 from vector<1xi32>
    %swap3A_660 = arith.constant 63 : i32
    %swap3A_661 = arith.index_cast %swap3A_660 : i32 to index
    %swap3A_662 = memref.load %arg12[%swap3A_661] : memref<128xi32, #tpu.memory_space<smem>>
    memref.store %squeeze3A_659, %arg12[%swap3A_661] : memref<128xi32, #tpu.memory_space<smem>>
    %get3A_663 = arith.constant 64 : index
    %get3A_664 = tpu.vector_load %arg13[%get3A_663] {strides = array<i32>} : memref<128xi32, #tpu.memory_space<vmem>>, vector<16xi32>,
    %get3A_665 = vector.shape_cast %get3A_664 : vector<16xi32> to vector<16xi32>
    %get3A_666 = arith.constant 64 : index
    %get3A_667 = tpu.vector_load %arg14[%get3A_666] {strides = array<i32>} : memref<128xi32, #tpu.memory_space<vmem>>, vector<16xi32>,
    %get3A_668 = vector.shape_cast %get3A_667 : vector<16xi32> to vector<16xi32>
    %slice3A_669 = vector.extract_strided_slice %get3A_665 {offsets = [0], sizes = [1], strides = [1]} : vector<16xi32> to vector<1xi32>
    %squeeze3A_670 = vector.extract %slice3A_669[0] : i32 from vector<1xi32>
    %swap3A_671 = arith.constant 64 : i32
    %swap3A_672 = arith.index_cast %swap3A_671 : i32 to index
    %swap3A_673 = memref.load %arg11[%swap3A_672] : memref<128xi32, #tpu.memory_space<smem>>
    memref.store %squeeze3A_670, %arg11[%swap3A_672] : memref<128xi32, #tpu.memory_space<smem>>
    %slice3A_674 = vector.extract_strided_slice %get3A_668 {offsets = [0], sizes = [1], strides = [1]} : vector<16xi32> to vector<1xi32>
    %squeeze3A_675 = vector.extract %slice3A_674[0] : i32 from vector<1xi32>
    %swap3A_676 = arith.constant 64 : i32
    %swap3A_677 = arith.index_cast %swap3A_676 : i32 to index
    %swap3A_678 = memref.load %arg12[%swap3A_677] : memref<128xi32, #tpu.memory_space<smem>>
    memref.store %squeeze3A_675, %arg12[%swap3A_677] : memref<128xi32, #tpu.memory_space<smem>>
    %slice3A_679 = vector.extract_strided_slice %get3A_665 {offsets = [1], sizes = [1], strides = [1]} : vector<16xi32> to vector<1xi32>
    %squeeze3A_680 = vector.extract %slice3A_679[0] : i32 from vector<1xi32>
    %swap3A_681 = arith.constant 65 : i32
    %swap3A_682 = arith.index_cast %swap3A_681 : i32 to index
    %swap3A_683 = memref.load %arg11[%swap3A_682] : memref<128xi32, #tpu.memory_space<smem>>
    memref.store %squeeze3A_680, %arg11[%swap3A_682] : memref<128xi32, #tpu.memory_space<smem>>
    %slice3A_684 = vector.extract_strided_slice %get3A_668 {offsets = [1], sizes = [1], strides = [1]} : vector<16xi32> to vector<1xi32>
    %squeeze3A_685 = vector.extract %slice3A_684[0] : i32 from vector<1xi32>
    %swap3A_686 = arith.constant 65 : i32
    %swap3A_687 = arith.index_cast %swap3A_686 : i32 to index
    %swap3A_688 = memref.load %arg12[%swap3A_687] : memref<128xi32, #tpu.memory_space<smem>>
    memref.store %squeeze3A_685, %arg12[%swap3A_687] : memref<128xi32, #tpu.memory_space<smem>>
    %slice3A_689 = vector.extract_strided_slice %get3A_665 {offsets = [2], sizes = [1], strides = [1]} : vector<16xi32> to vector<1xi32>
    %squeeze3A_690 = vector.extract %slice3A_689[0] : i32 from vector<1xi32>
    %swap3A_691 = arith.constant 66 : i32
    %swap3A_692 = arith.index_cast %swap3A_691 : i32 to index
    %swap3A_693 = memref.load %arg11[%swap3A_692] : memref<128xi32, #tpu.memory_space<smem>>
    memref.store %squeeze3A_690, %arg11[%swap3A_692] : memref<128xi32, #tpu.memory_space<smem>>
    %slice3A_694 = vector.extract_strided_slice %get3A_668 {offsets = [2], sizes = [1], strides = [1]} : vector<16xi32> to vector<1xi32>
    %squeeze3A_695 = vector.extract %slice3A_694[0] : i32 from vector<1xi32>
    %swap3A_696 = arith.constant 66 : i32
    %swap3A_697 = arith.index_cast %swap3A_696 : i32 to index
    %swap3A_698 = memref.load %arg12[%swap3A_697] : memref<128xi32, #tpu.memory_space<smem>>
    memref.store %squeeze3A_695, %arg12[%swap3A_697] : memref<128xi32, #tpu.memory_space<smem>>
    %slice3A_699 = vector.extract_strided_slice %get3A_665 {offsets = [3], sizes = [1], strides = [1]} : vector<16xi32> to vector<1xi32>
    %squeeze3A_700 = vector.extract %slice3A_699[0] : i32 from vector<1xi32>
    %swap3A_701 = arith.constant 67 : i32
    %swap3A_702 = arith.index_cast %swap3A_701 : i32 to index
    %swap3A_703 = memref.load %arg11[%swap3A_702] : memref<128xi32, #tpu.memory_space<smem>>
    memref.store %squeeze3A_700, %arg11[%swap3A_702] : memref<128xi32, #tpu.memory_space<smem>>
    %slice3A_704 = vector.extract_strided_slice %get3A_668 {offsets = [3], sizes = [1], strides = [1]} : vector<16xi32> to vector<1xi32>
    %squeeze3A_705 = vector.extract %slice3A_704[0] : i32 from vector<1xi32>
    %swap3A_706 = arith.constant 67 : i32
    %swap3A_707 = arith.index_cast %swap3A_706 : i32 to index
    %swap3A_708 = memref.load %arg12[%swap3A_707] : memref<128xi32, #tpu.memory_space<smem>>
    memref.store %squeeze3A_705, %arg12[%swap3A_707] : memref<128xi32, #tpu.memory_space<smem>>
    %slice3A_709 = vector.extract_strided_slice %get3A_665 {offsets = [4], sizes = [1], strides = [1]} : vector<16xi32> to vector<1xi32>
    %squeeze3A_710 = vector.extract %slice3A_709[0] : i32 from vector<1xi32>
    %swap3A_711 = arith.constant 68 : i32
    %swap3A_712 = arith.index_cast %swap3A_711 : i32 to index
    %swap3A_713 = memref.load %arg11[%swap3A_712] : memref<128xi32, #tpu.memory_space<smem>>
    memref.store %squeeze3A_710, %arg11[%swap3A_712] : memref<128xi32, #tpu.memory_space<smem>>
    %slice3A_714 = vector.extract_strided_slice %get3A_668 {offsets = [4], sizes = [1], strides = [1]} : vector<16xi32> to vector<1xi32>
    %squeeze3A_715 = vector.extract %slice3A_714[0] : i32 from vector<1xi32>
    %swap3A_716 = arith.constant 68 : i32
    %swap3A_717 = arith.index_cast %swap3A_716 : i32 to index
    %swap3A_718 = memref.load %arg12[%swap3A_717] : memref<128xi32, #tpu.memory_space<smem>>
    memref.store %squeeze3A_715, %arg12[%swap3A_717] : memref<128xi32, #tpu.memory_space<smem>>
    %slice3A_719 = vector.extract_strided_slice %get3A_665 {offsets = [5], sizes = [1], strides = [1]} : vector<16xi32> to vector<1xi32>
    %squeeze3A_720 = vector.extract %slice3A_719[0] : i32 from vector<1xi32>
    %swap3A_721 = arith.constant 69 : i32
    %swap3A_722 = arith.index_cast %swap3A_721 : i32 to index
    %swap3A_723 = memref.load %arg11[%swap3A_722] : memref<128xi32, #tpu.memory_space<smem>>
    memref.store %squeeze3A_720, %arg11[%swap3A_722] : memref<128xi32, #tpu.memory_space<smem>>
    %slice3A_724 = vector.extract_strided_slice %get3A_668 {offsets = [5], sizes = [1], strides = [1]} : vector<16xi32> to vector<1xi32>
    %squeeze3A_725 = vector.extract %slice3A_724[0] : i32 from vector<1xi32>
    %swap3A_726 = arith.constant 69 : i32
    %swap3A_727 = arith.index_cast %swap3A_726 : i32 to index
    %swap3A_728 = memref.load %arg12[%swap3A_727] : memref<128xi32, #tpu.memory_space<smem>>
    memref.store %squeeze3A_725, %arg12[%swap3A_727] : memref<128xi32, #tpu.memory_space<smem>>
    %slice3A_729 = vector.extract_strided_slice %get3A_665 {offsets = [6], sizes = [1], strides = [1]} : vector<16xi32> to vector<1xi32>
    %squeeze3A_730 = vector.extract %slice3A_729[0] : i32 from vector<1xi32>
    %swap3A_731 = arith.constant 70 : i32
    %swap3A_732 = arith.index_cast %swap3A_731 : i32 to index
    %swap3A_733 = memref.load %arg11[%swap3A_732] : memref<128xi32, #tpu.memory_space<smem>>
    memref.store %squeeze3A_730, %arg11[%swap3A_732] : memref<128xi32, #tpu.memory_space<smem>>
    %slice3A_734 = vector.extract_strided_slice %get3A_668 {offsets = [6], sizes = [1], strides = [1]} : vector<16xi32> to vector<1xi32>
    %squeeze3A_735 = vector.extract %slice3A_734[0] : i32 from vector<1xi32>
    %swap3A_736 = arith.constant 70 : i32
    %swap3A_737 = arith.index_cast %swap3A_736 : i32 to index
    %swap3A_738 = memref.load %arg12[%swap3A_737] : memref<128xi32, #tpu.memory_space<smem>>
    memref.store %squeeze3A_735, %arg12[%swap3A_737] : memref<128xi32, #tpu.memory_space<smem>>
    %slice3A_739 = vector.extract_strided_slice %get3A_665 {offsets = [7], sizes = [1], strides = [1]} : vector<16xi32> to vector<1xi32>
    %squeeze3A_740 = vector.extract %slice3A_739[0] : i32 from vector<1xi32>
    %swap3A_741 = arith.constant 71 : i32
    %swap3A_742 = arith.index_cast %swap3A_741 : i32 to index
    %swap3A_743 = memref.load %arg11[%swap3A_742] : memref<128xi32, #tpu.memory_space<smem>>
    memref.store %squeeze3A_740, %arg11[%swap3A_742] : memref<128xi32, #tpu.memory_space<smem>>
    %slice3A_744 = vector.extract_strided_slice %get3A_668 {offsets = [7], sizes = [1], strides = [1]} : vector<16xi32> to vector<1xi32>
    %squeeze3A_745 = vector.extract %slice3A_744[0] : i32 from vector<1xi32>
    %swap3A_746 = arith.constant 71 : i32
    %swap3A_747 = arith.index_cast %swap3A_746 : i32 to index
    %swap3A_748 = memref.load %arg12[%swap3A_747] : memref<128xi32, #tpu.memory_space<smem>>
    memref.store %squeeze3A_745, %arg12[%swap3A_747] : memref<128xi32, #tpu.memory_space<smem>>
    %slice3A_749 = vector.extract_strided_slice %get3A_665 {offsets = [8], sizes = [1], strides = [1]} : vector<16xi32> to vector<1xi32>
    %squeeze3A_750 = vector.extract %slice3A_749[0] : i32 from vector<1xi32>
    %swap3A_751 = arith.constant 72 : i32
    %swap3A_752 = arith.index_cast %swap3A_751 : i32 to index
    %swap3A_753 = memref.load %arg11[%swap3A_752] : memref<128xi32, #tpu.memory_space<smem>>
    memref.store %squeeze3A_750, %arg11[%swap3A_752] : memref<128xi32, #tpu.memory_space<smem>>
    %slice3A_754 = vector.extract_strided_slice %get3A_668 {offsets = [8], sizes = [1], strides = [1]} : vector<16xi32> to vector<1xi32>
    %squeeze3A_755 = vector.extract %slice3A_754[0] : i32 from vector<1xi32>
    %swap3A_756 = arith.constant 72 : i32
    %swap3A_757 = arith.index_cast %swap3A_756 : i32 to index
    %swap3A_758 = memref.load %arg12[%swap3A_757] : memref<128xi32, #tpu.memory_space<smem>>
    memref.store %squeeze3A_755, %arg12[%swap3A_757] : memref<128xi32, #tpu.memory_space<smem>>
    %slice3A_759 = vector.extract_strided_slice %get3A_665 {offsets = [9], sizes = [1], strides = [1]} : vector<16xi32> to vector<1xi32>
    %squeeze3A_760 = vector.extract %slice3A_759[0] : i32 from vector<1xi32>
    %swap3A_761 = arith.constant 73 : i32
    %swap3A_762 = arith.index_cast %swap3A_761 : i32 to index
    %swap3A_763 = memref.load %arg11[%swap3A_762] : memref<128xi32, #tpu.memory_space<smem>>
    memref.store %squeeze3A_760, %arg11[%swap3A_762] : memref<128xi32, #tpu.memory_space<smem>>
    %slice3A_764 = vector.extract_strided_slice %get3A_668 {offsets = [9], sizes = [1], strides = [1]} : vector<16xi32> to vector<1xi32>
    %squeeze3A_765 = vector.extract %slice3A_764[0] : i32 from vector<1xi32>
    %swap3A_766 = arith.constant 73 : i32
    %swap3A_767 = arith.index_cast %swap3A_766 : i32 to index
    %swap3A_768 = memref.load %arg12[%swap3A_767] : memref<128xi32, #tpu.memory_space<smem>>
    memref.store %squeeze3A_765, %arg12[%swap3A_767] : memref<128xi32, #tpu.memory_space<smem>>
    %slice3A_769 = vector.extract_strided_slice %get3A_665 {offsets = [10], sizes = [1], strides = [1]} : vector<16xi32> to vector<1xi32>
    %squeeze3A_770 = vector.extract %slice3A_769[0] : i32 from vector<1xi32>
    %swap3A_771 = arith.constant 74 : i32
    %swap3A_772 = arith.index_cast %swap3A_771 : i32 to index
    %swap3A_773 = memref.load %arg11[%swap3A_772] : memref<128xi32, #tpu.memory_space<smem>>
    memref.store %squeeze3A_770, %arg11[%swap3A_772] : memref<128xi32, #tpu.memory_space<smem>>
    %slice3A_774 = vector.extract_strided_slice %get3A_668 {offsets = [10], sizes = [1], strides = [1]} : vector<16xi32> to vector<1xi32>
    %squeeze3A_775 = vector.extract %slice3A_774[0] : i32 from vector<1xi32>
    %swap3A_776 = arith.constant 74 : i32
    %swap3A_777 = arith.index_cast %swap3A_776 : i32 to index
    %swap3A_778 = memref.load %arg12[%swap3A_777] : memref<128xi32, #tpu.memory_space<smem>>
    memref.store %squeeze3A_775, %arg12[%swap3A_777] : memref<128xi32, #tpu.memory_space<smem>>
    %slice3A_779 = vector.extract_strided_slice %get3A_665 {offsets = [11], sizes = [1], strides = [1]} : vector<16xi32> to vector<1xi32>
    %squeeze3A_780 = vector.extract %slice3A_779[0] : i32 from vector<1xi32>
    %swap3A_781 = arith.constant 75 : i32
    %swap3A_782 = arith.index_cast %swap3A_781 : i32 to index
    %swap3A_783 = memref.load %arg11[%swap3A_782] : memref<128xi32, #tpu.memory_space<smem>>
    memref.store %squeeze3A_780, %arg11[%swap3A_782] : memref<128xi32, #tpu.memory_space<smem>>
    %slice3A_784 = vector.extract_strided_slice %get3A_668 {offsets = [11], sizes = [1], strides = [1]} : vector<16xi32> to vector<1xi32>
    %squeeze3A_785 = vector.extract %slice3A_784[0] : i32 from vector<1xi32>
    %swap3A_786 = arith.constant 75 : i32
    %swap3A_787 = arith.index_cast %swap3A_786 : i32 to index
    %swap3A_788 = memref.load %arg12[%swap3A_787] : memref<128xi32, #tpu.memory_space<smem>>
    memref.store %squeeze3A_785, %arg12[%swap3A_787] : memref<128xi32, #tpu.memory_space<smem>>
    %slice3A_789 = vector.extract_strided_slice %get3A_665 {offsets = [12], sizes = [1], strides = [1]} : vector<16xi32> to vector<1xi32>
    %squeeze3A_790 = vector.extract %slice3A_789[0] : i32 from vector<1xi32>
    %swap3A_791 = arith.constant 76 : i32
    %swap3A_792 = arith.index_cast %swap3A_791 : i32 to index
    %swap3A_793 = memref.load %arg11[%swap3A_792] : memref<128xi32, #tpu.memory_space<smem>>
    memref.store %squeeze3A_790, %arg11[%swap3A_792] : memref<128xi32, #tpu.memory_space<smem>>
    %slice3A_794 = vector.extract_strided_slice %get3A_668 {offsets = [12], sizes = [1], strides = [1]} : vector<16xi32> to vector<1xi32>
    %squeeze3A_795 = vector.extract %slice3A_794[0] : i32 from vector<1xi32>
    %swap3A_796 = arith.constant 76 : i32
    %swap3A_797 = arith.index_cast %swap3A_796 : i32 to index
    %swap3A_798 = memref.load %arg12[%swap3A_797] : memref<128xi32, #tpu.memory_space<smem>>
    memref.store %squeeze3A_795, %arg12[%swap3A_797] : memref<128xi32, #tpu.memory_space<smem>>
    %slice3A_799 = vector.extract_strided_slice %get3A_665 {offsets = [13], sizes = [1], strides = [1]} : vector<16xi32> to vector<1xi32>
    %squeeze3A_800 = vector.extract %slice3A_799[0] : i32 from vector<1xi32>
    %swap3A_801 = arith.constant 77 : i32
    %swap3A_802 = arith.index_cast %swap3A_801 : i32 to index
    %swap3A_803 = memref.load %arg11[%swap3A_802] : memref<128xi32, #tpu.memory_space<smem>>
    memref.store %squeeze3A_800, %arg11[%swap3A_802] : memref<128xi32, #tpu.memory_space<smem>>
    %slice3A_804 = vector.extract_strided_slice %get3A_668 {offsets = [13], sizes = [1], strides = [1]} : vector<16xi32> to vector<1xi32>
    %squeeze3A_805 = vector.extract %slice3A_804[0] : i32 from vector<1xi32>
    %swap3A_806 = arith.constant 77 : i32
    %swap3A_807 = arith.index_cast %swap3A_806 : i32 to index
    %swap3A_808 = memref.load %arg12[%swap3A_807] : memref<128xi32, #tpu.memory_space<smem>>
    memref.store %squeeze3A_805, %arg12[%swap3A_807] : memref<128xi32, #tpu.memory_space<smem>>
    %slice3A_809 = vector.extract_strided_slice %get3A_665 {offsets = [14], sizes = [1], strides = [1]} : vector<16xi32> to vector<1xi32>
    %squeeze3A_810 = vector.extract %slice3A_809[0] : i32 from vector<1xi32>
    %swap3A_811 = arith.constant 78 : i32
    %swap3A_812 = arith.index_cast %swap3A_811 : i32 to index
    %swap3A_813 = memref.load %arg11[%swap3A_812] : memref<128xi32, #tpu.memory_space<smem>>
    memref.store %squeeze3A_810, %arg11[%swap3A_812] : memref<128xi32, #tpu.memory_space<smem>>
    %slice3A_814 = vector.extract_strided_slice %get3A_668 {offsets = [14], sizes = [1], strides = [1]} : vector<16xi32> to vector<1xi32>
    %squeeze3A_815 = vector.extract %slice3A_814[0] : i32 from vector<1xi32>
    %swap3A_816 = arith.constant 78 : i32
    %swap3A_817 = arith.index_cast %swap3A_816 : i32 to index
    %swap3A_818 = memref.load %arg12[%swap3A_817] : memref<128xi32, #tpu.memory_space<smem>>
    memref.store %squeeze3A_815, %arg12[%swap3A_817] : memref<128xi32, #tpu.memory_space<smem>>
    %slice3A_819 = vector.extract_strided_slice %get3A_665 {offsets = [15], sizes = [1], strides = [1]} : vector<16xi32> to vector<1xi32>
    %squeeze3A_820 = vector.extract %slice3A_819[0] : i32 from vector<1xi32>
    %swap3A_821 = arith.constant 79 : i32
    %swap3A_822 = arith.index_cast %swap3A_821 : i32 to index
    %swap3A_823 = memref.load %arg11[%swap3A_822] : memref<128xi32, #tpu.memory_space<smem>>
    memref.store %squeeze3A_820, %arg11[%swap3A_822] : memref<128xi32, #tpu.memory_space<smem>>
    %slice3A_824 = vector.extract_strided_slice %get3A_668 {offsets = [15], sizes = [1], strides = [1]} : vector<16xi32> to vector<1xi32>
    %squeeze3A_825 = vector.extract %slice3A_824[0] : i32 from vector<1xi32>
    %swap3A_826 = arith.constant 79 : i32
    %swap3A_827 = arith.index_cast %swap3A_826 : i32 to index
    %swap3A_828 = memref.load %arg12[%swap3A_827] : memref<128xi32, #tpu.memory_space<smem>>
    memref.store %squeeze3A_825, %arg12[%swap3A_827] : memref<128xi32, #tpu.memory_space<smem>>
    %get3A_829 = arith.constant 80 : index
    %get3A_830 = tpu.vector_load %arg13[%get3A_829] {strides = array<i32>} : memref<128xi32, #tpu.memory_space<vmem>>, vector<16xi32>,
    %get3A_831 = vector.shape_cast %get3A_830 : vector<16xi32> to vector<16xi32>
    %get3A_832 = arith.constant 80 : index
    %get3A_833 = tpu.vector_load %arg14[%get3A_832] {strides = array<i32>} : memref<128xi32, #tpu.memory_space<vmem>>, vector<16xi32>,
    %get3A_834 = vector.shape_cast %get3A_833 : vector<16xi32> to vector<16xi32>
    %slice3A_835 = vector.extract_strided_slice %get3A_831 {offsets = [0], sizes = [1], strides = [1]} : vector<16xi32> to vector<1xi32>
    %squeeze3A_836 = vector.extract %slice3A_835[0] : i32 from vector<1xi32>
    %swap3A_837 = arith.constant 80 : i32
    %swap3A_838 = arith.index_cast %swap3A_837 : i32 to index
    %swap3A_839 = memref.load %arg11[%swap3A_838] : memref<128xi32, #tpu.memory_space<smem>>
    memref.store %squeeze3A_836, %arg11[%swap3A_838] : memref<128xi32, #tpu.memory_space<smem>>
    %slice3A_840 = vector.extract_strided_slice %get3A_834 {offsets = [0], sizes = [1], strides = [1]} : vector<16xi32> to vector<1xi32>
    %squeeze3A_841 = vector.extract %slice3A_840[0] : i32 from vector<1xi32>
    %swap3A_842 = arith.constant 80 : i32
    %swap3A_843 = arith.index_cast %swap3A_842 : i32 to index
    %swap3A_844 = memref.load %arg12[%swap3A_843] : memref<128xi32, #tpu.memory_space<smem>>
    memref.store %squeeze3A_841, %arg12[%swap3A_843] : memref<128xi32, #tpu.memory_space<smem>>
    %slice3A_845 = vector.extract_strided_slice %get3A_831 {offsets = [1], sizes = [1], strides = [1]} : vector<16xi32> to vector<1xi32>
    %squeeze3A_846 = vector.extract %slice3A_845[0] : i32 from vector<1xi32>
    %swap3A_847 = arith.constant 81 : i32
    %swap3A_848 = arith.index_cast %swap3A_847 : i32 to index
    %swap3A_849 = memref.load %arg11[%swap3A_848] : memref<128xi32, #tpu.memory_space<smem>>
    memref.store %squeeze3A_846, %arg11[%swap3A_848] : memref<128xi32, #tpu.memory_space<smem>>
    %slice3A_850 = vector.extract_strided_slice %get3A_834 {offsets = [1], sizes = [1], strides = [1]} : vector<16xi32> to vector<1xi32>
    %squeeze3A_851 = vector.extract %slice3A_850[0] : i32 from vector<1xi32>
    %swap3A_852 = arith.constant 81 : i32
    %swap3A_853 = arith.index_cast %swap3A_852 : i32 to index
    %swap3A_854 = memref.load %arg12[%swap3A_853] : memref<128xi32, #tpu.memory_space<smem>>
    memref.store %squeeze3A_851, %arg12[%swap3A_853] : memref<128xi32, #tpu.memory_space<smem>>
    %slice3A_855 = vector.extract_strided_slice %get3A_831 {offsets = [2], sizes = [1], strides = [1]} : vector<16xi32> to vector<1xi32>
    %squeeze3A_856 = vector.extract %slice3A_855[0] : i32 from vector<1xi32>
    %swap3A_857 = arith.constant 82 : i32
    %swap3A_858 = arith.index_cast %swap3A_857 : i32 to index
    %swap3A_859 = memref.load %arg11[%swap3A_858] : memref<128xi32, #tpu.memory_space<smem>>
    memref.store %squeeze3A_856, %arg11[%swap3A_858] : memref<128xi32, #tpu.memory_space<smem>>
    %slice3A_860 = vector.extract_strided_slice %get3A_834 {offsets = [2], sizes = [1], strides = [1]} : vector<16xi32> to vector<1xi32>
    %squeeze3A_861 = vector.extract %slice3A_860[0] : i32 from vector<1xi32>
    %swap3A_862 = arith.constant 82 : i32
    %swap3A_863 = arith.index_cast %swap3A_862 : i32 to index
    %swap3A_864 = memref.load %arg12[%swap3A_863] : memref<128xi32, #tpu.memory_space<smem>>
    memref.store %squeeze3A_861, %arg12[%swap3A_863] : memref<128xi32, #tpu.memory_space<smem>>
    %slice3A_865 = vector.extract_strided_slice %get3A_831 {offsets = [3], sizes = [1], strides = [1]} : vector<16xi32> to vector<1xi32>
    %squeeze3A_866 = vector.extract %slice3A_865[0] : i32 from vector<1xi32>
    %swap3A_867 = arith.constant 83 : i32
    %swap3A_868 = arith.index_cast %swap3A_867 : i32 to index
    %swap3A_869 = memref.load %arg11[%swap3A_868] : memref<128xi32, #tpu.memory_space<smem>>
    memref.store %squeeze3A_866, %arg11[%swap3A_868] : memref<128xi32, #tpu.memory_space<smem>>
    %slice3A_870 = vector.extract_strided_slice %get3A_834 {offsets = [3], sizes = [1], strides = [1]} : vector<16xi32> to vector<1xi32>
    %squeeze3A_871 = vector.extract %slice3A_870[0] : i32 from vector<1xi32>
    %swap3A_872 = arith.constant 83 : i32
    %swap3A_873 = arith.index_cast %swap3A_872 : i32 to index
    %swap3A_874 = memref.load %arg12[%swap3A_873] : memref<128xi32, #tpu.memory_space<smem>>
    memref.store %squeeze3A_871, %arg12[%swap3A_873] : memref<128xi32, #tpu.memory_space<smem>>
    %slice3A_875 = vector.extract_strided_slice %get3A_831 {offsets = [4], sizes = [1], strides = [1]} : vector<16xi32> to vector<1xi32>
    %squeeze3A_876 = vector.extract %slice3A_875[0] : i32 from vector<1xi32>
    %swap3A_877 = arith.constant 84 : i32
    %swap3A_878 = arith.index_cast %swap3A_877 : i32 to index
    %swap3A_879 = memref.load %arg11[%swap3A_878] : memref<128xi32, #tpu.memory_space<smem>>
    memref.store %squeeze3A_876, %arg11[%swap3A_878] : memref<128xi32, #tpu.memory_space<smem>>
    %slice3A_880 = vector.extract_strided_slice %get3A_834 {offsets = [4], sizes = [1], strides = [1]} : vector<16xi32> to vector<1xi32>
    %squeeze3A_881 = vector.extract %slice3A_880[0] : i32 from vector<1xi32>
    %swap3A_882 = arith.constant 84 : i32
    %swap3A_883 = arith.index_cast %swap3A_882 : i32 to index
    %swap3A_884 = memref.load %arg12[%swap3A_883] : memref<128xi32, #tpu.memory_space<smem>>
    memref.store %squeeze3A_881, %arg12[%swap3A_883] : memref<128xi32, #tpu.memory_space<smem>>
    %slice3A_885 = vector.extract_strided_slice %get3A_831 {offsets = [5], sizes = [1], strides = [1]} : vector<16xi32> to vector<1xi32>
    %squeeze3A_886 = vector.extract %slice3A_885[0] : i32 from vector<1xi32>
    %swap3A_887 = arith.constant 85 : i32
    %swap3A_888 = arith.index_cast %swap3A_887 : i32 to index
    %swap3A_889 = memref.load %arg11[%swap3A_888] : memref<128xi32, #tpu.memory_space<smem>>
    memref.store %squeeze3A_886, %arg11[%swap3A_888] : memref<128xi32, #tpu.memory_space<smem>>
    %slice3A_890 = vector.extract_strided_slice %get3A_834 {offsets = [5], sizes = [1], strides = [1]} : vector<16xi32> to vector<1xi32>
    %squeeze3A_891 = vector.extract %slice3A_890[0] : i32 from vector<1xi32>
    %swap3A_892 = arith.constant 85 : i32
    %swap3A_893 = arith.index_cast %swap3A_892 : i32 to index
    %swap3A_894 = memref.load %arg12[%swap3A_893] : memref<128xi32, #tpu.memory_space<smem>>
    memref.store %squeeze3A_891, %arg12[%swap3A_893] : memref<128xi32, #tpu.memory_space<smem>>
    %slice3A_895 = vector.extract_strided_slice %get3A_831 {offsets = [6], sizes = [1], strides = [1]} : vector<16xi32> to vector<1xi32>
    %squeeze3A_896 = vector.extract %slice3A_895[0] : i32 from vector<1xi32>
    %swap3A_897 = arith.constant 86 : i32
    %swap3A_898 = arith.index_cast %swap3A_897 : i32 to index
    %swap3A_899 = memref.load %arg11[%swap3A_898] : memref<128xi32, #tpu.memory_space<smem>>
    memref.store %squeeze3A_896, %arg11[%swap3A_898] : memref<128xi32, #tpu.memory_space<smem>>
    %slice3A_900 = vector.extract_strided_slice %get3A_834 {offsets = [6], sizes = [1], strides = [1]} : vector<16xi32> to vector<1xi32>
    %squeeze3A_901 = vector.extract %slice3A_900[0] : i32 from vector<1xi32>
    %swap3A_902 = arith.constant 86 : i32
    %swap3A_903 = arith.index_cast %swap3A_902 : i32 to index
    %swap3A_904 = memref.load %arg12[%swap3A_903] : memref<128xi32, #tpu.memory_space<smem>>
    memref.store %squeeze3A_901, %arg12[%swap3A_903] : memref<128xi32, #tpu.memory_space<smem>>
    %slice3A_905 = vector.extract_strided_slice %get3A_831 {offsets = [7], sizes = [1], strides = [1]} : vector<16xi32> to vector<1xi32>
    %squeeze3A_906 = vector.extract %slice3A_905[0] : i32 from vector<1xi32>
    %swap3A_907 = arith.constant 87 : i32
    %swap3A_908 = arith.index_cast %swap3A_907 : i32 to index
    %swap3A_909 = memref.load %arg11[%swap3A_908] : memref<128xi32, #tpu.memory_space<smem>>
    memref.store %squeeze3A_906, %arg11[%swap3A_908] : memref<128xi32, #tpu.memory_space<smem>>
    %slice3A_910 = vector.extract_strided_slice %get3A_834 {offsets = [7], sizes = [1], strides = [1]} : vector<16xi32> to vector<1xi32>
    %squeeze3A_911 = vector.extract %slice3A_910[0] : i32 from vector<1xi32>
    %swap3A_912 = arith.constant 87 : i32
    %swap3A_913 = arith.index_cast %swap3A_912 : i32 to index
    %swap3A_914 = memref.load %arg12[%swap3A_913] : memref<128xi32, #tpu.memory_space<smem>>
    memref.store %squeeze3A_911, %arg12[%swap3A_913] : memref<128xi32, #tpu.memory_space<smem>>
    %slice3A_915 = vector.extract_strided_slice %get3A_831 {offsets = [8], sizes = [1], strides = [1]} : vector<16xi32> to vector<1xi32>
    %squeeze3A_916 = vector.extract %slice3A_915[0] : i32 from vector<1xi32>
    %swap3A_917 = arith.constant 88 : i32
    %swap3A_918 = arith.index_cast %swap3A_917 : i32 to index
    %swap3A_919 = memref.load %arg11[%swap3A_918] : memref<128xi32, #tpu.memory_space<smem>>
    memref.store %squeeze3A_916, %arg11[%swap3A_918] : memref<128xi32, #tpu.memory_space<smem>>
    %slice3A_920 = vector.extract_strided_slice %get3A_834 {offsets = [8], sizes = [1], strides = [1]} : vector<16xi32> to vector<1xi32>
    %squeeze3A_921 = vector.extract %slice3A_920[0] : i32 from vector<1xi32>
    %swap3A_922 = arith.constant 88 : i32
    %swap3A_923 = arith.index_cast %swap3A_922 : i32 to index
    %swap3A_924 = memref.load %arg12[%swap3A_923] : memref<128xi32, #tpu.memory_space<smem>>
    memref.store %squeeze3A_921, %arg12[%swap3A_923] : memref<128xi32, #tpu.memory_space<smem>>
    %slice3A_925 = vector.extract_strided_slice %get3A_831 {offsets = [9], sizes = [1], strides = [1]} : vector<16xi32> to vector<1xi32>
    %squeeze3A_926 = vector.extract %slice3A_925[0] : i32 from vector<1xi32>
    %swap3A_927 = arith.constant 89 : i32
    %swap3A_928 = arith.index_cast %swap3A_927 : i32 to index
    %swap3A_929 = memref.load %arg11[%swap3A_928] : memref<128xi32, #tpu.memory_space<smem>>
    memref.store %squeeze3A_926, %arg11[%swap3A_928] : memref<128xi32, #tpu.memory_space<smem>>
    %slice3A_930 = vector.extract_strided_slice %get3A_834 {offsets = [9], sizes = [1], strides = [1]} : vector<16xi32> to vector<1xi32>
    %squeeze3A_931 = vector.extract %slice3A_930[0] : i32 from vector<1xi32>
    %swap3A_932 = arith.constant 89 : i32
    %swap3A_933 = arith.index_cast %swap3A_932 : i32 to index
    %swap3A_934 = memref.load %arg12[%swap3A_933] : memref<128xi32, #tpu.memory_space<smem>>
    memref.store %squeeze3A_931, %arg12[%swap3A_933] : memref<128xi32, #tpu.memory_space<smem>>
    %slice3A_935 = vector.extract_strided_slice %get3A_831 {offsets = [10], sizes = [1], strides = [1]} : vector<16xi32> to vector<1xi32>
    %squeeze3A_936 = vector.extract %slice3A_935[0] : i32 from vector<1xi32>
    %swap3A_937 = arith.constant 90 : i32
    %swap3A_938 = arith.index_cast %swap3A_937 : i32 to index
    %swap3A_939 = memref.load %arg11[%swap3A_938] : memref<128xi32, #tpu.memory_space<smem>>
    memref.store %squeeze3A_936, %arg11[%swap3A_938] : memref<128xi32, #tpu.memory_space<smem>>
    %slice3A_940 = vector.extract_strided_slice %get3A_834 {offsets = [10], sizes = [1], strides = [1]} : vector<16xi32> to vector<1xi32>
    %squeeze3A_941 = vector.extract %slice3A_940[0] : i32 from vector<1xi32>
    %swap3A_942 = arith.constant 90 : i32
    %swap3A_943 = arith.index_cast %swap3A_942 : i32 to index
    %swap3A_944 = memref.load %arg12[%swap3A_943] : memref<128xi32, #tpu.memory_space<smem>>
    memref.store %squeeze3A_941, %arg12[%swap3A_943] : memref<128xi32, #tpu.memory_space<smem>>
    %slice3A_945 = vector.extract_strided_slice %get3A_831 {offsets = [11], sizes = [1], strides = [1]} : vector<16xi32> to vector<1xi32>
    %squeeze3A_946 = vector.extract %slice3A_945[0] : i32 from vector<1xi32>
    %swap3A_947 = arith.constant 91 : i32
    %swap3A_948 = arith.index_cast %swap3A_947 : i32 to index
    %swap3A_949 = memref.load %arg11[%swap3A_948] : memref<128xi32, #tpu.memory_space<smem>>
    memref.store %squeeze3A_946, %arg11[%swap3A_948] : memref<128xi32, #tpu.memory_space<smem>>
    %slice3A_950 = vector.extract_strided_slice %get3A_834 {offsets = [11], sizes = [1], strides = [1]} : vector<16xi32> to vector<1xi32>
    %squeeze3A_951 = vector.extract %slice3A_950[0] : i32 from vector<1xi32>
    %swap3A_952 = arith.constant 91 : i32
    %swap3A_953 = arith.index_cast %swap3A_952 : i32 to index
    %swap3A_954 = memref.load %arg12[%swap3A_953] : memref<128xi32, #tpu.memory_space<smem>>
    memref.store %squeeze3A_951, %arg12[%swap3A_953] : memref<128xi32, #tpu.memory_space<smem>>
    %slice3A_955 = vector.extract_strided_slice %get3A_831 {offsets = [12], sizes = [1], strides = [1]} : vector<16xi32> to vector<1xi32>
    %squeeze3A_956 = vector.extract %slice3A_955[0] : i32 from vector<1xi32>
    %swap3A_957 = arith.constant 92 : i32
    %swap3A_958 = arith.index_cast %swap3A_957 : i32 to index
    %swap3A_959 = memref.load %arg11[%swap3A_958] : memref<128xi32, #tpu.memory_space<smem>>
    memref.store %squeeze3A_956, %arg11[%swap3A_958] : memref<128xi32, #tpu.memory_space<smem>>
    %slice3A_960 = vector.extract_strided_slice %get3A_834 {offsets = [12], sizes = [1], strides = [1]} : vector<16xi32> to vector<1xi32>
    %squeeze3A_961 = vector.extract %slice3A_960[0] : i32 from vector<1xi32>
    %swap3A_962 = arith.constant 92 : i32
    %swap3A_963 = arith.index_cast %swap3A_962 : i32 to index
    %swap3A_964 = memref.load %arg12[%swap3A_963] : memref<128xi32, #tpu.memory_space<smem>>
    memref.store %squeeze3A_961, %arg12[%swap3A_963] : memref<128xi32, #tpu.memory_space<smem>>
    %slice3A_965 = vector.extract_strided_slice %get3A_831 {offsets = [13], sizes = [1], strides = [1]} : vector<16xi32> to vector<1xi32>
    %squeeze3A_966 = vector.extract %slice3A_965[0] : i32 from vector<1xi32>
    %swap3A_967 = arith.constant 93 : i32
    %swap3A_968 = arith.index_cast %swap3A_967 : i32 to index
    %swap3A_969 = memref.load %arg11[%swap3A_968] : memref<128xi32, #tpu.memory_space<smem>>
    memref.store %squeeze3A_966, %arg11[%swap3A_968] : memref<128xi32, #tpu.memory_space<smem>>
    %slice3A_970 = vector.extract_strided_slice %get3A_834 {offsets = [13], sizes = [1], strides = [1]} : vector<16xi32> to vector<1xi32>
    %squeeze3A_971 = vector.extract %slice3A_970[0] : i32 from vector<1xi32>
    %swap3A_972 = arith.constant 93 : i32
    %swap3A_973 = arith.index_cast %swap3A_972 : i32 to index
    %swap3A_974 = memref.load %arg12[%swap3A_973] : memref<128xi32, #tpu.memory_space<smem>>
    memref.store %squeeze3A_971, %arg12[%swap3A_973] : memref<128xi32, #tpu.memory_space<smem>>
    %slice3A_975 = vector.extract_strided_slice %get3A_831 {offsets = [14], sizes = [1], strides = [1]} : vector<16xi32> to vector<1xi32>
    %squeeze3A_976 = vector.extract %slice3A_975[0] : i32 from vector<1xi32>
    %swap3A_977 = arith.constant 94 : i32
    %swap3A_978 = arith.index_cast %swap3A_977 : i32 to index
    %swap3A_979 = memref.load %arg11[%swap3A_978] : memref<128xi32, #tpu.memory_space<smem>>
    memref.store %squeeze3A_976, %arg11[%swap3A_978] : memref<128xi32, #tpu.memory_space<smem>>
    %slice3A_980 = vector.extract_strided_slice %get3A_834 {offsets = [14], sizes = [1], strides = [1]} : vector<16xi32> to vector<1xi32>
    %squeeze3A_981 = vector.extract %slice3A_980[0] : i32 from vector<1xi32>
    %swap3A_982 = arith.constant 94 : i32
    %swap3A_983 = arith.index_cast %swap3A_982 : i32 to index
    %swap3A_984 = memref.load %arg12[%swap3A_983] : memref<128xi32, #tpu.memory_space<smem>>
    memref.store %squeeze3A_981, %arg12[%swap3A_983] : memref<128xi32, #tpu.memory_space<smem>>
    %slice3A_985 = vector.extract_strided_slice %get3A_831 {offsets = [15], sizes = [1], strides = [1]} : vector<16xi32> to vector<1xi32>
    %squeeze3A_986 = vector.extract %slice3A_985[0] : i32 from vector<1xi32>
    %swap3A_987 = arith.constant 95 : i32
    %swap3A_988 = arith.index_cast %swap3A_987 : i32 to index
    %swap3A_989 = memref.load %arg11[%swap3A_988] : memref<128xi32, #tpu.memory_space<smem>>
    memref.store %squeeze3A_986, %arg11[%swap3A_988] : memref<128xi32, #tpu.memory_space<smem>>
    %slice3A_990 = vector.extract_strided_slice %get3A_834 {offsets = [15], sizes = [1], strides = [1]} : vector<16xi32> to vector<1xi32>
    %squeeze3A_991 = vector.extract %slice3A_990[0] : i32 from vector<1xi32>
    %swap3A_992 = arith.constant 95 : i32
    %swap3A_993 = arith.index_cast %swap3A_992 : i32 to index
    %swap3A_994 = memref.load %arg12[%swap3A_993] : memref<128xi32, #tpu.memory_space<smem>>
    memref.store %squeeze3A_991, %arg12[%swap3A_993] : memref<128xi32, #tpu.memory_space<smem>>
    %get3A_995 = arith.constant 96 : index
    %get3A_996 = tpu.vector_load %arg13[%get3A_995] {strides = array<i32>} : memref<128xi32, #tpu.memory_space<vmem>>, vector<16xi32>,
    %get3A_997 = vector.shape_cast %get3A_996 : vector<16xi32> to vector<16xi32>
    %get3A_998 = arith.constant 96 : index
    %get3A_999 = tpu.vector_load %arg14[%get3A_998] {strides = array<i32>} : memref<128xi32, #tpu.memory_space<vmem>>, vector<16xi32>,
    %get3A_1000 = vector.shape_cast %get3A_999 : vector<16xi32> to vector<16xi32>
    %slice3A_1001 = vector.extract_strided_slice %get3A_997 {offsets = [0], sizes = [1], strides = [1]} : vector<16xi32> to vector<1xi32>
    %squeeze3A_1002 = vector.extract %slice3A_1001[0] : i32 from vector<1xi32>
    %swap3A_1003 = arith.constant 96 : i32
    %swap3A_1004 = arith.index_cast %swap3A_1003 : i32 to index
    %swap3A_1005 = memref.load %arg11[%swap3A_1004] : memref<128xi32, #tpu.memory_space<smem>>
    memref.store %squeeze3A_1002, %arg11[%swap3A_1004] : memref<128xi32, #tpu.memory_space<smem>>
    %slice3A_1006 = vector.extract_strided_slice %get3A_1000 {offsets = [0], sizes = [1], strides = [1]} : vector<16xi32> to vector<1xi32>
    %squeeze3A_1007 = vector.extract %slice3A_1006[0] : i32 from vector<1xi32>
    %swap3A_1008 = arith.constant 96 : i32
    %swap3A_1009 = arith.index_cast %swap3A_1008 : i32 to index
    %swap3A_1010 = memref.load %arg12[%swap3A_1009] : memref<128xi32, #tpu.memory_space<smem>>
    memref.store %squeeze3A_1007, %arg12[%swap3A_1009] : memref<128xi32, #tpu.memory_space<smem>>
    %slice3A_1011 = vector.extract_strided_slice %get3A_997 {offsets = [1], sizes = [1], strides = [1]} : vector<16xi32> to vector<1xi32>
    %squeeze3A_1012 = vector.extract %slice3A_1011[0] : i32 from vector<1xi32>
    %swap3A_1013 = arith.constant 97 : i32
    %swap3A_1014 = arith.index_cast %swap3A_1013 : i32 to index
    %swap3A_1015 = memref.load %arg11[%swap3A_1014] : memref<128xi32, #tpu.memory_space<smem>>
    memref.store %squeeze3A_1012, %arg11[%swap3A_1014] : memref<128xi32, #tpu.memory_space<smem>>
    %slice3A_1016 = vector.extract_strided_slice %get3A_1000 {offsets = [1], sizes = [1], strides = [1]} : vector<16xi32> to vector<1xi32>
    %squeeze3A_1017 = vector.extract %slice3A_1016[0] : i32 from vector<1xi32>
    %swap3A_1018 = arith.constant 97 : i32
    %swap3A_1019 = arith.index_cast %swap3A_1018 : i32 to index
    %swap3A_1020 = memref.load %arg12[%swap3A_1019] : memref<128xi32, #tpu.memory_space<smem>>
    memref.store %squeeze3A_1017, %arg12[%swap3A_1019] : memref<128xi32, #tpu.memory_space<smem>>
    %slice3A_1021 = vector.extract_strided_slice %get3A_997 {offsets = [2], sizes = [1], strides = [1]} : vector<16xi32> to vector<1xi32>
    %squeeze3A_1022 = vector.extract %slice3A_1021[0] : i32 from vector<1xi32>
    %swap3A_1023 = arith.constant 98 : i32
    %swap3A_1024 = arith.index_cast %swap3A_1023 : i32 to index
    %swap3A_1025 = memref.load %arg11[%swap3A_1024] : memref<128xi32, #tpu.memory_space<smem>>
    memref.store %squeeze3A_1022, %arg11[%swap3A_1024] : memref<128xi32, #tpu.memory_space<smem>>
    %slice3A_1026 = vector.extract_strided_slice %get3A_1000 {offsets = [2], sizes = [1], strides = [1]} : vector<16xi32> to vector<1xi32>
    %squeeze3A_1027 = vector.extract %slice3A_1026[0] : i32 from vector<1xi32>
    %swap3A_1028 = arith.constant 98 : i32
    %swap3A_1029 = arith.index_cast %swap3A_1028 : i32 to index
    %swap3A_1030 = memref.load %arg12[%swap3A_1029] : memref<128xi32, #tpu.memory_space<smem>>
    memref.store %squeeze3A_1027, %arg12[%swap3A_1029] : memref<128xi32, #tpu.memory_space<smem>>
    %slice3A_1031 = vector.extract_strided_slice %get3A_997 {offsets = [3], sizes = [1], strides = [1]} : vector<16xi32> to vector<1xi32>
    %squeeze3A_1032 = vector.extract %slice3A_1031[0] : i32 from vector<1xi32>
    %swap3A_1033 = arith.constant 99 : i32
    %swap3A_1034 = arith.index_cast %swap3A_1033 : i32 to index
    %swap3A_1035 = memref.load %arg11[%swap3A_1034] : memref<128xi32, #tpu.memory_space<smem>>
    memref.store %squeeze3A_1032, %arg11[%swap3A_1034] : memref<128xi32, #tpu.memory_space<smem>>
    %slice3A_1036 = vector.extract_strided_slice %get3A_1000 {offsets = [3], sizes = [1], strides = [1]} : vector<16xi32> to vector<1xi32>
    %squeeze3A_1037 = vector.extract %slice3A_1036[0] : i32 from vector<1xi32>
    %swap3A_1038 = arith.constant 99 : i32
    %swap3A_1039 = arith.index_cast %swap3A_1038 : i32 to index
    %swap3A_1040 = memref.load %arg12[%swap3A_1039] : memref<128xi32, #tpu.memory_space<smem>>
    memref.store %squeeze3A_1037, %arg12[%swap3A_1039] : memref<128xi32, #tpu.memory_space<smem>>
    %slice3A_1041 = vector.extract_strided_slice %get3A_997 {offsets = [4], sizes = [1], strides = [1]} : vector<16xi32> to vector<1xi32>
    %squeeze3A_1042 = vector.extract %slice3A_1041[0] : i32 from vector<1xi32>
    %swap3A_1043 = arith.constant 100 : i32
    %swap3A_1044 = arith.index_cast %swap3A_1043 : i32 to index
    %swap3A_1045 = memref.load %arg11[%swap3A_1044] : memref<128xi32, #tpu.memory_space<smem>>
    memref.store %squeeze3A_1042, %arg11[%swap3A_1044] : memref<128xi32, #tpu.memory_space<smem>>
    %slice3A_1046 = vector.extract_strided_slice %get3A_1000 {offsets = [4], sizes = [1], strides = [1]} : vector<16xi32> to vector<1xi32>
    %squeeze3A_1047 = vector.extract %slice3A_1046[0] : i32 from vector<1xi32>
    %swap3A_1048 = arith.constant 100 : i32
    %swap3A_1049 = arith.index_cast %swap3A_1048 : i32 to index
    %swap3A_1050 = memref.load %arg12[%swap3A_1049] : memref<128xi32, #tpu.memory_space<smem>>
    memref.store %squeeze3A_1047, %arg12[%swap3A_1049] : memref<128xi32, #tpu.memory_space<smem>>
    %slice3A_1051 = vector.extract_strided_slice %get3A_997 {offsets = [5], sizes = [1], strides = [1]} : vector<16xi32> to vector<1xi32>
    %squeeze3A_1052 = vector.extract %slice3A_1051[0] : i32 from vector<1xi32>
    %swap3A_1053 = arith.constant 101 : i32
    %swap3A_1054 = arith.index_cast %swap3A_1053 : i32 to index
    %swap3A_1055 = memref.load %arg11[%swap3A_1054] : memref<128xi32, #tpu.memory_space<smem>>
    memref.store %squeeze3A_1052, %arg11[%swap3A_1054] : memref<128xi32, #tpu.memory_space<smem>>
    %slice3A_1056 = vector.extract_strided_slice %get3A_1000 {offsets = [5], sizes = [1], strides = [1]} : vector<16xi32> to vector<1xi32>
    %squeeze3A_1057 = vector.extract %slice3A_1056[0] : i32 from vector<1xi32>
    %swap3A_1058 = arith.constant 101 : i32
    %swap3A_1059 = arith.index_cast %swap3A_1058 : i32 to index
    %swap3A_1060 = memref.load %arg12[%swap3A_1059] : memref<128xi32, #tpu.memory_space<smem>>
    memref.store %squeeze3A_1057, %arg12[%swap3A_1059] : memref<128xi32, #tpu.memory_space<smem>>
    %slice3A_1061 = vector.extract_strided_slice %get3A_997 {offsets = [6], sizes = [1], strides = [1]} : vector<16xi32> to vector<1xi32>
    %squeeze3A_1062 = vector.extract %slice3A_1061[0] : i32 from vector<1xi32>
    %swap3A_1063 = arith.constant 102 : i32
    %swap3A_1064 = arith.index_cast %swap3A_1063 : i32 to index
    %swap3A_1065 = memref.load %arg11[%swap3A_1064] : memref<128xi32, #tpu.memory_space<smem>>
    memref.store %squeeze3A_1062, %arg11[%swap3A_1064] : memref<128xi32, #tpu.memory_space<smem>>
    %slice3A_1066 = vector.extract_strided_slice %get3A_1000 {offsets = [6], sizes = [1], strides = [1]} : vector<16xi32> to vector<1xi32>
    %squeeze3A_1067 = vector.extract %slice3A_1066[0] : i32 from vector<1xi32>
    %swap3A_1068 = arith.constant 102 : i32
    %swap3A_1069 = arith.index_cast %swap3A_1068 : i32 to index
    %swap3A_1070 = memref.load %arg12[%swap3A_1069] : memref<128xi32, #tpu.memory_space<smem>>
    memref.store %squeeze3A_1067, %arg12[%swap3A_1069] : memref<128xi32, #tpu.memory_space<smem>>
    %slice3A_1071 = vector.extract_strided_slice %get3A_997 {offsets = [7], sizes = [1], strides = [1]} : vector<16xi32> to vector<1xi32>
    %squeeze3A_1072 = vector.extract %slice3A_1071[0] : i32 from vector<1xi32>
    %swap3A_1073 = arith.constant 103 : i32
    %swap3A_1074 = arith.index_cast %swap3A_1073 : i32 to index
    %swap3A_1075 = memref.load %arg11[%swap3A_1074] : memref<128xi32, #tpu.memory_space<smem>>
    memref.store %squeeze3A_1072, %arg11[%swap3A_1074] : memref<128xi32, #tpu.memory_space<smem>>
    %slice3A_1076 = vector.extract_strided_slice %get3A_1000 {offsets = [7], sizes = [1], strides = [1]} : vector<16xi32> to vector<1xi32>
    %squeeze3A_1077 = vector.extract %slice3A_1076[0] : i32 from vector<1xi32>
    %swap3A_1078 = arith.constant 103 : i32
    %swap3A_1079 = arith.index_cast %swap3A_1078 : i32 to index
    %swap3A_1080 = memref.load %arg12[%swap3A_1079] : memref<128xi32, #tpu.memory_space<smem>>
    memref.store %squeeze3A_1077, %arg12[%swap3A_1079] : memref<128xi32, #tpu.memory_space<smem>>
    %slice3A_1081 = vector.extract_strided_slice %get3A_997 {offsets = [8], sizes = [1], strides = [1]} : vector<16xi32> to vector<1xi32>
    %squeeze3A_1082 = vector.extract %slice3A_1081[0] : i32 from vector<1xi32>
    %swap3A_1083 = arith.constant 104 : i32
    %swap3A_1084 = arith.index_cast %swap3A_1083 : i32 to index
    %swap3A_1085 = memref.load %arg11[%swap3A_1084] : memref<128xi32, #tpu.memory_space<smem>>
    memref.store %squeeze3A_1082, %arg11[%swap3A_1084] : memref<128xi32, #tpu.memory_space<smem>>
    %slice3A_1086 = vector.extract_strided_slice %get3A_1000 {offsets = [8], sizes = [1], strides = [1]} : vector<16xi32> to vector<1xi32>
    %squeeze3A_1087 = vector.extract %slice3A_1086[0] : i32 from vector<1xi32>
    %swap3A_1088 = arith.constant 104 : i32
    %swap3A_1089 = arith.index_cast %swap3A_1088 : i32 to index
    %swap3A_1090 = memref.load %arg12[%swap3A_1089] : memref<128xi32, #tpu.memory_space<smem>>
    memref.store %squeeze3A_1087, %arg12[%swap3A_1089] : memref<128xi32, #tpu.memory_space<smem>>
    %slice3A_1091 = vector.extract_strided_slice %get3A_997 {offsets = [9], sizes = [1], strides = [1]} : vector<16xi32> to vector<1xi32>
    %squeeze3A_1092 = vector.extract %slice3A_1091[0] : i32 from vector<1xi32>
    %swap3A_1093 = arith.constant 105 : i32
    %swap3A_1094 = arith.index_cast %swap3A_1093 : i32 to index
    %swap3A_1095 = memref.load %arg11[%swap3A_1094] : memref<128xi32, #tpu.memory_space<smem>>
    memref.store %squeeze3A_1092, %arg11[%swap3A_1094] : memref<128xi32, #tpu.memory_space<smem>>
    %slice3A_1096 = vector.extract_strided_slice %get3A_1000 {offsets = [9], sizes = [1], strides = [1]} : vector<16xi32> to vector<1xi32>
    %squeeze3A_1097 = vector.extract %slice3A_1096[0] : i32 from vector<1xi32>
    %swap3A_1098 = arith.constant 105 : i32
    %swap3A_1099 = arith.index_cast %swap3A_1098 : i32 to index
    %swap3A_1100 = memref.load %arg12[%swap3A_1099] : memref<128xi32, #tpu.memory_space<smem>>
    memref.store %squeeze3A_1097, %arg12[%swap3A_1099] : memref<128xi32, #tpu.memory_space<smem>>
    %slice3A_1101 = vector.extract_strided_slice %get3A_997 {offsets = [10], sizes = [1], strides = [1]} : vector<16xi32> to vector<1xi32>
    %squeeze3A_1102 = vector.extract %slice3A_1101[0] : i32 from vector<1xi32>
    %swap3A_1103 = arith.constant 106 : i32
    %swap3A_1104 = arith.index_cast %swap3A_1103 : i32 to index
    %swap3A_1105 = memref.load %arg11[%swap3A_1104] : memref<128xi32, #tpu.memory_space<smem>>
    memref.store %squeeze3A_1102, %arg11[%swap3A_1104] : memref<128xi32, #tpu.memory_space<smem>>
    %slice3A_1106 = vector.extract_strided_slice %get3A_1000 {offsets = [10], sizes = [1], strides = [1]} : vector<16xi32> to vector<1xi32>
    %squeeze3A_1107 = vector.extract %slice3A_1106[0] : i32 from vector<1xi32>
    %swap3A_1108 = arith.constant 106 : i32
    %swap3A_1109 = arith.index_cast %swap3A_1108 : i32 to index
    %swap3A_1110 = memref.load %arg12[%swap3A_1109] : memref<128xi32, #tpu.memory_space<smem>>
    memref.store %squeeze3A_1107, %arg12[%swap3A_1109] : memref<128xi32, #tpu.memory_space<smem>>
    %slice3A_1111 = vector.extract_strided_slice %get3A_997 {offsets = [11], sizes = [1], strides = [1]} : vector<16xi32> to vector<1xi32>
    %squeeze3A_1112 = vector.extract %slice3A_1111[0] : i32 from vector<1xi32>
    %swap3A_1113 = arith.constant 107 : i32
    %swap3A_1114 = arith.index_cast %swap3A_1113 : i32 to index
    %swap3A_1115 = memref.load %arg11[%swap3A_1114] : memref<128xi32, #tpu.memory_space<smem>>
    memref.store %squeeze3A_1112, %arg11[%swap3A_1114] : memref<128xi32, #tpu.memory_space<smem>>
    %slice3A_1116 = vector.extract_strided_slice %get3A_1000 {offsets = [11], sizes = [1], strides = [1]} : vector<16xi32> to vector<1xi32>
    %squeeze3A_1117 = vector.extract %slice3A_1116[0] : i32 from vector<1xi32>
    %swap3A_1118 = arith.constant 107 : i32
    %swap3A_1119 = arith.index_cast %swap3A_1118 : i32 to index
    %swap3A_1120 = memref.load %arg12[%swap3A_1119] : memref<128xi32, #tpu.memory_space<smem>>
    memref.store %squeeze3A_1117, %arg12[%swap3A_1119] : memref<128xi32, #tpu.memory_space<smem>>
    %slice3A_1121 = vector.extract_strided_slice %get3A_997 {offsets = [12], sizes = [1], strides = [1]} : vector<16xi32> to vector<1xi32>
    %squeeze3A_1122 = vector.extract %slice3A_1121[0] : i32 from vector<1xi32>
    %swap3A_1123 = arith.constant 108 : i32
    %swap3A_1124 = arith.index_cast %swap3A_1123 : i32 to index
    %swap3A_1125 = memref.load %arg11[%swap3A_1124] : memref<128xi32, #tpu.memory_space<smem>>
    memref.store %squeeze3A_1122, %arg11[%swap3A_1124] : memref<128xi32, #tpu.memory_space<smem>>
    %slice3A_1126 = vector.extract_strided_slice %get3A_1000 {offsets = [12], sizes = [1], strides = [1]} : vector<16xi32> to vector<1xi32>
    %squeeze3A_1127 = vector.extract %slice3A_1126[0] : i32 from vector<1xi32>
    %swap3A_1128 = arith.constant 108 : i32
    %swap3A_1129 = arith.index_cast %swap3A_1128 : i32 to index
    %swap3A_1130 = memref.load %arg12[%swap3A_1129] : memref<128xi32, #tpu.memory_space<smem>>
    memref.store %squeeze3A_1127, %arg12[%swap3A_1129] : memref<128xi32, #tpu.memory_space<smem>>
    %slice3A_1131 = vector.extract_strided_slice %get3A_997 {offsets = [13], sizes = [1], strides = [1]} : vector<16xi32> to vector<1xi32>
    %squeeze3A_1132 = vector.extract %slice3A_1131[0] : i32 from vector<1xi32>
    %swap3A_1133 = arith.constant 109 : i32
    %swap3A_1134 = arith.index_cast %swap3A_1133 : i32 to index
    %swap3A_1135 = memref.load %arg11[%swap3A_1134] : memref<128xi32, #tpu.memory_space<smem>>
    memref.store %squeeze3A_1132, %arg11[%swap3A_1134] : memref<128xi32, #tpu.memory_space<smem>>
    %slice3A_1136 = vector.extract_strided_slice %get3A_1000 {offsets = [13], sizes = [1], strides = [1]} : vector<16xi32> to vector<1xi32>
    %squeeze3A_1137 = vector.extract %slice3A_1136[0] : i32 from vector<1xi32>
    %swap3A_1138 = arith.constant 109 : i32
    %swap3A_1139 = arith.index_cast %swap3A_1138 : i32 to index
    %swap3A_1140 = memref.load %arg12[%swap3A_1139] : memref<128xi32, #tpu.memory_space<smem>>
    memref.store %squeeze3A_1137, %arg12[%swap3A_1139] : memref<128xi32, #tpu.memory_space<smem>>
    %slice3A_1141 = vector.extract_strided_slice %get3A_997 {offsets = [14], sizes = [1], strides = [1]} : vector<16xi32> to vector<1xi32>
    %squeeze3A_1142 = vector.extract %slice3A_1141[0] : i32 from vector<1xi32>
    %swap3A_1143 = arith.constant 110 : i32
    %swap3A_1144 = arith.index_cast %swap3A_1143 : i32 to index
    %swap3A_1145 = memref.load %arg11[%swap3A_1144] : memref<128xi32, #tpu.memory_space<smem>>
    memref.store %squeeze3A_1142, %arg11[%swap3A_1144] : memref<128xi32, #tpu.memory_space<smem>>
    %slice3A_1146 = vector.extract_strided_slice %get3A_1000 {offsets = [14], sizes = [1], strides = [1]} : vector<16xi32> to vector<1xi32>
    %squeeze3A_1147 = vector.extract %slice3A_1146[0] : i32 from vector<1xi32>
    %swap3A_1148 = arith.constant 110 : i32
    %swap3A_1149 = arith.index_cast %swap3A_1148 : i32 to index
    %swap3A_1150 = memref.load %arg12[%swap3A_1149] : memref<128xi32, #tpu.memory_space<smem>>
    memref.store %squeeze3A_1147, %arg12[%swap3A_1149] : memref<128xi32, #tpu.memory_space<smem>>
    %slice3A_1151 = vector.extract_strided_slice %get3A_997 {offsets = [15], sizes = [1], strides = [1]} : vector<16xi32> to vector<1xi32>
    %squeeze3A_1152 = vector.extract %slice3A_1151[0] : i32 from vector<1xi32>
    %swap3A_1153 = arith.constant 111 : i32
    %swap3A_1154 = arith.index_cast %swap3A_1153 : i32 to index
    %swap3A_1155 = memref.load %arg11[%swap3A_1154] : memref<128xi32, #tpu.memory_space<smem>>
    memref.store %squeeze3A_1152, %arg11[%swap3A_1154] : memref<128xi32, #tpu.memory_space<smem>>
    %slice3A_1156 = vector.extract_strided_slice %get3A_1000 {offsets = [15], sizes = [1], strides = [1]} : vector<16xi32> to vector<1xi32>
    %squeeze3A_1157 = vector.extract %slice3A_1156[0] : i32 from vector<1xi32>
    %swap3A_1158 = arith.constant 111 : i32
    %swap3A_1159 = arith.index_cast %swap3A_1158 : i32 to index
    %swap3A_1160 = memref.load %arg12[%swap3A_1159] : memref<128xi32, #tpu.memory_space<smem>>
    memref.store %squeeze3A_1157, %arg12[%swap3A_1159] : memref<128xi32, #tpu.memory_space<smem>>
    %get3A_1161 = arith.constant 112 : index
    %get3A_1162 = tpu.vector_load %arg13[%get3A_1161] {strides = array<i32>} : memref<128xi32, #tpu.memory_space<vmem>>, vector<16xi32>,
    %get3A_1163 = vector.shape_cast %get3A_1162 : vector<16xi32> to vector<16xi32>
    %get3A_1164 = arith.constant 112 : index
    %get3A_1165 = tpu.vector_load %arg14[%get3A_1164] {strides = array<i32>} : memref<128xi32, #tpu.memory_space<vmem>>, vector<16xi32>,
    %get3A_1166 = vector.shape_cast %get3A_1165 : vector<16xi32> to vector<16xi32>
    %slice3A_1167 = vector.extract_strided_slice %get3A_1163 {offsets = [0], sizes = [1], strides = [1]} : vector<16xi32> to vector<1xi32>
    %squeeze3A_1168 = vector.extract %slice3A_1167[0] : i32 from vector<1xi32>
    %swap3A_1169 = arith.constant 112 : i32
    %swap3A_1170 = arith.index_cast %swap3A_1169 : i32 to index
    %swap3A_1171 = memref.load %arg11[%swap3A_1170] : memref<128xi32, #tpu.memory_space<smem>>
    memref.store %squeeze3A_1168, %arg11[%swap3A_1170] : memref<128xi32, #tpu.memory_space<smem>>
    %slice3A_1172 = vector.extract_strided_slice %get3A_1166 {offsets = [0], sizes = [1], strides = [1]} : vector<16xi32> to vector<1xi32>
    %squeeze3A_1173 = vector.extract %slice3A_1172[0] : i32 from vector<1xi32>
    %swap3A_1174 = arith.constant 112 : i32
    %swap3A_1175 = arith.index_cast %swap3A_1174 : i32 to index
    %swap3A_1176 = memref.load %arg12[%swap3A_1175] : memref<128xi32, #tpu.memory_space<smem>>
    memref.store %squeeze3A_1173, %arg12[%swap3A_1175] : memref<128xi32, #tpu.memory_space<smem>>
    %slice3A_1177 = vector.extract_strided_slice %get3A_1163 {offsets = [1], sizes = [1], strides = [1]} : vector<16xi32> to vector<1xi32>
    %squeeze3A_1178 = vector.extract %slice3A_1177[0] : i32 from vector<1xi32>
    %swap3A_1179 = arith.constant 113 : i32
    %swap3A_1180 = arith.index_cast %swap3A_1179 : i32 to index
    %swap3A_1181 = memref.load %arg11[%swap3A_1180] : memref<128xi32, #tpu.memory_space<smem>>
    memref.store %squeeze3A_1178, %arg11[%swap3A_1180] : memref<128xi32, #tpu.memory_space<smem>>
    %slice3A_1182 = vector.extract_strided_slice %get3A_1166 {offsets = [1], sizes = [1], strides = [1]} : vector<16xi32> to vector<1xi32>
    %squeeze3A_1183 = vector.extract %slice3A_1182[0] : i32 from vector<1xi32>
    %swap3A_1184 = arith.constant 113 : i32
    %swap3A_1185 = arith.index_cast %swap3A_1184 : i32 to index
    %swap3A_1186 = memref.load %arg12[%swap3A_1185] : memref<128xi32, #tpu.memory_space<smem>>
    memref.store %squeeze3A_1183, %arg12[%swap3A_1185] : memref<128xi32, #tpu.memory_space<smem>>
    %slice3A_1187 = vector.extract_strided_slice %get3A_1163 {offsets = [2], sizes = [1], strides = [1]} : vector<16xi32> to vector<1xi32>
    %squeeze3A_1188 = vector.extract %slice3A_1187[0] : i32 from vector<1xi32>
    %swap3A_1189 = arith.constant 114 : i32
    %swap3A_1190 = arith.index_cast %swap3A_1189 : i32 to index
    %swap3A_1191 = memref.load %arg11[%swap3A_1190] : memref<128xi32, #tpu.memory_space<smem>>
    memref.store %squeeze3A_1188, %arg11[%swap3A_1190] : memref<128xi32, #tpu.memory_space<smem>>
    %slice3A_1192 = vector.extract_strided_slice %get3A_1166 {offsets = [2], sizes = [1], strides = [1]} : vector<16xi32> to vector<1xi32>
    %squeeze3A_1193 = vector.extract %slice3A_1192[0] : i32 from vector<1xi32>
    %swap3A_1194 = arith.constant 114 : i32
    %swap3A_1195 = arith.index_cast %swap3A_1194 : i32 to index
    %swap3A_1196 = memref.load %arg12[%swap3A_1195] : memref<128xi32, #tpu.memory_space<smem>>
    memref.store %squeeze3A_1193, %arg12[%swap3A_1195] : memref<128xi32, #tpu.memory_space<smem>>
    %slice3A_1197 = vector.extract_strided_slice %get3A_1163 {offsets = [3], sizes = [1], strides = [1]} : vector<16xi32> to vector<1xi32>
    %squeeze3A_1198 = vector.extract %slice3A_1197[0] : i32 from vector<1xi32>
    %swap3A_1199 = arith.constant 115 : i32
    %swap3A_1200 = arith.index_cast %swap3A_1199 : i32 to index
    %swap3A_1201 = memref.load %arg11[%swap3A_1200] : memref<128xi32, #tpu.memory_space<smem>>
    memref.store %squeeze3A_1198, %arg11[%swap3A_1200] : memref<128xi32, #tpu.memory_space<smem>>
    %slice3A_1202 = vector.extract_strided_slice %get3A_1166 {offsets = [3], sizes = [1], strides = [1]} : vector<16xi32> to vector<1xi32>
    %squeeze3A_1203 = vector.extract %slice3A_1202[0] : i32 from vector<1xi32>
    %swap3A_1204 = arith.constant 115 : i32
    %swap3A_1205 = arith.index_cast %swap3A_1204 : i32 to index
    %swap3A_1206 = memref.load %arg12[%swap3A_1205] : memref<128xi32, #tpu.memory_space<smem>>
    memref.store %squeeze3A_1203, %arg12[%swap3A_1205] : memref<128xi32, #tpu.memory_space<smem>>
    %slice3A_1207 = vector.extract_strided_slice %get3A_1163 {offsets = [4], sizes = [1], strides = [1]} : vector<16xi32> to vector<1xi32>
    %squeeze3A_1208 = vector.extract %slice3A_1207[0] : i32 from vector<1xi32>
    %swap3A_1209 = arith.constant 116 : i32
    %swap3A_1210 = arith.index_cast %swap3A_1209 : i32 to index
    %swap3A_1211 = memref.load %arg11[%swap3A_1210] : memref<128xi32, #tpu.memory_space<smem>>
    memref.store %squeeze3A_1208, %arg11[%swap3A_1210] : memref<128xi32, #tpu.memory_space<smem>>
    %slice3A_1212 = vector.extract_strided_slice %get3A_1166 {offsets = [4], sizes = [1], strides = [1]} : vector<16xi32> to vector<1xi32>
    %squeeze3A_1213 = vector.extract %slice3A_1212[0] : i32 from vector<1xi32>
    %swap3A_1214 = arith.constant 116 : i32
    %swap3A_1215 = arith.index_cast %swap3A_1214 : i32 to index
    %swap3A_1216 = memref.load %arg12[%swap3A_1215] : memref<128xi32, #tpu.memory_space<smem>>
    memref.store %squeeze3A_1213, %arg12[%swap3A_1215] : memref<128xi32, #tpu.memory_space<smem>>
    %slice3A_1217 = vector.extract_strided_slice %get3A_1163 {offsets = [5], sizes = [1], strides = [1]} : vector<16xi32> to vector<1xi32>
    %squeeze3A_1218 = vector.extract %slice3A_1217[0] : i32 from vector<1xi32>
    %swap3A_1219 = arith.constant 117 : i32
    %swap3A_1220 = arith.index_cast %swap3A_1219 : i32 to index
    %swap3A_1221 = memref.load %arg11[%swap3A_1220] : memref<128xi32, #tpu.memory_space<smem>>
    memref.store %squeeze3A_1218, %arg11[%swap3A_1220] : memref<128xi32, #tpu.memory_space<smem>>
    %slice3A_1222 = vector.extract_strided_slice %get3A_1166 {offsets = [5], sizes = [1], strides = [1]} : vector<16xi32> to vector<1xi32>
    %squeeze3A_1223 = vector.extract %slice3A_1222[0] : i32 from vector<1xi32>
    %swap3A_1224 = arith.constant 117 : i32
    %swap3A_1225 = arith.index_cast %swap3A_1224 : i32 to index
    %swap3A_1226 = memref.load %arg12[%swap3A_1225] : memref<128xi32, #tpu.memory_space<smem>>
    memref.store %squeeze3A_1223, %arg12[%swap3A_1225] : memref<128xi32, #tpu.memory_space<smem>>
    %slice3A_1227 = vector.extract_strided_slice %get3A_1163 {offsets = [6], sizes = [1], strides = [1]} : vector<16xi32> to vector<1xi32>
    %squeeze3A_1228 = vector.extract %slice3A_1227[0] : i32 from vector<1xi32>
    %swap3A_1229 = arith.constant 118 : i32
    %swap3A_1230 = arith.index_cast %swap3A_1229 : i32 to index
    %swap3A_1231 = memref.load %arg11[%swap3A_1230] : memref<128xi32, #tpu.memory_space<smem>>
    memref.store %squeeze3A_1228, %arg11[%swap3A_1230] : memref<128xi32, #tpu.memory_space<smem>>
    %slice3A_1232 = vector.extract_strided_slice %get3A_1166 {offsets = [6], sizes = [1], strides = [1]} : vector<16xi32> to vector<1xi32>
    %squeeze3A_1233 = vector.extract %slice3A_1232[0] : i32 from vector<1xi32>
    %swap3A_1234 = arith.constant 118 : i32
    %swap3A_1235 = arith.index_cast %swap3A_1234 : i32 to index
    %swap3A_1236 = memref.load %arg12[%swap3A_1235] : memref<128xi32, #tpu.memory_space<smem>>
    memref.store %squeeze3A_1233, %arg12[%swap3A_1235] : memref<128xi32, #tpu.memory_space<smem>>
    %slice3A_1237 = vector.extract_strided_slice %get3A_1163 {offsets = [7], sizes = [1], strides = [1]} : vector<16xi32> to vector<1xi32>
    %squeeze3A_1238 = vector.extract %slice3A_1237[0] : i32 from vector<1xi32>
    %swap3A_1239 = arith.constant 119 : i32
    %swap3A_1240 = arith.index_cast %swap3A_1239 : i32 to index
    %swap3A_1241 = memref.load %arg11[%swap3A_1240] : memref<128xi32, #tpu.memory_space<smem>>
    memref.store %squeeze3A_1238, %arg11[%swap3A_1240] : memref<128xi32, #tpu.memory_space<smem>>
    %slice3A_1242 = vector.extract_strided_slice %get3A_1166 {offsets = [7], sizes = [1], strides = [1]} : vector<16xi32> to vector<1xi32>
    %squeeze3A_1243 = vector.extract %slice3A_1242[0] : i32 from vector<1xi32>
    %swap3A_1244 = arith.constant 119 : i32
    %swap3A_1245 = arith.index_cast %swap3A_1244 : i32 to index
    %swap3A_1246 = memref.load %arg12[%swap3A_1245] : memref<128xi32, #tpu.memory_space<smem>>
    memref.store %squeeze3A_1243, %arg12[%swap3A_1245] : memref<128xi32, #tpu.memory_space<smem>>
    %slice3A_1247 = vector.extract_strided_slice %get3A_1163 {offsets = [8], sizes = [1], strides = [1]} : vector<16xi32> to vector<1xi32>
    %squeeze3A_1248 = vector.extract %slice3A_1247[0] : i32 from vector<1xi32>
    %swap3A_1249 = arith.constant 120 : i32
    %swap3A_1250 = arith.index_cast %swap3A_1249 : i32 to index
    %swap3A_1251 = memref.load %arg11[%swap3A_1250] : memref<128xi32, #tpu.memory_space<smem>>
    memref.store %squeeze3A_1248, %arg11[%swap3A_1250] : memref<128xi32, #tpu.memory_space<smem>>
    %slice3A_1252 = vector.extract_strided_slice %get3A_1166 {offsets = [8], sizes = [1], strides = [1]} : vector<16xi32> to vector<1xi32>
    %squeeze3A_1253 = vector.extract %slice3A_1252[0] : i32 from vector<1xi32>
    %swap3A_1254 = arith.constant 120 : i32
    %swap3A_1255 = arith.index_cast %swap3A_1254 : i32 to index
    %swap3A_1256 = memref.load %arg12[%swap3A_1255] : memref<128xi32, #tpu.memory_space<smem>>
    memref.store %squeeze3A_1253, %arg12[%swap3A_1255] : memref<128xi32, #tpu.memory_space<smem>>
    %slice3A_1257 = vector.extract_strided_slice %get3A_1163 {offsets = [9], sizes = [1], strides = [1]} : vector<16xi32> to vector<1xi32>
    %squeeze3A_1258 = vector.extract %slice3A_1257[0] : i32 from vector<1xi32>
    %swap3A_1259 = arith.constant 121 : i32
    %swap3A_1260 = arith.index_cast %swap3A_1259 : i32 to index
    %swap3A_1261 = memref.load %arg11[%swap3A_1260] : memref<128xi32, #tpu.memory_space<smem>>
    memref.store %squeeze3A_1258, %arg11[%swap3A_1260] : memref<128xi32, #tpu.memory_space<smem>>
    %slice3A_1262 = vector.extract_strided_slice %get3A_1166 {offsets = [9], sizes = [1], strides = [1]} : vector<16xi32> to vector<1xi32>
    %squeeze3A_1263 = vector.extract %slice3A_1262[0] : i32 from vector<1xi32>
    %swap3A_1264 = arith.constant 121 : i32
    %swap3A_1265 = arith.index_cast %swap3A_1264 : i32 to index
    %swap3A_1266 = memref.load %arg12[%swap3A_1265] : memref<128xi32, #tpu.memory_space<smem>>
    memref.store %squeeze3A_1263, %arg12[%swap3A_1265] : memref<128xi32, #tpu.memory_space<smem>>
    %slice3A_1267 = vector.extract_strided_slice %get3A_1163 {offsets = [10], sizes = [1], strides = [1]} : vector<16xi32> to vector<1xi32>
    %squeeze3A_1268 = vector.extract %slice3A_1267[0] : i32 from vector<1xi32>
    %swap3A_1269 = arith.constant 122 : i32
    %swap3A_1270 = arith.index_cast %swap3A_1269 : i32 to index
    %swap3A_1271 = memref.load %arg11[%swap3A_1270] : memref<128xi32, #tpu.memory_space<smem>>
    memref.store %squeeze3A_1268, %arg11[%swap3A_1270] : memref<128xi32, #tpu.memory_space<smem>>
    %slice3A_1272 = vector.extract_strided_slice %get3A_1166 {offsets = [10], sizes = [1], strides = [1]} : vector<16xi32> to vector<1xi32>
    %squeeze3A_1273 = vector.extract %slice3A_1272[0] : i32 from vector<1xi32>
    %swap3A_1274 = arith.constant 122 : i32
    %swap3A_1275 = arith.index_cast %swap3A_1274 : i32 to index
    %swap3A_1276 = memref.load %arg12[%swap3A_1275] : memref<128xi32, #tpu.memory_space<smem>>
    memref.store %squeeze3A_1273, %arg12[%swap3A_1275] : memref<128xi32, #tpu.memory_space<smem>>
    %slice3A_1277 = vector.extract_strided_slice %get3A_1163 {offsets = [11], sizes = [1], strides = [1]} : vector<16xi32> to vector<1xi32>
    %squeeze3A_1278 = vector.extract %slice3A_1277[0] : i32 from vector<1xi32>
    %swap3A_1279 = arith.constant 123 : i32
    %swap3A_1280 = arith.index_cast %swap3A_1279 : i32 to index
    %swap3A_1281 = memref.load %arg11[%swap3A_1280] : memref<128xi32, #tpu.memory_space<smem>>
    memref.store %squeeze3A_1278, %arg11[%swap3A_1280] : memref<128xi32, #tpu.memory_space<smem>>
    %slice3A_1282 = vector.extract_strided_slice %get3A_1166 {offsets = [11], sizes = [1], strides = [1]} : vector<16xi32> to vector<1xi32>
    %squeeze3A_1283 = vector.extract %slice3A_1282[0] : i32 from vector<1xi32>
    %swap3A_1284 = arith.constant 123 : i32
    %swap3A_1285 = arith.index_cast %swap3A_1284 : i32 to index
    %swap3A_1286 = memref.load %arg12[%swap3A_1285] : memref<128xi32, #tpu.memory_space<smem>>
    memref.store %squeeze3A_1283, %arg12[%swap3A_1285] : memref<128xi32, #tpu.memory_space<smem>>
    %slice3A_1287 = vector.extract_strided_slice %get3A_1163 {offsets = [12], sizes = [1], strides = [1]} : vector<16xi32> to vector<1xi32>
    %squeeze3A_1288 = vector.extract %slice3A_1287[0] : i32 from vector<1xi32>
    %swap3A_1289 = arith.constant 124 : i32
    %swap3A_1290 = arith.index_cast %swap3A_1289 : i32 to index
    %swap3A_1291 = memref.load %arg11[%swap3A_1290] : memref<128xi32, #tpu.memory_space<smem>>
    memref.store %squeeze3A_1288, %arg11[%swap3A_1290] : memref<128xi32, #tpu.memory_space<smem>>
    %slice3A_1292 = vector.extract_strided_slice %get3A_1166 {offsets = [12], sizes = [1], strides = [1]} : vector<16xi32> to vector<1xi32>
    %squeeze3A_1293 = vector.extract %slice3A_1292[0] : i32 from vector<1xi32>
    %swap3A_1294 = arith.constant 124 : i32
    %swap3A_1295 = arith.index_cast %swap3A_1294 : i32 to index
    %swap3A_1296 = memref.load %arg12[%swap3A_1295] : memref<128xi32, #tpu.memory_space<smem>>
    memref.store %squeeze3A_1293, %arg12[%swap3A_1295] : memref<128xi32, #tpu.memory_space<smem>>
    %slice3A_1297 = vector.extract_strided_slice %get3A_1163 {offsets = [13], sizes = [1], strides = [1]} : vector<16xi32> to vector<1xi32>
    %squeeze3A_1298 = vector.extract %slice3A_1297[0] : i32 from vector<1xi32>
    %swap3A_1299 = arith.constant 125 : i32
    %swap3A_1300 = arith.index_cast %swap3A_1299 : i32 to index
    %swap3A_1301 = memref.load %arg11[%swap3A_1300] : memref<128xi32, #tpu.memory_space<smem>>
    memref.store %squeeze3A_1298, %arg11[%swap3A_1300] : memref<128xi32, #tpu.memory_space<smem>>
    %slice3A_1302 = vector.extract_strided_slice %get3A_1166 {offsets = [13], sizes = [1], strides = [1]} : vector<16xi32> to vector<1xi32>
    %squeeze3A_1303 = vector.extract %slice3A_1302[0] : i32 from vector<1xi32>
    %swap3A_1304 = arith.constant 125 : i32
    %swap3A_1305 = arith.index_cast %swap3A_1304 : i32 to index
    %swap3A_1306 = memref.load %arg12[%swap3A_1305] : memref<128xi32, #tpu.memory_space<smem>>
    memref.store %squeeze3A_1303, %arg12[%swap3A_1305] : memref<128xi32, #tpu.memory_space<smem>>
    %slice3A_1307 = vector.extract_strided_slice %get3A_1163 {offsets = [14], sizes = [1], strides = [1]} : vector<16xi32> to vector<1xi32>
    %squeeze3A_1308 = vector.extract %slice3A_1307[0] : i32 from vector<1xi32>
    %swap3A_1309 = arith.constant 126 : i32
    %swap3A_1310 = arith.index_cast %swap3A_1309 : i32 to index
    %swap3A_1311 = memref.load %arg11[%swap3A_1310] : memref<128xi32, #tpu.memory_space<smem>>
    memref.store %squeeze3A_1308, %arg11[%swap3A_1310] : memref<128xi32, #tpu.memory_space<smem>>
    %slice3A_1312 = vector.extract_strided_slice %get3A_1166 {offsets = [14], sizes = [1], strides = [1]} : vector<16xi32> to vector<1xi32>
    %squeeze3A_1313 = vector.extract %slice3A_1312[0] : i32 from vector<1xi32>
    %swap3A_1314 = arith.constant 126 : i32
    %swap3A_1315 = arith.index_cast %swap3A_1314 : i32 to index
    %swap3A_1316 = memref.load %arg12[%swap3A_1315] : memref<128xi32, #tpu.memory_space<smem>>
    memref.store %squeeze3A_1313, %arg12[%swap3A_1315] : memref<128xi32, #tpu.memory_space<smem>>
    %slice3A_1317 = vector.extract_strided_slice %get3A_1163 {offsets = [15], sizes = [1], strides = [1]} : vector<16xi32> to vector<1xi32>
    %squeeze3A_1318 = vector.extract %slice3A_1317[0] : i32 from vector<1xi32>
    %swap3A_1319 = arith.constant 127 : i32
    %swap3A_1320 = arith.index_cast %swap3A_1319 : i32 to index
    %swap3A_1321 = memref.load %arg11[%swap3A_1320] : memref<128xi32, #tpu.memory_space<smem>>
    memref.store %squeeze3A_1318, %arg11[%swap3A_1320] : memref<128xi32, #tpu.memory_space<smem>>
    %slice3A_1322 = vector.extract_strided_slice %get3A_1166 {offsets = [15], sizes = [1], strides = [1]} : vector<16xi32> to vector<1xi32>
    %squeeze3A_1323 = vector.extract %slice3A_1322[0] : i32 from vector<1xi32>
    %swap3A_1324 = arith.constant 127 : i32
    %swap3A_1325 = arith.index_cast %swap3A_1324 : i32 to index
    %swap3A_1326 = memref.load %arg12[%swap3A_1325] : memref<128xi32, #tpu.memory_space<smem>>
    memref.store %squeeze3A_1323, %arg12[%swap3A_1325] : memref<128xi32, #tpu.memory_space<smem>>
    %get3A_1327 = arith.constant 0 : i32
    %get3A_1328 = arith.index_cast %get3A_1327 : i32 to index
    %get3A_1329 = memref.load %arg11[%get3A_1328] : memref<128xi32, #tpu.memory_space<smem>>
    %get3A_1330 = arith.constant 0 : i32
    %get3A_1331 = arith.index_cast %get3A_1330 : i32 to index
    %get3A_1332 = memref.load %arg12[%get3A_1331] : memref<128xi32, #tpu.memory_space<smem>>
    %shift_right_arithmetic3A = arith.constant 7 : i32
    %shift_right_arithmetic3A_1333 = arith.shrsi %get3A_1329, %shift_right_arithmetic3A : i32
    %mul3A_1334 = arith.constant 128 : i32
    %mul3A_1335 = arith.muli %shift_right_arithmetic3A_1333, %mul3A_1334 : i32
    %multiple_of3A = tpu.assume_multiple %mul3A_1335, 128 : i32
    %shift_right_arithmetic3A_1336 = arith.constant 7 : i32
    %shift_right_arithmetic3A_1337 = arith.shrsi %get3A_1332, %shift_right_arithmetic3A_1336 : i32
    %mul3A_1338 = arith.constant 128 : i32
    %mul3A_1339 = arith.muli %shift_right_arithmetic3A_1337, %mul3A_1338 : i32
    %multiple_of3A_1340 = tpu.assume_multiple %mul3A_1339, 128 : i32
    %dma_start3A = arith.constant 0 : i32
    %dma_start3A_1341 = arith.constant 0 : i32
    %dma_start3A_1342 = arith.constant 0 : i32
    %dma_start3A_1343 = tpu.memref_slice %arg15[%dma_start3A, %dma_start3A_1341, %dma_start3A_1342] : memref<8x32x128xf32, #tpu.memory_space<vmem>> -> memref<1x32x128xf32, #tpu.memory_space<vmem>>
    %dma_start3A_1344 = tpu.memref_squeeze %dma_start3A_1343 : memref<1x32x128xf32, #tpu.memory_space<vmem>> -> memref<32x128xf32, #tpu.memory_space<vmem>>
    %dma_start3A_1345 = arith.constant 0 : i32
    %dma_start3A_1346 = tpu.memref_slice %arg2[%dma_start3A_1345, %multiple_of3A] : memref<32x1000000xf32, #tpu.memory_space<hbm>> -> memref<32x128xf32, #tpu.memory_space<hbm>>
    %dma_start3A_1347 = arith.constant 0 : i32
    %dma_start3A_1348 = arith.constant 0 : i32
    %dma_start3A_1349 = tpu.memref_slice %arg15[%dma_start3A, %dma_start3A_1347, %dma_start3A_1348] : memref<8x32x128xf32, #tpu.memory_space<vmem>> -> memref<1x32x128xf32, #tpu.memory_space<vmem>>
    %dma_start3A_1350 = tpu.memref_squeeze %dma_start3A_1349 : memref<1x32x128xf32, #tpu.memory_space<vmem>> -> memref<32x128xf32, #tpu.memory_space<vmem>>
    %dma_start3A_1351 = arith.constant 0 : i32
    %dma_start3A_1352 = tpu.memref_slice %arg2[%dma_start3A_1351, %multiple_of3A] : memref<32x1000000xf32, #tpu.memory_space<hbm>> -> memref<32x128xf32, #tpu.memory_space<hbm>>
    tpu.enqueue_dma source(%dma_start3A_1352 : memref<32x128xf32, #tpu.memory_space<hbm>>) target(%dma_start3A_1350 : memref<32x128xf32, #tpu.memory_space<vmem>>) target_semaphore(%arg22 : memref<!tpu.dma_semaphore, #tpu.memory_space<semaphore_mem>>)
    %dma_start3A_1353 = arith.constant 0 : i32
    %dma_start3A_1354 = arith.constant 0 : i32
    %dma_start3A_1355 = arith.constant 0 : i32
    %dma_start3A_1356 = tpu.memref_slice %arg16[%dma_start3A_1353, %dma_start3A_1354, %dma_start3A_1355] : memref<8x32x128xf32, #tpu.memory_space<vmem>> -> memref<1x32x128xf32, #tpu.memory_space<vmem>>
    %dma_start3A_1357 = tpu.memref_squeeze %dma_start3A_1356 : memref<1x32x128xf32, #tpu.memory_space<vmem>> -> memref<32x128xf32, #tpu.memory_space<vmem>>
    %dma_start3A_1358 = arith.constant 0 : i32
    %dma_start3A_1359 = tpu.memref_slice %arg3[%dma_start3A_1358, %multiple_of3A_1340] : memref<32x1000000xf32, #tpu.memory_space<hbm>> -> memref<32x128xf32, #tpu.memory_space<hbm>>
    %dma_start3A_1360 = arith.constant 0 : i32
    %dma_start3A_1361 = arith.constant 0 : i32
    %dma_start3A_1362 = tpu.memref_slice %arg16[%dma_start3A_1353, %dma_start3A_1360, %dma_start3A_1361] : memref<8x32x128xf32, #tpu.memory_space<vmem>> -> memref<1x32x128xf32, #tpu.memory_space<vmem>>
    %dma_start3A_1363 = tpu.memref_squeeze %dma_start3A_1362 : memref<1x32x128xf32, #tpu.memory_space<vmem>> -> memref<32x128xf32, #tpu.memory_space<vmem>>
    %dma_start3A_1364 = arith.constant 0 : i32
    %dma_start3A_1365 = tpu.memref_slice %arg3[%dma_start3A_1364, %multiple_of3A_1340] : memref<32x1000000xf32, #tpu.memory_space<hbm>> -> memref<32x128xf32, #tpu.memory_space<hbm>>
    tpu.enqueue_dma source(%dma_start3A_1365 : memref<32x128xf32, #tpu.memory_space<hbm>>) target(%dma_start3A_1363 : memref<32x128xf32, #tpu.memory_space<vmem>>) target_semaphore(%arg23 : memref<!tpu.dma_semaphore, #tpu.memory_space<semaphore_mem>>)
    %dma_start3A_1366 = arith.constant 0 : i32
    %dma_start3A_1367 = arith.constant 0 : i32
    %dma_start3A_1368 = arith.constant 0 : i32
    %dma_start3A_1369 = tpu.memref_slice %arg17[%dma_start3A_1366, %dma_start3A_1367, %dma_start3A_1368] : memref<8x1x128xf32, #tpu.memory_space<vmem>> -> memref<1x1x128xf32, #tpu.memory_space<vmem>>
    %dma_start3A_1370 = tpu.memref_squeeze %dma_start3A_1369 : memref<1x1x128xf32, #tpu.memory_space<vmem>> -> memref<1x128xf32, #tpu.memory_space<vmem>>
    %dma_start3A_1371 = arith.constant 0 : i32
    %dma_start3A_1372 = tpu.memref_slice %arg4[%dma_start3A_1371, %multiple_of3A] : memref<1x1000000xf32, #tpu.memory_space<hbm>> -> memref<1x128xf32, #tpu.memory_space<hbm>>
    %dma_start3A_1373 = arith.constant 0 : i32
    %dma_start3A_1374 = arith.constant 0 : i32
    %dma_start3A_1375 = tpu.memref_slice %arg17[%dma_start3A_1366, %dma_start3A_1373, %dma_start3A_1374] : memref<8x1x128xf32, #tpu.memory_space<vmem>> -> memref<1x1x128xf32, #tpu.memory_space<vmem>>
    %dma_start3A_1376 = tpu.memref_squeeze %dma_start3A_1375 : memref<1x1x128xf32, #tpu.memory_space<vmem>> -> memref<1x128xf32, #tpu.memory_space<vmem>>
    %dma_start3A_1377 = arith.constant 0 : i32
    %dma_start3A_1378 = tpu.memref_slice %arg4[%dma_start3A_1377, %multiple_of3A] : memref<1x1000000xf32, #tpu.memory_space<hbm>> -> memref<1x128xf32, #tpu.memory_space<hbm>>
    tpu.enqueue_dma source(%dma_start3A_1378 : memref<1x128xf32, #tpu.memory_space<hbm>>) target(%dma_start3A_1376 : memref<1x128xf32, #tpu.memory_space<vmem>>) target_semaphore(%arg24 : memref<!tpu.dma_semaphore, #tpu.memory_space<semaphore_mem>>)
    %dma_start3A_1379 = arith.constant 0 : i32
    %dma_start3A_1380 = arith.constant 0 : i32
    %dma_start3A_1381 = arith.constant 0 : i32
    %dma_start3A_1382 = tpu.memref_slice %arg18[%dma_start3A_1379, %dma_start3A_1380, %dma_start3A_1381] : memref<8x1x128xf32, #tpu.memory_space<vmem>> -> memref<1x1x128xf32, #tpu.memory_space<vmem>>
    %dma_start3A_1383 = tpu.memref_squeeze %dma_start3A_1382 : memref<1x1x128xf32, #tpu.memory_space<vmem>> -> memref<1x128xf32, #tpu.memory_space<vmem>>
    %dma_start3A_1384 = arith.constant 0 : i32
    %dma_start3A_1385 = tpu.memref_slice %arg5[%dma_start3A_1384, %multiple_of3A_1340] : memref<1x1000000xf32, #tpu.memory_space<hbm>> -> memref<1x128xf32, #tpu.memory_space<hbm>>
    %dma_start3A_1386 = arith.constant 0 : i32
    %dma_start3A_1387 = arith.constant 0 : i32
    %dma_start3A_1388 = tpu.memref_slice %arg18[%dma_start3A_1379, %dma_start3A_1386, %dma_start3A_1387] : memref<8x1x128xf32, #tpu.memory_space<vmem>> -> memref<1x1x128xf32, #tpu.memory_space<vmem>>
    %dma_start3A_1389 = tpu.memref_squeeze %dma_start3A_1388 : memref<1x1x128xf32, #tpu.memory_space<vmem>> -> memref<1x128xf32, #tpu.memory_space<vmem>>
    %dma_start3A_1390 = arith.constant 0 : i32
    %dma_start3A_1391 = tpu.memref_slice %arg5[%dma_start3A_1390, %multiple_of3A_1340] : memref<1x1000000xf32, #tpu.memory_space<hbm>> -> memref<1x128xf32, #tpu.memory_space<hbm>>
    tpu.enqueue_dma source(%dma_start3A_1391 : memref<1x128xf32, #tpu.memory_space<hbm>>) target(%dma_start3A_1389 : memref<1x128xf32, #tpu.memory_space<vmem>>) target_semaphore(%arg25 : memref<!tpu.dma_semaphore, #tpu.memory_space<semaphore_mem>>)
    %get3A_1392 = arith.constant 1 : i32
    %get3A_1393 = arith.index_cast %get3A_1392 : i32 to index
    %get3A_1394 = memref.load %arg11[%get3A_1393] : memref<128xi32, #tpu.memory_space<smem>>
    %get3A_1395 = arith.constant 1 : i32
    %get3A_1396 = arith.index_cast %get3A_1395 : i32 to index
    %get3A_1397 = memref.load %arg12[%get3A_1396] : memref<128xi32, #tpu.memory_space<smem>>
    %shift_right_arithmetic3A_1398 = arith.constant 7 : i32
    %shift_right_arithmetic3A_1399 = arith.shrsi %get3A_1394, %shift_right_arithmetic3A_1398 : i32
    %mul3A_1400 = arith.constant 128 : i32
    %mul3A_1401 = arith.muli %shift_right_arithmetic3A_1399, %mul3A_1400 : i32
    %multiple_of3A_1402 = tpu.assume_multiple %mul3A_1401, 128 : i32
    %shift_right_arithmetic3A_1403 = arith.constant 7 : i32
    %shift_right_arithmetic3A_1404 = arith.shrsi %get3A_1397, %shift_right_arithmetic3A_1403 : i32
    %mul3A_1405 = arith.constant 128 : i32
    %mul3A_1406 = arith.muli %shift_right_arithmetic3A_1404, %mul3A_1405 : i32
    %multiple_of3A_1407 = tpu.assume_multiple %mul3A_1406, 128 : i32
    %dma_start3A_1408 = arith.constant 1 : i32
    %dma_start3A_1409 = arith.constant 0 : i32
    %dma_start3A_1410 = arith.constant 0 : i32
    %dma_start3A_1411 = tpu.memref_slice %arg15[%dma_start3A_1408, %dma_start3A_1409, %dma_start3A_1410] : memref<8x32x128xf32, #tpu.memory_space<vmem>> -> memref<1x32x128xf32, #tpu.memory_space<vmem>>
    %dma_start3A_1412 = tpu.memref_squeeze %dma_start3A_1411 : memref<1x32x128xf32, #tpu.memory_space<vmem>> -> memref<32x128xf32, #tpu.memory_space<vmem>>
    %dma_start3A_1413 = arith.constant 0 : i32
    %dma_start3A_1414 = tpu.memref_slice %arg2[%dma_start3A_1413, %multiple_of3A_1402] : memref<32x1000000xf32, #tpu.memory_space<hbm>> -> memref<32x128xf32, #tpu.memory_space<hbm>>
    %dma_start3A_1415 = arith.constant 0 : i32
    %dma_start3A_1416 = arith.constant 0 : i32
    %dma_start3A_1417 = tpu.memref_slice %arg15[%dma_start3A_1408, %dma_start3A_1415, %dma_start3A_1416] : memref<8x32x128xf32, #tpu.memory_space<vmem>> -> memref<1x32x128xf32, #tpu.memory_space<vmem>>
    %dma_start3A_1418 = tpu.memref_squeeze %dma_start3A_1417 : memref<1x32x128xf32, #tpu.memory_space<vmem>> -> memref<32x128xf32, #tpu.memory_space<vmem>>
    %dma_start3A_1419 = arith.constant 0 : i32
    %dma_start3A_1420 = tpu.memref_slice %arg2[%dma_start3A_1419, %multiple_of3A_1402] : memref<32x1000000xf32, #tpu.memory_space<hbm>> -> memref<32x128xf32, #tpu.memory_space<hbm>>
    tpu.enqueue_dma source(%dma_start3A_1420 : memref<32x128xf32, #tpu.memory_space<hbm>>) target(%dma_start3A_1418 : memref<32x128xf32, #tpu.memory_space<vmem>>) target_semaphore(%arg22 : memref<!tpu.dma_semaphore, #tpu.memory_space<semaphore_mem>>)
    %dma_start3A_1421 = arith.constant 1 : i32
    %dma_start3A_1422 = arith.constant 0 : i32
    %dma_start3A_1423 = arith.constant 0 : i32
    %dma_start3A_1424 = tpu.memref_slice %arg16[%dma_start3A_1421, %dma_start3A_1422, %dma_start3A_1423] : memref<8x32x128xf32, #tpu.memory_space<vmem>> -> memref<1x32x128xf32, #tpu.memory_space<vmem>>
    %dma_start3A_1425 = tpu.memref_squeeze %dma_start3A_1424 : memref<1x32x128xf32, #tpu.memory_space<vmem>> -> memref<32x128xf32, #tpu.memory_space<vmem>>
    %dma_start3A_1426 = arith.constant 0 : i32
    %dma_start3A_1427 = tpu.memref_slice %arg3[%dma_start3A_1426, %multiple_of3A_1407] : memref<32x1000000xf32, #tpu.memory_space<hbm>> -> memref<32x128xf32, #tpu.memory_space<hbm>>
    %dma_start3A_1428 = arith.constant 0 : i32
    %dma_start3A_1429 = arith.constant 0 : i32
    %dma_start3A_1430 = tpu.memref_slice %arg16[%dma_start3A_1421, %dma_start3A_1428, %dma_start3A_1429] : memref<8x32x128xf32, #tpu.memory_space<vmem>> -> memref<1x32x128xf32, #tpu.memory_space<vmem>>
    %dma_start3A_1431 = tpu.memref_squeeze %dma_start3A_1430 : memref<1x32x128xf32, #tpu.memory_space<vmem>> -> memref<32x128xf32, #tpu.memory_space<vmem>>
    %dma_start3A_1432 = arith.constant 0 : i32
    %dma_start3A_1433 = tpu.memref_slice %arg3[%dma_start3A_1432, %multiple_of3A_1407] : memref<32x1000000xf32, #tpu.memory_space<hbm>> -> memref<32x128xf32, #tpu.memory_space<hbm>>
    tpu.enqueue_dma source(%dma_start3A_1433 : memref<32x128xf32, #tpu.memory_space<hbm>>) target(%dma_start3A_1431 : memref<32x128xf32, #tpu.memory_space<vmem>>) target_semaphore(%arg23 : memref<!tpu.dma_semaphore, #tpu.memory_space<semaphore_mem>>)
    %dma_start3A_1434 = arith.constant 1 : i32
    %dma_start3A_1435 = arith.constant 0 : i32
    %dma_start3A_1436 = arith.constant 0 : i32
    %dma_start3A_1437 = tpu.memref_slice %arg17[%dma_start3A_1434, %dma_start3A_1435, %dma_start3A_1436] : memref<8x1x128xf32, #tpu.memory_space<vmem>> -> memref<1x1x128xf32, #tpu.memory_space<vmem>>
    %dma_start3A_1438 = tpu.memref_squeeze %dma_start3A_1437 : memref<1x1x128xf32, #tpu.memory_space<vmem>> -> memref<1x128xf32, #tpu.memory_space<vmem>>
    %dma_start3A_1439 = arith.constant 0 : i32
    %dma_start3A_1440 = tpu.memref_slice %arg4[%dma_start3A_1439, %multiple_of3A_1402] : memref<1x1000000xf32, #tpu.memory_space<hbm>> -> memref<1x128xf32, #tpu.memory_space<hbm>>
    %dma_start3A_1441 = arith.constant 0 : i32
    %dma_start3A_1442 = arith.constant 0 : i32
    %dma_start3A_1443 = tpu.memref_slice %arg17[%dma_start3A_1434, %dma_start3A_1441, %dma_start3A_1442] : memref<8x1x128xf32, #tpu.memory_space<vmem>> -> memref<1x1x128xf32, #tpu.memory_space<vmem>>
    %dma_start3A_1444 = tpu.memref_squeeze %dma_start3A_1443 : memref<1x1x128xf32, #tpu.memory_space<vmem>> -> memref<1x128xf32, #tpu.memory_space<vmem>>
    %dma_start3A_1445 = arith.constant 0 : i32
    %dma_start3A_1446 = tpu.memref_slice %arg4[%dma_start3A_1445, %multiple_of3A_1402] : memref<1x1000000xf32, #tpu.memory_space<hbm>> -> memref<1x128xf32, #tpu.memory_space<hbm>>
    tpu.enqueue_dma source(%dma_start3A_1446 : memref<1x128xf32, #tpu.memory_space<hbm>>) target(%dma_start3A_1444 : memref<1x128xf32, #tpu.memory_space<vmem>>) target_semaphore(%arg24 : memref<!tpu.dma_semaphore, #tpu.memory_space<semaphore_mem>>)
    %dma_start3A_1447 = arith.constant 1 : i32
    %dma_start3A_1448 = arith.constant 0 : i32
    %dma_start3A_1449 = arith.constant 0 : i32
    %dma_start3A_1450 = tpu.memref_slice %arg18[%dma_start3A_1447, %dma_start3A_1448, %dma_start3A_1449] : memref<8x1x128xf32, #tpu.memory_space<vmem>> -> memref<1x1x128xf32, #tpu.memory_space<vmem>>
    %dma_start3A_1451 = tpu.memref_squeeze %dma_start3A_1450 : memref<1x1x128xf32, #tpu.memory_space<vmem>> -> memref<1x128xf32, #tpu.memory_space<vmem>>
    %dma_start3A_1452 = arith.constant 0 : i32
    %dma_start3A_1453 = tpu.memref_slice %arg5[%dma_start3A_1452, %multiple_of3A_1407] : memref<1x1000000xf32, #tpu.memory_space<hbm>> -> memref<1x128xf32, #tpu.memory_space<hbm>>
    %dma_start3A_1454 = arith.constant 0 : i32
    %dma_start3A_1455 = arith.constant 0 : i32
    %dma_start3A_1456 = tpu.memref_slice %arg18[%dma_start3A_1447, %dma_start3A_1454, %dma_start3A_1455] : memref<8x1x128xf32, #tpu.memory_space<vmem>> -> memref<1x1x128xf32, #tpu.memory_space<vmem>>
    %dma_start3A_1457 = tpu.memref_squeeze %dma_start3A_1456 : memref<1x1x128xf32, #tpu.memory_space<vmem>> -> memref<1x128xf32, #tpu.memory_space<vmem>>
    %dma_start3A_1458 = arith.constant 0 : i32
    %dma_start3A_1459 = tpu.memref_slice %arg5[%dma_start3A_1458, %multiple_of3A_1407] : memref<1x1000000xf32, #tpu.memory_space<hbm>> -> memref<1x128xf32, #tpu.memory_space<hbm>>
    tpu.enqueue_dma source(%dma_start3A_1459 : memref<1x128xf32, #tpu.memory_space<hbm>>) target(%dma_start3A_1457 : memref<1x128xf32, #tpu.memory_space<vmem>>) target_semaphore(%arg25 : memref<!tpu.dma_semaphore, #tpu.memory_space<semaphore_mem>>)
    %get3A_1460 = arith.constant 2 : i32
    %get3A_1461 = arith.index_cast %get3A_1460 : i32 to index
    %get3A_1462 = memref.load %arg11[%get3A_1461] : memref<128xi32, #tpu.memory_space<smem>>
    %get3A_1463 = arith.constant 2 : i32
    %get3A_1464 = arith.index_cast %get3A_1463 : i32 to index
    %get3A_1465 = memref.load %arg12[%get3A_1464] : memref<128xi32, #tpu.memory_space<smem>>
    %shift_right_arithmetic3A_1466 = arith.constant 7 : i32
    %shift_right_arithmetic3A_1467 = arith.shrsi %get3A_1462, %shift_right_arithmetic3A_1466 : i32
    %mul3A_1468 = arith.constant 128 : i32
    %mul3A_1469 = arith.muli %shift_right_arithmetic3A_1467, %mul3A_1468 : i32
    %multiple_of3A_1470 = tpu.assume_multiple %mul3A_1469, 128 : i32
    %shift_right_arithmetic3A_1471 = arith.constant 7 : i32
    %shift_right_arithmetic3A_1472 = arith.shrsi %get3A_1465, %shift_right_arithmetic3A_1471 : i32
    %mul3A_1473 = arith.constant 128 : i32
    %mul3A_1474 = arith.muli %shift_right_arithmetic3A_1472, %mul3A_1473 : i32
    %multiple_of3A_1475 = tpu.assume_multiple %mul3A_1474, 128 : i32
    %dma_start3A_1476 = arith.constant 2 : i32
    %dma_start3A_1477 = arith.constant 0 : i32
    %dma_start3A_1478 = arith.constant 0 : i32
    %dma_start3A_1479 = tpu.memref_slice %arg15[%dma_start3A_1476, %dma_start3A_1477, %dma_start3A_1478] : memref<8x32x128xf32, #tpu.memory_space<vmem>> -> memref<1x32x128xf32, #tpu.memory_space<vmem>>
    %dma_start3A_1480 = tpu.memref_squeeze %dma_start3A_1479 : memref<1x32x128xf32, #tpu.memory_space<vmem>> -> memref<32x128xf32, #tpu.memory_space<vmem>>
    %dma_start3A_1481 = arith.constant 0 : i32
    %dma_start3A_1482 = tpu.memref_slice %arg2[%dma_start3A_1481, %multiple_of3A_1470] : memref<32x1000000xf32, #tpu.memory_space<hbm>> -> memref<32x128xf32, #tpu.memory_space<hbm>>
    %dma_start3A_1483 = arith.constant 0 : i32
    %dma_start3A_1484 = arith.constant 0 : i32
    %dma_start3A_1485 = tpu.memref_slice %arg15[%dma_start3A_1476, %dma_start3A_1483, %dma_start3A_1484] : memref<8x32x128xf32, #tpu.memory_space<vmem>> -> memref<1x32x128xf32, #tpu.memory_space<vmem>>
    %dma_start3A_1486 = tpu.memref_squeeze %dma_start3A_1485 : memref<1x32x128xf32, #tpu.memory_space<vmem>> -> memref<32x128xf32, #tpu.memory_space<vmem>>
    %dma_start3A_1487 = arith.constant 0 : i32
    %dma_start3A_1488 = tpu.memref_slice %arg2[%dma_start3A_1487, %multiple_of3A_1470] : memref<32x1000000xf32, #tpu.memory_space<hbm>> -> memref<32x128xf32, #tpu.memory_space<hbm>>
    tpu.enqueue_dma source(%dma_start3A_1488 : memref<32x128xf32, #tpu.memory_space<hbm>>) target(%dma_start3A_1486 : memref<32x128xf32, #tpu.memory_space<vmem>>) target_semaphore(%arg22 : memref<!tpu.dma_semaphore, #tpu.memory_space<semaphore_mem>>)
    %dma_start3A_1489 = arith.constant 2 : i32
    %dma_start3A_1490 = arith.constant 0 : i32
    %dma_start3A_1491 = arith.constant 0 : i32
    %dma_start3A_1492 = tpu.memref_slice %arg16[%dma_start3A_1489, %dma_start3A_1490, %dma_start3A_1491] : memref<8x32x128xf32, #tpu.memory_space<vmem>> -> memref<1x32x128xf32, #tpu.memory_space<vmem>>
    %dma_start3A_1493 = tpu.memref_squeeze %dma_start3A_1492 : memref<1x32x128xf32, #tpu.memory_space<vmem>> -> memref<32x128xf32, #tpu.memory_space<vmem>>
    %dma_start3A_1494 = arith.constant 0 : i32
    %dma_start3A_1495 = tpu.memref_slice %arg3[%dma_start3A_1494, %multiple_of3A_1475] : memref<32x1000000xf32, #tpu.memory_space<hbm>> -> memref<32x128xf32, #tpu.memory_space<hbm>>
    %dma_start3A_1496 = arith.constant 0 : i32
    %dma_start3A_1497 = arith.constant 0 : i32
    %dma_start3A_1498 = tpu.memref_slice %arg16[%dma_start3A_1489, %dma_start3A_1496, %dma_start3A_1497] : memref<8x32x128xf32, #tpu.memory_space<vmem>> -> memref<1x32x128xf32, #tpu.memory_space<vmem>>
    %dma_start3A_1499 = tpu.memref_squeeze %dma_start3A_1498 : memref<1x32x128xf32, #tpu.memory_space<vmem>> -> memref<32x128xf32, #tpu.memory_space<vmem>>
    %dma_start3A_1500 = arith.constant 0 : i32
    %dma_start3A_1501 = tpu.memref_slice %arg3[%dma_start3A_1500, %multiple_of3A_1475] : memref<32x1000000xf32, #tpu.memory_space<hbm>> -> memref<32x128xf32, #tpu.memory_space<hbm>>
    tpu.enqueue_dma source(%dma_start3A_1501 : memref<32x128xf32, #tpu.memory_space<hbm>>) target(%dma_start3A_1499 : memref<32x128xf32, #tpu.memory_space<vmem>>) target_semaphore(%arg23 : memref<!tpu.dma_semaphore, #tpu.memory_space<semaphore_mem>>)
    %dma_start3A_1502 = arith.constant 2 : i32
    %dma_start3A_1503 = arith.constant 0 : i32
    %dma_start3A_1504 = arith.constant 0 : i32
    %dma_start3A_1505 = tpu.memref_slice %arg17[%dma_start3A_1502, %dma_start3A_1503, %dma_start3A_1504] : memref<8x1x128xf32, #tpu.memory_space<vmem>> -> memref<1x1x128xf32, #tpu.memory_space<vmem>>
    %dma_start3A_1506 = tpu.memref_squeeze %dma_start3A_1505 : memref<1x1x128xf32, #tpu.memory_space<vmem>> -> memref<1x128xf32, #tpu.memory_space<vmem>>
    %dma_start3A_1507 = arith.constant 0 : i32
    %dma_start3A_1508 = tpu.memref_slice %arg4[%dma_start3A_1507, %multiple_of3A_1470] : memref<1x1000000xf32, #tpu.memory_space<hbm>> -> memref<1x128xf32, #tpu.memory_space<hbm>>
    %dma_start3A_1509 = arith.constant 0 : i32
    %dma_start3A_1510 = arith.constant 0 : i32
    %dma_start3A_1511 = tpu.memref_slice %arg17[%dma_start3A_1502, %dma_start3A_1509, %dma_start3A_1510] : memref<8x1x128xf32, #tpu.memory_space<vmem>> -> memref<1x1x128xf32, #tpu.memory_space<vmem>>
    %dma_start3A_1512 = tpu.memref_squeeze %dma_start3A_1511 : memref<1x1x128xf32, #tpu.memory_space<vmem>> -> memref<1x128xf32, #tpu.memory_space<vmem>>
    %dma_start3A_1513 = arith.constant 0 : i32
    %dma_start3A_1514 = tpu.memref_slice %arg4[%dma_start3A_1513, %multiple_of3A_1470] : memref<1x1000000xf32, #tpu.memory_space<hbm>> -> memref<1x128xf32, #tpu.memory_space<hbm>>
    tpu.enqueue_dma source(%dma_start3A_1514 : memref<1x128xf32, #tpu.memory_space<hbm>>) target(%dma_start3A_1512 : memref<1x128xf32, #tpu.memory_space<vmem>>) target_semaphore(%arg24 : memref<!tpu.dma_semaphore, #tpu.memory_space<semaphore_mem>>)
    %dma_start3A_1515 = arith.constant 2 : i32
    %dma_start3A_1516 = arith.constant 0 : i32
    %dma_start3A_1517 = arith.constant 0 : i32
    %dma_start3A_1518 = tpu.memref_slice %arg18[%dma_start3A_1515, %dma_start3A_1516, %dma_start3A_1517] : memref<8x1x128xf32, #tpu.memory_space<vmem>> -> memref<1x1x128xf32, #tpu.memory_space<vmem>>
    %dma_start3A_1519 = tpu.memref_squeeze %dma_start3A_1518 : memref<1x1x128xf32, #tpu.memory_space<vmem>> -> memref<1x128xf32, #tpu.memory_space<vmem>>
    %dma_start3A_1520 = arith.constant 0 : i32
    %dma_start3A_1521 = tpu.memref_slice %arg5[%dma_start3A_1520, %multiple_of3A_1475] : memref<1x1000000xf32, #tpu.memory_space<hbm>> -> memref<1x128xf32, #tpu.memory_space<hbm>>
    %dma_start3A_1522 = arith.constant 0 : i32
    %dma_start3A_1523 = arith.constant 0 : i32
    %dma_start3A_1524 = tpu.memref_slice %arg18[%dma_start3A_1515, %dma_start3A_1522, %dma_start3A_1523] : memref<8x1x128xf32, #tpu.memory_space<vmem>> -> memref<1x1x128xf32, #tpu.memory_space<vmem>>
    %dma_start3A_1525 = tpu.memref_squeeze %dma_start3A_1524 : memref<1x1x128xf32, #tpu.memory_space<vmem>> -> memref<1x128xf32, #tpu.memory_space<vmem>>
    %dma_start3A_1526 = arith.constant 0 : i32
    %dma_start3A_1527 = tpu.memref_slice %arg5[%dma_start3A_1526, %multiple_of3A_1475] : memref<1x1000000xf32, #tpu.memory_space<hbm>> -> memref<1x128xf32, #tpu.memory_space<hbm>>
    tpu.enqueue_dma source(%dma_start3A_1527 : memref<1x128xf32, #tpu.memory_space<hbm>>) target(%dma_start3A_1525 : memref<1x128xf32, #tpu.memory_space<vmem>>) target_semaphore(%arg25 : memref<!tpu.dma_semaphore, #tpu.memory_space<semaphore_mem>>)
    %get3A_1528 = arith.constant 3 : i32
    %get3A_1529 = arith.index_cast %get3A_1528 : i32 to index
    %get3A_1530 = memref.load %arg11[%get3A_1529] : memref<128xi32, #tpu.memory_space<smem>>
    %get3A_1531 = arith.constant 3 : i32
    %get3A_1532 = arith.index_cast %get3A_1531 : i32 to index
    %get3A_1533 = memref.load %arg12[%get3A_1532] : memref<128xi32, #tpu.memory_space<smem>>
    %shift_right_arithmetic3A_1534 = arith.constant 7 : i32
    %shift_right_arithmetic3A_1535 = arith.shrsi %get3A_1530, %shift_right_arithmetic3A_1534 : i32
    %mul3A_1536 = arith.constant 128 : i32
    %mul3A_1537 = arith.muli %shift_right_arithmetic3A_1535, %mul3A_1536 : i32
    %multiple_of3A_1538 = tpu.assume_multiple %mul3A_1537, 128 : i32
    %shift_right_arithmetic3A_1539 = arith.constant 7 : i32
    %shift_right_arithmetic3A_1540 = arith.shrsi %get3A_1533, %shift_right_arithmetic3A_1539 : i32
    %mul3A_1541 = arith.constant 128 : i32
    %mul3A_1542 = arith.muli %shift_right_arithmetic3A_1540, %mul3A_1541 : i32
    %multiple_of3A_1543 = tpu.assume_multiple %mul3A_1542, 128 : i32
    %dma_start3A_1544 = arith.constant 3 : i32
    %dma_start3A_1545 = arith.constant 0 : i32
    %dma_start3A_1546 = arith.constant 0 : i32
    %dma_start3A_1547 = tpu.memref_slice %arg15[%dma_start3A_1544, %dma_start3A_1545, %dma_start3A_1546] : memref<8x32x128xf32, #tpu.memory_space<vmem>> -> memref<1x32x128xf32, #tpu.memory_space<vmem>>
    %dma_start3A_1548 = tpu.memref_squeeze %dma_start3A_1547 : memref<1x32x128xf32, #tpu.memory_space<vmem>> -> memref<32x128xf32, #tpu.memory_space<vmem>>
    %dma_start3A_1549 = arith.constant 0 : i32
    %dma_start3A_1550 = tpu.memref_slice %arg2[%dma_start3A_1549, %multiple_of3A_1538] : memref<32x1000000xf32, #tpu.memory_space<hbm>> -> memref<32x128xf32, #tpu.memory_space<hbm>>
    %dma_start3A_1551 = arith.constant 0 : i32
    %dma_start3A_1552 = arith.constant 0 : i32
    %dma_start3A_1553 = tpu.memref_slice %arg15[%dma_start3A_1544, %dma_start3A_1551, %dma_start3A_1552] : memref<8x32x128xf32, #tpu.memory_space<vmem>> -> memref<1x32x128xf32, #tpu.memory_space<vmem>>
    %dma_start3A_1554 = tpu.memref_squeeze %dma_start3A_1553 : memref<1x32x128xf32, #tpu.memory_space<vmem>> -> memref<32x128xf32, #tpu.memory_space<vmem>>
    %dma_start3A_1555 = arith.constant 0 : i32
    %dma_start3A_1556 = tpu.memref_slice %arg2[%dma_start3A_1555, %multiple_of3A_1538] : memref<32x1000000xf32, #tpu.memory_space<hbm>> -> memref<32x128xf32, #tpu.memory_space<hbm>>
    tpu.enqueue_dma source(%dma_start3A_1556 : memref<32x128xf32, #tpu.memory_space<hbm>>) target(%dma_start3A_1554 : memref<32x128xf32, #tpu.memory_space<vmem>>) target_semaphore(%arg22 : memref<!tpu.dma_semaphore, #tpu.memory_space<semaphore_mem>>)
    %dma_start3A_1557 = arith.constant 3 : i32
    %dma_start3A_1558 = arith.constant 0 : i32
    %dma_start3A_1559 = arith.constant 0 : i32
    %dma_start3A_1560 = tpu.memref_slice %arg16[%dma_start3A_1557, %dma_start3A_1558, %dma_start3A_1559] : memref<8x32x128xf32, #tpu.memory_space<vmem>> -> memref<1x32x128xf32, #tpu.memory_space<vmem>>
    %dma_start3A_1561 = tpu.memref_squeeze %dma_start3A_1560 : memref<1x32x128xf32, #tpu.memory_space<vmem>> -> memref<32x128xf32, #tpu.memory_space<vmem>>
    %dma_start3A_1562 = arith.constant 0 : i32
    %dma_start3A_1563 = tpu.memref_slice %arg3[%dma_start3A_1562, %multiple_of3A_1543] : memref<32x1000000xf32, #tpu.memory_space<hbm>> -> memref<32x128xf32, #tpu.memory_space<hbm>>
    %dma_start3A_1564 = arith.constant 0 : i32
    %dma_start3A_1565 = arith.constant 0 : i32
    %dma_start3A_1566 = tpu.memref_slice %arg16[%dma_start3A_1557, %dma_start3A_1564, %dma_start3A_1565] : memref<8x32x128xf32, #tpu.memory_space<vmem>> -> memref<1x32x128xf32, #tpu.memory_space<vmem>>
    %dma_start3A_1567 = tpu.memref_squeeze %dma_start3A_1566 : memref<1x32x128xf32, #tpu.memory_space<vmem>> -> memref<32x128xf32, #tpu.memory_space<vmem>>
    %dma_start3A_1568 = arith.constant 0 : i32
    %dma_start3A_1569 = tpu.memref_slice %arg3[%dma_start3A_1568, %multiple_of3A_1543] : memref<32x1000000xf32, #tpu.memory_space<hbm>> -> memref<32x128xf32, #tpu.memory_space<hbm>>
    tpu.enqueue_dma source(%dma_start3A_1569 : memref<32x128xf32, #tpu.memory_space<hbm>>) target(%dma_start3A_1567 : memref<32x128xf32, #tpu.memory_space<vmem>>) target_semaphore(%arg23 : memref<!tpu.dma_semaphore, #tpu.memory_space<semaphore_mem>>)
    %dma_start3A_1570 = arith.constant 3 : i32
    %dma_start3A_1571 = arith.constant 0 : i32
    %dma_start3A_1572 = arith.constant 0 : i32
    %dma_start3A_1573 = tpu.memref_slice %arg17[%dma_start3A_1570, %dma_start3A_1571, %dma_start3A_1572] : memref<8x1x128xf32, #tpu.memory_space<vmem>> -> memref<1x1x128xf32, #tpu.memory_space<vmem>>
    %dma_start3A_1574 = tpu.memref_squeeze %dma_start3A_1573 : memref<1x1x128xf32, #tpu.memory_space<vmem>> -> memref<1x128xf32, #tpu.memory_space<vmem>>
    %dma_start3A_1575 = arith.constant 0 : i32
    %dma_start3A_1576 = tpu.memref_slice %arg4[%dma_start3A_1575, %multiple_of3A_1538] : memref<1x1000000xf32, #tpu.memory_space<hbm>> -> memref<1x128xf32, #tpu.memory_space<hbm>>
    %dma_start3A_1577 = arith.constant 0 : i32
    %dma_start3A_1578 = arith.constant 0 : i32
    %dma_start3A_1579 = tpu.memref_slice %arg17[%dma_start3A_1570, %dma_start3A_1577, %dma_start3A_1578] : memref<8x1x128xf32, #tpu.memory_space<vmem>> -> memref<1x1x128xf32, #tpu.memory_space<vmem>>
    %dma_start3A_1580 = tpu.memref_squeeze %dma_start3A_1579 : memref<1x1x128xf32, #tpu.memory_space<vmem>> -> memref<1x128xf32, #tpu.memory_space<vmem>>
    %dma_start3A_1581 = arith.constant 0 : i32
    %dma_start3A_1582 = tpu.memref_slice %arg4[%dma_start3A_1581, %multiple_of3A_1538] : memref<1x1000000xf32, #tpu.memory_space<hbm>> -> memref<1x128xf32, #tpu.memory_space<hbm>>
    tpu.enqueue_dma source(%dma_start3A_1582 : memref<1x128xf32, #tpu.memory_space<hbm>>) target(%dma_start3A_1580 : memref<1x128xf32, #tpu.memory_space<vmem>>) target_semaphore(%arg24 : memref<!tpu.dma_semaphore, #tpu.memory_space<semaphore_mem>>)
    %dma_start3A_1583 = arith.constant 3 : i32
    %dma_start3A_1584 = arith.constant 0 : i32
    %dma_start3A_1585 = arith.constant 0 : i32
    %dma_start3A_1586 = tpu.memref_slice %arg18[%dma_start3A_1583, %dma_start3A_1584, %dma_start3A_1585] : memref<8x1x128xf32, #tpu.memory_space<vmem>> -> memref<1x1x128xf32, #tpu.memory_space<vmem>>
    %dma_start3A_1587 = tpu.memref_squeeze %dma_start3A_1586 : memref<1x1x128xf32, #tpu.memory_space<vmem>> -> memref<1x128xf32, #tpu.memory_space<vmem>>
    %dma_start3A_1588 = arith.constant 0 : i32
    %dma_start3A_1589 = tpu.memref_slice %arg5[%dma_start3A_1588, %multiple_of3A_1543] : memref<1x1000000xf32, #tpu.memory_space<hbm>> -> memref<1x128xf32, #tpu.memory_space<hbm>>
    %dma_start3A_1590 = arith.constant 0 : i32
    %dma_start3A_1591 = arith.constant 0 : i32
    %dma_start3A_1592 = tpu.memref_slice %arg18[%dma_start3A_1583, %dma_start3A_1590, %dma_start3A_1591] : memref<8x1x128xf32, #tpu.memory_space<vmem>> -> memref<1x1x128xf32, #tpu.memory_space<vmem>>
    %dma_start3A_1593 = tpu.memref_squeeze %dma_start3A_1592 : memref<1x1x128xf32, #tpu.memory_space<vmem>> -> memref<1x128xf32, #tpu.memory_space<vmem>>
    %dma_start3A_1594 = arith.constant 0 : i32
    %dma_start3A_1595 = tpu.memref_slice %arg5[%dma_start3A_1594, %multiple_of3A_1543] : memref<1x1000000xf32, #tpu.memory_space<hbm>> -> memref<1x128xf32, #tpu.memory_space<hbm>>
    tpu.enqueue_dma source(%dma_start3A_1595 : memref<1x128xf32, #tpu.memory_space<hbm>>) target(%dma_start3A_1593 : memref<1x128xf32, #tpu.memory_space<vmem>>) target_semaphore(%arg25 : memref<!tpu.dma_semaphore, #tpu.memory_space<semaphore_mem>>)
    %get3A_1596 = arith.constant 4 : i32
    %get3A_1597 = arith.index_cast %get3A_1596 : i32 to index
    %get3A_1598 = memref.load %arg11[%get3A_1597] : memref<128xi32, #tpu.memory_space<smem>>
    %get3A_1599 = arith.constant 4 : i32
    %get3A_1600 = arith.index_cast %get3A_1599 : i32 to index
    %get3A_1601 = memref.load %arg12[%get3A_1600] : memref<128xi32, #tpu.memory_space<smem>>
    %shift_right_arithmetic3A_1602 = arith.constant 7 : i32
    %shift_right_arithmetic3A_1603 = arith.shrsi %get3A_1598, %shift_right_arithmetic3A_1602 : i32
    %mul3A_1604 = arith.constant 128 : i32
    %mul3A_1605 = arith.muli %shift_right_arithmetic3A_1603, %mul3A_1604 : i32
    %multiple_of3A_1606 = tpu.assume_multiple %mul3A_1605, 128 : i32
    %shift_right_arithmetic3A_1607 = arith.constant 7 : i32
    %shift_right_arithmetic3A_1608 = arith.shrsi %get3A_1601, %shift_right_arithmetic3A_1607 : i32
    %mul3A_1609 = arith.constant 128 : i32
    %mul3A_1610 = arith.muli %shift_right_arithmetic3A_1608, %mul3A_1609 : i32
    %multiple_of3A_1611 = tpu.assume_multiple %mul3A_1610, 128 : i32
    %dma_start3A_1612 = arith.constant 4 : i32
    %dma_start3A_1613 = arith.constant 0 : i32
    %dma_start3A_1614 = arith.constant 0 : i32
    %dma_start3A_1615 = tpu.memref_slice %arg15[%dma_start3A_1612, %dma_start3A_1613, %dma_start3A_1614] : memref<8x32x128xf32, #tpu.memory_space<vmem>> -> memref<1x32x128xf32, #tpu.memory_space<vmem>>
    %dma_start3A_1616 = tpu.memref_squeeze %dma_start3A_1615 : memref<1x32x128xf32, #tpu.memory_space<vmem>> -> memref<32x128xf32, #tpu.memory_space<vmem>>
    %dma_start3A_1617 = arith.constant 0 : i32
    %dma_start3A_1618 = tpu.memref_slice %arg2[%dma_start3A_1617, %multiple_of3A_1606] : memref<32x1000000xf32, #tpu.memory_space<hbm>> -> memref<32x128xf32, #tpu.memory_space<hbm>>
    %dma_start3A_1619 = arith.constant 0 : i32
    %dma_start3A_1620 = arith.constant 0 : i32
    %dma_start3A_1621 = tpu.memref_slice %arg15[%dma_start3A_1612, %dma_start3A_1619, %dma_start3A_1620] : memref<8x32x128xf32, #tpu.memory_space<vmem>> -> memref<1x32x128xf32, #tpu.memory_space<vmem>>
    %dma_start3A_1622 = tpu.memref_squeeze %dma_start3A_1621 : memref<1x32x128xf32, #tpu.memory_space<vmem>> -> memref<32x128xf32, #tpu.memory_space<vmem>>
    %dma_start3A_1623 = arith.constant 0 : i32
    %dma_start3A_1624 = tpu.memref_slice %arg2[%dma_start3A_1623, %multiple_of3A_1606] : memref<32x1000000xf32, #tpu.memory_space<hbm>> -> memref<32x128xf32, #tpu.memory_space<hbm>>
    tpu.enqueue_dma source(%dma_start3A_1624 : memref<32x128xf32, #tpu.memory_space<hbm>>) target(%dma_start3A_1622 : memref<32x128xf32, #tpu.memory_space<vmem>>) target_semaphore(%arg22 : memref<!tpu.dma_semaphore, #tpu.memory_space<semaphore_mem>>)
    %dma_start3A_1625 = arith.constant 4 : i32
    %dma_start3A_1626 = arith.constant 0 : i32
    %dma_start3A_1627 = arith.constant 0 : i32
    %dma_start3A_1628 = tpu.memref_slice %arg16[%dma_start3A_1625, %dma_start3A_1626, %dma_start3A_1627] : memref<8x32x128xf32, #tpu.memory_space<vmem>> -> memref<1x32x128xf32, #tpu.memory_space<vmem>>
    %dma_start3A_1629 = tpu.memref_squeeze %dma_start3A_1628 : memref<1x32x128xf32, #tpu.memory_space<vmem>> -> memref<32x128xf32, #tpu.memory_space<vmem>>
    %dma_start3A_1630 = arith.constant 0 : i32
    %dma_start3A_1631 = tpu.memref_slice %arg3[%dma_start3A_1630, %multiple_of3A_1611] : memref<32x1000000xf32, #tpu.memory_space<hbm>> -> memref<32x128xf32, #tpu.memory_space<hbm>>
    %dma_start3A_1632 = arith.constant 0 : i32
    %dma_start3A_1633 = arith.constant 0 : i32
    %dma_start3A_1634 = tpu.memref_slice %arg16[%dma_start3A_1625, %dma_start3A_1632, %dma_start3A_1633] : memref<8x32x128xf32, #tpu.memory_space<vmem>> -> memref<1x32x128xf32, #tpu.memory_space<vmem>>
    %dma_start3A_1635 = tpu.memref_squeeze %dma_start3A_1634 : memref<1x32x128xf32, #tpu.memory_space<vmem>> -> memref<32x128xf32, #tpu.memory_space<vmem>>
    %dma_start3A_1636 = arith.constant 0 : i32
    %dma_start3A_1637 = tpu.memref_slice %arg3[%dma_start3A_1636, %multiple_of3A_1611] : memref<32x1000000xf32, #tpu.memory_space<hbm>> -> memref<32x128xf32, #tpu.memory_space<hbm>>
    tpu.enqueue_dma source(%dma_start3A_1637 : memref<32x128xf32, #tpu.memory_space<hbm>>) target(%dma_start3A_1635 : memref<32x128xf32, #tpu.memory_space<vmem>>) target_semaphore(%arg23 : memref<!tpu.dma_semaphore, #tpu.memory_space<semaphore_mem>>)
    %dma_start3A_1638 = arith.constant 4 : i32
    %dma_start3A_1639 = arith.constant 0 : i32
    %dma_start3A_1640 = arith.constant 0 : i32
    %dma_start3A_1641 = tpu.memref_slice %arg17[%dma_start3A_1638, %dma_start3A_1639, %dma_start3A_1640] : memref<8x1x128xf32, #tpu.memory_space<vmem>> -> memref<1x1x128xf32, #tpu.memory_space<vmem>>
    %dma_start3A_1642 = tpu.memref_squeeze %dma_start3A_1641 : memref<1x1x128xf32, #tpu.memory_space<vmem>> -> memref<1x128xf32, #tpu.memory_space<vmem>>
    %dma_start3A_1643 = arith.constant 0 : i32
    %dma_start3A_1644 = tpu.memref_slice %arg4[%dma_start3A_1643, %multiple_of3A_1606] : memref<1x1000000xf32, #tpu.memory_space<hbm>> -> memref<1x128xf32, #tpu.memory_space<hbm>>
    %dma_start3A_1645 = arith.constant 0 : i32
    %dma_start3A_1646 = arith.constant 0 : i32
    %dma_start3A_1647 = tpu.memref_slice %arg17[%dma_start3A_1638, %dma_start3A_1645, %dma_start3A_1646] : memref<8x1x128xf32, #tpu.memory_space<vmem>> -> memref<1x1x128xf32, #tpu.memory_space<vmem>>
    %dma_start3A_1648 = tpu.memref_squeeze %dma_start3A_1647 : memref<1x1x128xf32, #tpu.memory_space<vmem>> -> memref<1x128xf32, #tpu.memory_space<vmem>>
    %dma_start3A_1649 = arith.constant 0 : i32
    %dma_start3A_1650 = tpu.memref_slice %arg4[%dma_start3A_1649, %multiple_of3A_1606] : memref<1x1000000xf32, #tpu.memory_space<hbm>> -> memref<1x128xf32, #tpu.memory_space<hbm>>
    tpu.enqueue_dma source(%dma_start3A_1650 : memref<1x128xf32, #tpu.memory_space<hbm>>) target(%dma_start3A_1648 : memref<1x128xf32, #tpu.memory_space<vmem>>) target_semaphore(%arg24 : memref<!tpu.dma_semaphore, #tpu.memory_space<semaphore_mem>>)
    %dma_start3A_1651 = arith.constant 4 : i32
    %dma_start3A_1652 = arith.constant 0 : i32
    %dma_start3A_1653 = arith.constant 0 : i32
    %dma_start3A_1654 = tpu.memref_slice %arg18[%dma_start3A_1651, %dma_start3A_1652, %dma_start3A_1653] : memref<8x1x128xf32, #tpu.memory_space<vmem>> -> memref<1x1x128xf32, #tpu.memory_space<vmem>>
    %dma_start3A_1655 = tpu.memref_squeeze %dma_start3A_1654 : memref<1x1x128xf32, #tpu.memory_space<vmem>> -> memref<1x128xf32, #tpu.memory_space<vmem>>
    %dma_start3A_1656 = arith.constant 0 : i32
    %dma_start3A_1657 = tpu.memref_slice %arg5[%dma_start3A_1656, %multiple_of3A_1611] : memref<1x1000000xf32, #tpu.memory_space<hbm>> -> memref<1x128xf32, #tpu.memory_space<hbm>>
    %dma_start3A_1658 = arith.constant 0 : i32
    %dma_start3A_1659 = arith.constant 0 : i32
    %dma_start3A_1660 = tpu.memref_slice %arg18[%dma_start3A_1651, %dma_start3A_1658, %dma_start3A_1659] : memref<8x1x128xf32, #tpu.memory_space<vmem>> -> memref<1x1x128xf32, #tpu.memory_space<vmem>>
    %dma_start3A_1661 = tpu.memref_squeeze %dma_start3A_1660 : memref<1x1x128xf32, #tpu.memory_space<vmem>> -> memref<1x128xf32, #tpu.memory_space<vmem>>
    %dma_start3A_1662 = arith.constant 0 : i32
    %dma_start3A_1663 = tpu.memref_slice %arg5[%dma_start3A_1662, %multiple_of3A_1611] : memref<1x1000000xf32, #tpu.memory_space<hbm>> -> memref<1x128xf32, #tpu.memory_space<hbm>>
    tpu.enqueue_dma source(%dma_start3A_1663 : memref<1x128xf32, #tpu.memory_space<hbm>>) target(%dma_start3A_1661 : memref<1x128xf32, #tpu.memory_space<vmem>>) target_semaphore(%arg25 : memref<!tpu.dma_semaphore, #tpu.memory_space<semaphore_mem>>)
    %get3A_1664 = arith.constant 5 : i32
    %get3A_1665 = arith.index_cast %get3A_1664 : i32 to index
    %get3A_1666 = memref.load %arg11[%get3A_1665] : memref<128xi32, #tpu.memory_space<smem>>
    %get3A_1667 = arith.constant 5 : i32
    %get3A_1668 = arith.index_cast %get3A_1667 : i32 to index
    %get3A_1669 = memref.load %arg12[%get3A_1668] : memref<128xi32, #tpu.memory_space<smem>>
    %shift_right_arithmetic3A_1670 = arith.constant 7 : i32
    %shift_right_arithmetic3A_1671 = arith.shrsi %get3A_1666, %shift_right_arithmetic3A_1670 : i32
    %mul3A_1672 = arith.constant 128 : i32
    %mul3A_1673 = arith.muli %shift_right_arithmetic3A_1671, %mul3A_1672 : i32
    %multiple_of3A_1674 = tpu.assume_multiple %mul3A_1673, 128 : i32
    %shift_right_arithmetic3A_1675 = arith.constant 7 : i32
    %shift_right_arithmetic3A_1676 = arith.shrsi %get3A_1669, %shift_right_arithmetic3A_1675 : i32
    %mul3A_1677 = arith.constant 128 : i32
    %mul3A_1678 = arith.muli %shift_right_arithmetic3A_1676, %mul3A_1677 : i32
    %multiple_of3A_1679 = tpu.assume_multiple %mul3A_1678, 128 : i32
    %dma_start3A_1680 = arith.constant 5 : i32
    %dma_start3A_1681 = arith.constant 0 : i32
    %dma_start3A_1682 = arith.constant 0 : i32
    %dma_start3A_1683 = tpu.memref_slice %arg15[%dma_start3A_1680, %dma_start3A_1681, %dma_start3A_1682] : memref<8x32x128xf32, #tpu.memory_space<vmem>> -> memref<1x32x128xf32, #tpu.memory_space<vmem>>
    %dma_start3A_1684 = tpu.memref_squeeze %dma_start3A_1683 : memref<1x32x128xf32, #tpu.memory_space<vmem>> -> memref<32x128xf32, #tpu.memory_space<vmem>>
    %dma_start3A_1685 = arith.constant 0 : i32
    %dma_start3A_1686 = tpu.memref_slice %arg2[%dma_start3A_1685, %multiple_of3A_1674] : memref<32x1000000xf32, #tpu.memory_space<hbm>> -> memref<32x128xf32, #tpu.memory_space<hbm>>
    %dma_start3A_1687 = arith.constant 0 : i32
    %dma_start3A_1688 = arith.constant 0 : i32
    %dma_start3A_1689 = tpu.memref_slice %arg15[%dma_start3A_1680, %dma_start3A_1687, %dma_start3A_1688] : memref<8x32x128xf32, #tpu.memory_space<vmem>> -> memref<1x32x128xf32, #tpu.memory_space<vmem>>
    %dma_start3A_1690 = tpu.memref_squeeze %dma_start3A_1689 : memref<1x32x128xf32, #tpu.memory_space<vmem>> -> memref<32x128xf32, #tpu.memory_space<vmem>>
    %dma_start3A_1691 = arith.constant 0 : i32
    %dma_start3A_1692 = tpu.memref_slice %arg2[%dma_start3A_1691, %multiple_of3A_1674] : memref<32x1000000xf32, #tpu.memory_space<hbm>> -> memref<32x128xf32, #tpu.memory_space<hbm>>
    tpu.enqueue_dma source(%dma_start3A_1692 : memref<32x128xf32, #tpu.memory_space<hbm>>) target(%dma_start3A_1690 : memref<32x128xf32, #tpu.memory_space<vmem>>) target_semaphore(%arg22 : memref<!tpu.dma_semaphore, #tpu.memory_space<semaphore_mem>>)
    %dma_start3A_1693 = arith.constant 5 : i32
    %dma_start3A_1694 = arith.constant 0 : i32
    %dma_start3A_1695 = arith.constant 0 : i32
    %dma_start3A_1696 = tpu.memref_slice %arg16[%dma_start3A_1693, %dma_start3A_1694, %dma_start3A_1695] : memref<8x32x128xf32, #tpu.memory_space<vmem>> -> memref<1x32x128xf32, #tpu.memory_space<vmem>>
    %dma_start3A_1697 = tpu.memref_squeeze %dma_start3A_1696 : memref<1x32x128xf32, #tpu.memory_space<vmem>> -> memref<32x128xf32, #tpu.memory_space<vmem>>
    %dma_start3A_1698 = arith.constant 0 : i32
    %dma_start3A_1699 = tpu.memref_slice %arg3[%dma_start3A_1698, %multiple_of3A_1679] : memref<32x1000000xf32, #tpu.memory_space<hbm>> -> memref<32x128xf32, #tpu.memory_space<hbm>>
    %dma_start3A_1700 = arith.constant 0 : i32
    %dma_start3A_1701 = arith.constant 0 : i32
    %dma_start3A_1702 = tpu.memref_slice %arg16[%dma_start3A_1693, %dma_start3A_1700, %dma_start3A_1701] : memref<8x32x128xf32, #tpu.memory_space<vmem>> -> memref<1x32x128xf32, #tpu.memory_space<vmem>>
    %dma_start3A_1703 = tpu.memref_squeeze %dma_start3A_1702 : memref<1x32x128xf32, #tpu.memory_space<vmem>> -> memref<32x128xf32, #tpu.memory_space<vmem>>
    %dma_start3A_1704 = arith.constant 0 : i32
    %dma_start3A_1705 = tpu.memref_slice %arg3[%dma_start3A_1704, %multiple_of3A_1679] : memref<32x1000000xf32, #tpu.memory_space<hbm>> -> memref<32x128xf32, #tpu.memory_space<hbm>>
    tpu.enqueue_dma source(%dma_start3A_1705 : memref<32x128xf32, #tpu.memory_space<hbm>>) target(%dma_start3A_1703 : memref<32x128xf32, #tpu.memory_space<vmem>>) target_semaphore(%arg23 : memref<!tpu.dma_semaphore, #tpu.memory_space<semaphore_mem>>)
    %dma_start3A_1706 = arith.constant 5 : i32
    %dma_start3A_1707 = arith.constant 0 : i32
    %dma_start3A_1708 = arith.constant 0 : i32
    %dma_start3A_1709 = tpu.memref_slice %arg17[%dma_start3A_1706, %dma_start3A_1707, %dma_start3A_1708] : memref<8x1x128xf32, #tpu.memory_space<vmem>> -> memref<1x1x128xf32, #tpu.memory_space<vmem>>
    %dma_start3A_1710 = tpu.memref_squeeze %dma_start3A_1709 : memref<1x1x128xf32, #tpu.memory_space<vmem>> -> memref<1x128xf32, #tpu.memory_space<vmem>>
    %dma_start3A_1711 = arith.constant 0 : i32
    %dma_start3A_1712 = tpu.memref_slice %arg4[%dma_start3A_1711, %multiple_of3A_1674] : memref<1x1000000xf32, #tpu.memory_space<hbm>> -> memref<1x128xf32, #tpu.memory_space<hbm>>
    %dma_start3A_1713 = arith.constant 0 : i32
    %dma_start3A_1714 = arith.constant 0 : i32
    %dma_start3A_1715 = tpu.memref_slice %arg17[%dma_start3A_1706, %dma_start3A_1713, %dma_start3A_1714] : memref<8x1x128xf32, #tpu.memory_space<vmem>> -> memref<1x1x128xf32, #tpu.memory_space<vmem>>
    %dma_start3A_1716 = tpu.memref_squeeze %dma_start3A_1715 : memref<1x1x128xf32, #tpu.memory_space<vmem>> -> memref<1x128xf32, #tpu.memory_space<vmem>>
    %dma_start3A_1717 = arith.constant 0 : i32
    %dma_start3A_1718 = tpu.memref_slice %arg4[%dma_start3A_1717, %multiple_of3A_1674] : memref<1x1000000xf32, #tpu.memory_space<hbm>> -> memref<1x128xf32, #tpu.memory_space<hbm>>
    tpu.enqueue_dma source(%dma_start3A_1718 : memref<1x128xf32, #tpu.memory_space<hbm>>) target(%dma_start3A_1716 : memref<1x128xf32, #tpu.memory_space<vmem>>) target_semaphore(%arg24 : memref<!tpu.dma_semaphore, #tpu.memory_space<semaphore_mem>>)
    %dma_start3A_1719 = arith.constant 5 : i32
    %dma_start3A_1720 = arith.constant 0 : i32
    %dma_start3A_1721 = arith.constant 0 : i32
    %dma_start3A_1722 = tpu.memref_slice %arg18[%dma_start3A_1719, %dma_start3A_1720, %dma_start3A_1721] : memref<8x1x128xf32, #tpu.memory_space<vmem>> -> memref<1x1x128xf32, #tpu.memory_space<vmem>>
    %dma_start3A_1723 = tpu.memref_squeeze %dma_start3A_1722 : memref<1x1x128xf32, #tpu.memory_space<vmem>> -> memref<1x128xf32, #tpu.memory_space<vmem>>
    %dma_start3A_1724 = arith.constant 0 : i32
    %dma_start3A_1725 = tpu.memref_slice %arg5[%dma_start3A_1724, %multiple_of3A_1679] : memref<1x1000000xf32, #tpu.memory_space<hbm>> -> memref<1x128xf32, #tpu.memory_space<hbm>>
    %dma_start3A_1726 = arith.constant 0 : i32
    %dma_start3A_1727 = arith.constant 0 : i32
    %dma_start3A_1728 = tpu.memref_slice %arg18[%dma_start3A_1719, %dma_start3A_1726, %dma_start3A_1727] : memref<8x1x128xf32, #tpu.memory_space<vmem>> -> memref<1x1x128xf32, #tpu.memory_space<vmem>>
    %dma_start3A_1729 = tpu.memref_squeeze %dma_start3A_1728 : memref<1x1x128xf32, #tpu.memory_space<vmem>> -> memref<1x128xf32, #tpu.memory_space<vmem>>
    %dma_start3A_1730 = arith.constant 0 : i32
    %dma_start3A_1731 = tpu.memref_slice %arg5[%dma_start3A_1730, %multiple_of3A_1679] : memref<1x1000000xf32, #tpu.memory_space<hbm>> -> memref<1x128xf32, #tpu.memory_space<hbm>>
    tpu.enqueue_dma source(%dma_start3A_1731 : memref<1x128xf32, #tpu.memory_space<hbm>>) target(%dma_start3A_1729 : memref<1x128xf32, #tpu.memory_space<vmem>>) target_semaphore(%arg25 : memref<!tpu.dma_semaphore, #tpu.memory_space<semaphore_mem>>)
    %get3A_1732 = arith.constant 6 : i32
    %get3A_1733 = arith.index_cast %get3A_1732 : i32 to index
    %get3A_1734 = memref.load %arg11[%get3A_1733] : memref<128xi32, #tpu.memory_space<smem>>
    %get3A_1735 = arith.constant 6 : i32
    %get3A_1736 = arith.index_cast %get3A_1735 : i32 to index
    %get3A_1737 = memref.load %arg12[%get3A_1736] : memref<128xi32, #tpu.memory_space<smem>>
    %shift_right_arithmetic3A_1738 = arith.constant 7 : i32
    %shift_right_arithmetic3A_1739 = arith.shrsi %get3A_1734, %shift_right_arithmetic3A_1738 : i32
    %mul3A_1740 = arith.constant 128 : i32
    %mul3A_1741 = arith.muli %shift_right_arithmetic3A_1739, %mul3A_1740 : i32
    %multiple_of3A_1742 = tpu.assume_multiple %mul3A_1741, 128 : i32
    %shift_right_arithmetic3A_1743 = arith.constant 7 : i32
    %shift_right_arithmetic3A_1744 = arith.shrsi %get3A_1737, %shift_right_arithmetic3A_1743 : i32
    %mul3A_1745 = arith.constant 128 : i32
    %mul3A_1746 = arith.muli %shift_right_arithmetic3A_1744, %mul3A_1745 : i32
    %multiple_of3A_1747 = tpu.assume_multiple %mul3A_1746, 128 : i32
    %dma_start3A_1748 = arith.constant 6 : i32
    %dma_start3A_1749 = arith.constant 0 : i32
    %dma_start3A_1750 = arith.constant 0 : i32
    %dma_start3A_1751 = tpu.memref_slice %arg15[%dma_start3A_1748, %dma_start3A_1749, %dma_start3A_1750] : memref<8x32x128xf32, #tpu.memory_space<vmem>> -> memref<1x32x128xf32, #tpu.memory_space<vmem>>
    %dma_start3A_1752 = tpu.memref_squeeze %dma_start3A_1751 : memref<1x32x128xf32, #tpu.memory_space<vmem>> -> memref<32x128xf32, #tpu.memory_space<vmem>>
    %dma_start3A_1753 = arith.constant 0 : i32
    %dma_start3A_1754 = tpu.memref_slice %arg2[%dma_start3A_1753, %multiple_of3A_1742] : memref<32x1000000xf32, #tpu.memory_space<hbm>> -> memref<32x128xf32, #tpu.memory_space<hbm>>
    %dma_start3A_1755 = arith.constant 0 : i32
    %dma_start3A_1756 = arith.constant 0 : i32
    %dma_start3A_1757 = tpu.memref_slice %arg15[%dma_start3A_1748, %dma_start3A_1755, %dma_start3A_1756] : memref<8x32x128xf32, #tpu.memory_space<vmem>> -> memref<1x32x128xf32, #tpu.memory_space<vmem>>
    %dma_start3A_1758 = tpu.memref_squeeze %dma_start3A_1757 : memref<1x32x128xf32, #tpu.memory_space<vmem>> -> memref<32x128xf32, #tpu.memory_space<vmem>>
    %dma_start3A_1759 = arith.constant 0 : i32
    %dma_start3A_1760 = tpu.memref_slice %arg2[%dma_start3A_1759, %multiple_of3A_1742] : memref<32x1000000xf32, #tpu.memory_space<hbm>> -> memref<32x128xf32, #tpu.memory_space<hbm>>
    tpu.enqueue_dma source(%dma_start3A_1760 : memref<32x128xf32, #tpu.memory_space<hbm>>) target(%dma_start3A_1758 : memref<32x128xf32, #tpu.memory_space<vmem>>) target_semaphore(%arg22 : memref<!tpu.dma_semaphore, #tpu.memory_space<semaphore_mem>>)
    %dma_start3A_1761 = arith.constant 6 : i32
    %dma_start3A_1762 = arith.constant 0 : i32
    %dma_start3A_1763 = arith.constant 0 : i32
    %dma_start3A_1764 = tpu.memref_slice %arg16[%dma_start3A_1761, %dma_start3A_1762, %dma_start3A_1763] : memref<8x32x128xf32, #tpu.memory_space<vmem>> -> memref<1x32x128xf32, #tpu.memory_space<vmem>>
    %dma_start3A_1765 = tpu.memref_squeeze %dma_start3A_1764 : memref<1x32x128xf32, #tpu.memory_space<vmem>> -> memref<32x128xf32, #tpu.memory_space<vmem>>
    %dma_start3A_1766 = arith.constant 0 : i32
    %dma_start3A_1767 = tpu.memref_slice %arg3[%dma_start3A_1766, %multiple_of3A_1747] : memref<32x1000000xf32, #tpu.memory_space<hbm>> -> memref<32x128xf32, #tpu.memory_space<hbm>>
    %dma_start3A_1768 = arith.constant 0 : i32
    %dma_start3A_1769 = arith.constant 0 : i32
    %dma_start3A_1770 = tpu.memref_slice %arg16[%dma_start3A_1761, %dma_start3A_1768, %dma_start3A_1769] : memref<8x32x128xf32, #tpu.memory_space<vmem>> -> memref<1x32x128xf32, #tpu.memory_space<vmem>>
    %dma_start3A_1771 = tpu.memref_squeeze %dma_start3A_1770 : memref<1x32x128xf32, #tpu.memory_space<vmem>> -> memref<32x128xf32, #tpu.memory_space<vmem>>
    %dma_start3A_1772 = arith.constant 0 : i32
    %dma_start3A_1773 = tpu.memref_slice %arg3[%dma_start3A_1772, %multiple_of3A_1747] : memref<32x1000000xf32, #tpu.memory_space<hbm>> -> memref<32x128xf32, #tpu.memory_space<hbm>>
    tpu.enqueue_dma source(%dma_start3A_1773 : memref<32x128xf32, #tpu.memory_space<hbm>>) target(%dma_start3A_1771 : memref<32x128xf32, #tpu.memory_space<vmem>>) target_semaphore(%arg23 : memref<!tpu.dma_semaphore, #tpu.memory_space<semaphore_mem>>)
    %dma_start3A_1774 = arith.constant 6 : i32
    %dma_start3A_1775 = arith.constant 0 : i32
    %dma_start3A_1776 = arith.constant 0 : i32
    %dma_start3A_1777 = tpu.memref_slice %arg17[%dma_start3A_1774, %dma_start3A_1775, %dma_start3A_1776] : memref<8x1x128xf32, #tpu.memory_space<vmem>> -> memref<1x1x128xf32, #tpu.memory_space<vmem>>
    %dma_start3A_1778 = tpu.memref_squeeze %dma_start3A_1777 : memref<1x1x128xf32, #tpu.memory_space<vmem>> -> memref<1x128xf32, #tpu.memory_space<vmem>>
    %dma_start3A_1779 = arith.constant 0 : i32
    %dma_start3A_1780 = tpu.memref_slice %arg4[%dma_start3A_1779, %multiple_of3A_1742] : memref<1x1000000xf32, #tpu.memory_space<hbm>> -> memref<1x128xf32, #tpu.memory_space<hbm>>
    %dma_start3A_1781 = arith.constant 0 : i32
    %dma_start3A_1782 = arith.constant 0 : i32
    %dma_start3A_1783 = tpu.memref_slice %arg17[%dma_start3A_1774, %dma_start3A_1781, %dma_start3A_1782] : memref<8x1x128xf32, #tpu.memory_space<vmem>> -> memref<1x1x128xf32, #tpu.memory_space<vmem>>
    %dma_start3A_1784 = tpu.memref_squeeze %dma_start3A_1783 : memref<1x1x128xf32, #tpu.memory_space<vmem>> -> memref<1x128xf32, #tpu.memory_space<vmem>>
    %dma_start3A_1785 = arith.constant 0 : i32
    %dma_start3A_1786 = tpu.memref_slice %arg4[%dma_start3A_1785, %multiple_of3A_1742] : memref<1x1000000xf32, #tpu.memory_space<hbm>> -> memref<1x128xf32, #tpu.memory_space<hbm>>
    tpu.enqueue_dma source(%dma_start3A_1786 : memref<1x128xf32, #tpu.memory_space<hbm>>) target(%dma_start3A_1784 : memref<1x128xf32, #tpu.memory_space<vmem>>) target_semaphore(%arg24 : memref<!tpu.dma_semaphore, #tpu.memory_space<semaphore_mem>>)
    %dma_start3A_1787 = arith.constant 6 : i32
    %dma_start3A_1788 = arith.constant 0 : i32
    %dma_start3A_1789 = arith.constant 0 : i32
    %dma_start3A_1790 = tpu.memref_slice %arg18[%dma_start3A_1787, %dma_start3A_1788, %dma_start3A_1789] : memref<8x1x128xf32, #tpu.memory_space<vmem>> -> memref<1x1x128xf32, #tpu.memory_space<vmem>>
    %dma_start3A_1791 = tpu.memref_squeeze %dma_start3A_1790 : memref<1x1x128xf32, #tpu.memory_space<vmem>> -> memref<1x128xf32, #tpu.memory_space<vmem>>
    %dma_start3A_1792 = arith.constant 0 : i32
    %dma_start3A_1793 = tpu.memref_slice %arg5[%dma_start3A_1792, %multiple_of3A_1747] : memref<1x1000000xf32, #tpu.memory_space<hbm>> -> memref<1x128xf32, #tpu.memory_space<hbm>>
    %dma_start3A_1794 = arith.constant 0 : i32
    %dma_start3A_1795 = arith.constant 0 : i32
    %dma_start3A_1796 = tpu.memref_slice %arg18[%dma_start3A_1787, %dma_start3A_1794, %dma_start3A_1795] : memref<8x1x128xf32, #tpu.memory_space<vmem>> -> memref<1x1x128xf32, #tpu.memory_space<vmem>>
    %dma_start3A_1797 = tpu.memref_squeeze %dma_start3A_1796 : memref<1x1x128xf32, #tpu.memory_space<vmem>> -> memref<1x128xf32, #tpu.memory_space<vmem>>
    %dma_start3A_1798 = arith.constant 0 : i32
    %dma_start3A_1799 = tpu.memref_slice %arg5[%dma_start3A_1798, %multiple_of3A_1747] : memref<1x1000000xf32, #tpu.memory_space<hbm>> -> memref<1x128xf32, #tpu.memory_space<hbm>>
    tpu.enqueue_dma source(%dma_start3A_1799 : memref<1x128xf32, #tpu.memory_space<hbm>>) target(%dma_start3A_1797 : memref<1x128xf32, #tpu.memory_space<vmem>>) target_semaphore(%arg25 : memref<!tpu.dma_semaphore, #tpu.memory_space<semaphore_mem>>)
    %get3A_1800 = arith.constant 7 : i32
    %get3A_1801 = arith.index_cast %get3A_1800 : i32 to index
    %get3A_1802 = memref.load %arg11[%get3A_1801] : memref<128xi32, #tpu.memory_space<smem>>
    %get3A_1803 = arith.constant 7 : i32
    %get3A_1804 = arith.index_cast %get3A_1803 : i32 to index
    %get3A_1805 = memref.load %arg12[%get3A_1804] : memref<128xi32, #tpu.memory_space<smem>>
    %shift_right_arithmetic3A_1806 = arith.constant 7 : i32
    %shift_right_arithmetic3A_1807 = arith.shrsi %get3A_1802, %shift_right_arithmetic3A_1806 : i32
    %mul3A_1808 = arith.constant 128 : i32
    %mul3A_1809 = arith.muli %shift_right_arithmetic3A_1807, %mul3A_1808 : i32
    %multiple_of3A_1810 = tpu.assume_multiple %mul3A_1809, 128 : i32
    %shift_right_arithmetic3A_1811 = arith.constant 7 : i32
    %shift_right_arithmetic3A_1812 = arith.shrsi %get3A_1805, %shift_right_arithmetic3A_1811 : i32
    %mul3A_1813 = arith.constant 128 : i32
    %mul3A_1814 = arith.muli %shift_right_arithmetic3A_1812, %mul3A_1813 : i32
    %multiple_of3A_1815 = tpu.assume_multiple %mul3A_1814, 128 : i32
    %dma_start3A_1816 = arith.constant 7 : i32
    %dma_start3A_1817 = arith.constant 0 : i32
    %dma_start3A_1818 = arith.constant 0 : i32
    %dma_start3A_1819 = tpu.memref_slice %arg15[%dma_start3A_1816, %dma_start3A_1817, %dma_start3A_1818] : memref<8x32x128xf32, #tpu.memory_space<vmem>> -> memref<1x32x128xf32, #tpu.memory_space<vmem>>
    %dma_start3A_1820 = tpu.memref_squeeze %dma_start3A_1819 : memref<1x32x128xf32, #tpu.memory_space<vmem>> -> memref<32x128xf32, #tpu.memory_space<vmem>>
    %dma_start3A_1821 = arith.constant 0 : i32
    %dma_start3A_1822 = tpu.memref_slice %arg2[%dma_start3A_1821, %multiple_of3A_1810] : memref<32x1000000xf32, #tpu.memory_space<hbm>> -> memref<32x128xf32, #tpu.memory_space<hbm>>
    %dma_start3A_1823 = arith.constant 0 : i32
    %dma_start3A_1824 = arith.constant 0 : i32
    %dma_start3A_1825 = tpu.memref_slice %arg15[%dma_start3A_1816, %dma_start3A_1823, %dma_start3A_1824] : memref<8x32x128xf32, #tpu.memory_space<vmem>> -> memref<1x32x128xf32, #tpu.memory_space<vmem>>
    %dma_start3A_1826 = tpu.memref_squeeze %dma_start3A_1825 : memref<1x32x128xf32, #tpu.memory_space<vmem>> -> memref<32x128xf32, #tpu.memory_space<vmem>>
    %dma_start3A_1827 = arith.constant 0 : i32
    %dma_start3A_1828 = tpu.memref_slice %arg2[%dma_start3A_1827, %multiple_of3A_1810] : memref<32x1000000xf32, #tpu.memory_space<hbm>> -> memref<32x128xf32, #tpu.memory_space<hbm>>
    tpu.enqueue_dma source(%dma_start3A_1828 : memref<32x128xf32, #tpu.memory_space<hbm>>) target(%dma_start3A_1826 : memref<32x128xf32, #tpu.memory_space<vmem>>) target_semaphore(%arg22 : memref<!tpu.dma_semaphore, #tpu.memory_space<semaphore_mem>>)
    %dma_start3A_1829 = arith.constant 7 : i32
    %dma_start3A_1830 = arith.constant 0 : i32
    %dma_start3A_1831 = arith.constant 0 : i32
    %dma_start3A_1832 = tpu.memref_slice %arg16[%dma_start3A_1829, %dma_start3A_1830, %dma_start3A_1831] : memref<8x32x128xf32, #tpu.memory_space<vmem>> -> memref<1x32x128xf32, #tpu.memory_space<vmem>>
    %dma_start3A_1833 = tpu.memref_squeeze %dma_start3A_1832 : memref<1x32x128xf32, #tpu.memory_space<vmem>> -> memref<32x128xf32, #tpu.memory_space<vmem>>
    %dma_start3A_1834 = arith.constant 0 : i32
    %dma_start3A_1835 = tpu.memref_slice %arg3[%dma_start3A_1834, %multiple_of3A_1815] : memref<32x1000000xf32, #tpu.memory_space<hbm>> -> memref<32x128xf32, #tpu.memory_space<hbm>>
    %dma_start3A_1836 = arith.constant 0 : i32
    %dma_start3A_1837 = arith.constant 0 : i32
    %dma_start3A_1838 = tpu.memref_slice %arg16[%dma_start3A_1829, %dma_start3A_1836, %dma_start3A_1837] : memref<8x32x128xf32, #tpu.memory_space<vmem>> -> memref<1x32x128xf32, #tpu.memory_space<vmem>>
    %dma_start3A_1839 = tpu.memref_squeeze %dma_start3A_1838 : memref<1x32x128xf32, #tpu.memory_space<vmem>> -> memref<32x128xf32, #tpu.memory_space<vmem>>
    %dma_start3A_1840 = arith.constant 0 : i32
    %dma_start3A_1841 = tpu.memref_slice %arg3[%dma_start3A_1840, %multiple_of3A_1815] : memref<32x1000000xf32, #tpu.memory_space<hbm>> -> memref<32x128xf32, #tpu.memory_space<hbm>>
    tpu.enqueue_dma source(%dma_start3A_1841 : memref<32x128xf32, #tpu.memory_space<hbm>>) target(%dma_start3A_1839 : memref<32x128xf32, #tpu.memory_space<vmem>>) target_semaphore(%arg23 : memref<!tpu.dma_semaphore, #tpu.memory_space<semaphore_mem>>)
    %dma_start3A_1842 = arith.constant 7 : i32
    %dma_start3A_1843 = arith.constant 0 : i32
    %dma_start3A_1844 = arith.constant 0 : i32
    %dma_start3A_1845 = tpu.memref_slice %arg17[%dma_start3A_1842, %dma_start3A_1843, %dma_start3A_1844] : memref<8x1x128xf32, #tpu.memory_space<vmem>> -> memref<1x1x128xf32, #tpu.memory_space<vmem>>
    %dma_start3A_1846 = tpu.memref_squeeze %dma_start3A_1845 : memref<1x1x128xf32, #tpu.memory_space<vmem>> -> memref<1x128xf32, #tpu.memory_space<vmem>>
    %dma_start3A_1847 = arith.constant 0 : i32
    %dma_start3A_1848 = tpu.memref_slice %arg4[%dma_start3A_1847, %multiple_of3A_1810] : memref<1x1000000xf32, #tpu.memory_space<hbm>> -> memref<1x128xf32, #tpu.memory_space<hbm>>
    %dma_start3A_1849 = arith.constant 0 : i32
    %dma_start3A_1850 = arith.constant 0 : i32
    %dma_start3A_1851 = tpu.memref_slice %arg17[%dma_start3A_1842, %dma_start3A_1849, %dma_start3A_1850] : memref<8x1x128xf32, #tpu.memory_space<vmem>> -> memref<1x1x128xf32, #tpu.memory_space<vmem>>
    %dma_start3A_1852 = tpu.memref_squeeze %dma_start3A_1851 : memref<1x1x128xf32, #tpu.memory_space<vmem>> -> memref<1x128xf32, #tpu.memory_space<vmem>>
    %dma_start3A_1853 = arith.constant 0 : i32
    %dma_start3A_1854 = tpu.memref_slice %arg4[%dma_start3A_1853, %multiple_of3A_1810] : memref<1x1000000xf32, #tpu.memory_space<hbm>> -> memref<1x128xf32, #tpu.memory_space<hbm>>
    tpu.enqueue_dma source(%dma_start3A_1854 : memref<1x128xf32, #tpu.memory_space<hbm>>) target(%dma_start3A_1852 : memref<1x128xf32, #tpu.memory_space<vmem>>) target_semaphore(%arg24 : memref<!tpu.dma_semaphore, #tpu.memory_space<semaphore_mem>>)
    %dma_start3A_1855 = arith.constant 7 : i32
    %dma_start3A_1856 = arith.constant 0 : i32
    %dma_start3A_1857 = arith.constant 0 : i32
    %dma_start3A_1858 = tpu.memref_slice %arg18[%dma_start3A_1855, %dma_start3A_1856, %dma_start3A_1857] : memref<8x1x128xf32, #tpu.memory_space<vmem>> -> memref<1x1x128xf32, #tpu.memory_space<vmem>>
    %dma_start3A_1859 = tpu.memref_squeeze %dma_start3A_1858 : memref<1x1x128xf32, #tpu.memory_space<vmem>> -> memref<1x128xf32, #tpu.memory_space<vmem>>
    %dma_start3A_1860 = arith.constant 0 : i32
    %dma_start3A_1861 = tpu.memref_slice %arg5[%dma_start3A_1860, %multiple_of3A_1815] : memref<1x1000000xf32, #tpu.memory_space<hbm>> -> memref<1x128xf32, #tpu.memory_space<hbm>>
    %dma_start3A_1862 = arith.constant 0 : i32
    %dma_start3A_1863 = arith.constant 0 : i32
    %dma_start3A_1864 = tpu.memref_slice %arg18[%dma_start3A_1855, %dma_start3A_1862, %dma_start3A_1863] : memref<8x1x128xf32, #tpu.memory_space<vmem>> -> memref<1x1x128xf32, #tpu.memory_space<vmem>>
    %dma_start3A_1865 = tpu.memref_squeeze %dma_start3A_1864 : memref<1x1x128xf32, #tpu.memory_space<vmem>> -> memref<1x128xf32, #tpu.memory_space<vmem>>
    %dma_start3A_1866 = arith.constant 0 : i32
    %dma_start3A_1867 = tpu.memref_slice %arg5[%dma_start3A_1866, %multiple_of3A_1815] : memref<1x1000000xf32, #tpu.memory_space<hbm>> -> memref<1x128xf32, #tpu.memory_space<hbm>>
    tpu.enqueue_dma source(%dma_start3A_1867 : memref<1x128xf32, #tpu.memory_space<hbm>>) target(%dma_start3A_1865 : memref<1x128xf32, #tpu.memory_space<vmem>>) target_semaphore(%arg25 : memref<!tpu.dma_semaphore, #tpu.memory_space<semaphore_mem>>)
    %broadcast_in_dim3A = arith.constant 0.000000e+00 : f32
    %broadcast_in_dim3A_1868 = vector.broadcast %broadcast_in_dim3A : f32 to vector<16xf32>
    %scan3A = arith.constant 0 : i32
    %scan3A_1869 = arith.constant 128 : i32
    %scan3A_1870 = arith.addi %scan3A, %scan3A_1869 : i32
    %scan3A_1871 = arith.constant 1 : i32
    %scan3A_1872:3 = scf.for %scan3A_1874 = %scan3A to %scan3A_1870 step %scan3A_1871 iter_args(%scan3A_1875 = %broadcast_in_dim3A_1868, %scan3A_1876 = %broadcast_in_dim3A_1868, %scan3A_1877 = %broadcast_in_dim3A_1868) -> (vector<16xf32>, vector<16xf32>, vector<16xf32>)  : i32 {
      %and3A = arith.constant 7 : i32
      %and3A_1878 = arith.andi %scan3A_1874, %and3A : i32
      %dma_wait3A = arith.constant 0 : i32
      %dma_wait3A_1879 = arith.constant 0 : i32
      %dma_wait3A_1880 = tpu.memref_slice %arg15[%and3A_1878, %dma_wait3A, %dma_wait3A_1879] : memref<8x32x128xf32, #tpu.memory_space<vmem>> -> memref<1x32x128xf32, #tpu.memory_space<vmem>>
      %dma_wait3A_1881 = tpu.memref_squeeze %dma_wait3A_1880 : memref<1x32x128xf32, #tpu.memory_space<vmem>> -> memref<32x128xf32, #tpu.memory_space<vmem>>
      %dma_wait3A_1882 = arith.constant 0 : i32
      %dma_wait3A_1883 = arith.constant 0 : i32
      %dma_wait3A_1884 = tpu.memref_slice %arg2[%dma_wait3A_1882, %dma_wait3A_1883] : memref<32x1000000xf32, #tpu.memory_space<hbm>> -> memref<32x128xf32, #tpu.memory_space<hbm>>
      %dma_wait3A_1885 = arith.constant 0 : i32
      %dma_wait3A_1886 = arith.constant 0 : i32
      %dma_wait3A_1887 = tpu.memref_slice %arg15[%and3A_1878, %dma_wait3A_1885, %dma_wait3A_1886] : memref<8x32x128xf32, #tpu.memory_space<vmem>> -> memref<1x32x128xf32, #tpu.memory_space<vmem>>
      %dma_wait3A_1888 = tpu.memref_squeeze %dma_wait3A_1887 : memref<1x32x128xf32, #tpu.memory_space<vmem>> -> memref<32x128xf32, #tpu.memory_space<vmem>>
      %dma_wait3A_1889 = arith.constant 0 : i32
      %dma_wait3A_1890 = arith.constant 0 : i32
      %dma_wait3A_1891 = tpu.memref_slice %arg2[%dma_wait3A_1889, %dma_wait3A_1890] : memref<32x1000000xf32, #tpu.memory_space<hbm>> -> memref<32x128xf32, #tpu.memory_space<hbm>>
      tpu.wait_dma2 semaphore(%arg22 : memref<!tpu.dma_semaphore, #tpu.memory_space<semaphore_mem>>) src(%dma_wait3A_1891 : memref<32x128xf32, #tpu.memory_space<hbm>>) dst(%dma_wait3A_1888 : memref<32x128xf32, #tpu.memory_space<vmem>>)
      %dma_wait3A_1892 = arith.constant 0 : i32
      %dma_wait3A_1893 = arith.constant 0 : i32
      %dma_wait3A_1894 = tpu.memref_slice %arg16[%and3A_1878, %dma_wait3A_1892, %dma_wait3A_1893] : memref<8x32x128xf32, #tpu.memory_space<vmem>> -> memref<1x32x128xf32, #tpu.memory_space<vmem>>
      %dma_wait3A_1895 = tpu.memref_squeeze %dma_wait3A_1894 : memref<1x32x128xf32, #tpu.memory_space<vmem>> -> memref<32x128xf32, #tpu.memory_space<vmem>>
      %dma_wait3A_1896 = arith.constant 0 : i32
      %dma_wait3A_1897 = arith.constant 0 : i32
      %dma_wait3A_1898 = tpu.memref_slice %arg3[%dma_wait3A_1896, %dma_wait3A_1897] : memref<32x1000000xf32, #tpu.memory_space<hbm>> -> memref<32x128xf32, #tpu.memory_space<hbm>>
      %dma_wait3A_1899 = arith.constant 0 : i32
      %dma_wait3A_1900 = arith.constant 0 : i32
      %dma_wait3A_1901 = tpu.memref_slice %arg16[%and3A_1878, %dma_wait3A_1899, %dma_wait3A_1900] : memref<8x32x128xf32, #tpu.memory_space<vmem>> -> memref<1x32x128xf32, #tpu.memory_space<vmem>>
      %dma_wait3A_1902 = tpu.memref_squeeze %dma_wait3A_1901 : memref<1x32x128xf32, #tpu.memory_space<vmem>> -> memref<32x128xf32, #tpu.memory_space<vmem>>
      %dma_wait3A_1903 = arith.constant 0 : i32
      %dma_wait3A_1904 = arith.constant 0 : i32
      %dma_wait3A_1905 = tpu.memref_slice %arg3[%dma_wait3A_1903, %dma_wait3A_1904] : memref<32x1000000xf32, #tpu.memory_space<hbm>> -> memref<32x128xf32, #tpu.memory_space<hbm>>
      tpu.wait_dma2 semaphore(%arg23 : memref<!tpu.dma_semaphore, #tpu.memory_space<semaphore_mem>>) src(%dma_wait3A_1905 : memref<32x128xf32, #tpu.memory_space<hbm>>) dst(%dma_wait3A_1902 : memref<32x128xf32, #tpu.memory_space<vmem>>)
      %dma_wait3A_1906 = arith.constant 0 : i32
      %dma_wait3A_1907 = arith.constant 0 : i32
      %dma_wait3A_1908 = tpu.memref_slice %arg17[%and3A_1878, %dma_wait3A_1906, %dma_wait3A_1907] : memref<8x1x128xf32, #tpu.memory_space<vmem>> -> memref<1x1x128xf32, #tpu.memory_space<vmem>>
      %dma_wait3A_1909 = tpu.memref_squeeze %dma_wait3A_1908 : memref<1x1x128xf32, #tpu.memory_space<vmem>> -> memref<1x128xf32, #tpu.memory_space<vmem>>
      %dma_wait3A_1910 = arith.constant 0 : i32
      %dma_wait3A_1911 = arith.constant 0 : i32
      %dma_wait3A_1912 = tpu.memref_slice %arg4[%dma_wait3A_1910, %dma_wait3A_1911] : memref<1x1000000xf32, #tpu.memory_space<hbm>> -> memref<1x128xf32, #tpu.memory_space<hbm>>
      %dma_wait3A_1913 = arith.constant 0 : i32
      %dma_wait3A_1914 = arith.constant 0 : i32
      %dma_wait3A_1915 = tpu.memref_slice %arg17[%and3A_1878, %dma_wait3A_1913, %dma_wait3A_1914] : memref<8x1x128xf32, #tpu.memory_space<vmem>> -> memref<1x1x128xf32, #tpu.memory_space<vmem>>
      %dma_wait3A_1916 = tpu.memref_squeeze %dma_wait3A_1915 : memref<1x1x128xf32, #tpu.memory_space<vmem>> -> memref<1x128xf32, #tpu.memory_space<vmem>>
      %dma_wait3A_1917 = arith.constant 0 : i32
      %dma_wait3A_1918 = arith.constant 0 : i32
      %dma_wait3A_1919 = tpu.memref_slice %arg4[%dma_wait3A_1917, %dma_wait3A_1918] : memref<1x1000000xf32, #tpu.memory_space<hbm>> -> memref<1x128xf32, #tpu.memory_space<hbm>>
      tpu.wait_dma2 semaphore(%arg24 : memref<!tpu.dma_semaphore, #tpu.memory_space<semaphore_mem>>) src(%dma_wait3A_1919 : memref<1x128xf32, #tpu.memory_space<hbm>>) dst(%dma_wait3A_1916 : memref<1x128xf32, #tpu.memory_space<vmem>>)
      %dma_wait3A_1920 = arith.constant 0 : i32
      %dma_wait3A_1921 = arith.constant 0 : i32
      %dma_wait3A_1922 = tpu.memref_slice %arg18[%and3A_1878, %dma_wait3A_1920, %dma_wait3A_1921] : memref<8x1x128xf32, #tpu.memory_space<vmem>> -> memref<1x1x128xf32, #tpu.memory_space<vmem>>
      %dma_wait3A_1923 = tpu.memref_squeeze %dma_wait3A_1922 : memref<1x1x128xf32, #tpu.memory_space<vmem>> -> memref<1x128xf32, #tpu.memory_space<vmem>>
      %dma_wait3A_1924 = arith.constant 0 : i32
      %dma_wait3A_1925 = arith.constant 0 : i32
      %dma_wait3A_1926 = tpu.memref_slice %arg5[%dma_wait3A_1924, %dma_wait3A_1925] : memref<1x1000000xf32, #tpu.memory_space<hbm>> -> memref<1x128xf32, #tpu.memory_space<hbm>>
      %dma_wait3A_1927 = arith.constant 0 : i32
      %dma_wait3A_1928 = arith.constant 0 : i32
      %dma_wait3A_1929 = tpu.memref_slice %arg18[%and3A_1878, %dma_wait3A_1927, %dma_wait3A_1928] : memref<8x1x128xf32, #tpu.memory_space<vmem>> -> memref<1x1x128xf32, #tpu.memory_space<vmem>>
      %dma_wait3A_1930 = tpu.memref_squeeze %dma_wait3A_1929 : memref<1x1x128xf32, #tpu.memory_space<vmem>> -> memref<1x128xf32, #tpu.memory_space<vmem>>
      %dma_wait3A_1931 = arith.constant 0 : i32
      %dma_wait3A_1932 = arith.constant 0 : i32
      %dma_wait3A_1933 = tpu.memref_slice %arg5[%dma_wait3A_1931, %dma_wait3A_1932] : memref<1x1000000xf32, #tpu.memory_space<hbm>> -> memref<1x128xf32, #tpu.memory_space<hbm>>
      tpu.wait_dma2 semaphore(%arg25 : memref<!tpu.dma_semaphore, #tpu.memory_space<semaphore_mem>>) src(%dma_wait3A_1933 : memref<1x128xf32, #tpu.memory_space<hbm>>) dst(%dma_wait3A_1930 : memref<1x128xf32, #tpu.memory_space<vmem>>)
      %get3A_1934 = arith.index_cast %scan3A_1874 : i32 to index
      %get3A_1935 = memref.load %arg11[%get3A_1934] : memref<128xi32, #tpu.memory_space<smem>>
      %get3A_1936 = arith.index_cast %scan3A_1874 : i32 to index
      %get3A_1937 = memref.load %arg12[%get3A_1936] : memref<128xi32, #tpu.memory_space<smem>>
      %and3A_1938 = arith.constant 127 : i32
      %and3A_1939 = arith.andi %get3A_1935, %and3A_1938 : i32
      %and3A_1940 = arith.constant 127 : i32
      %and3A_1941 = arith.andi %get3A_1937, %and3A_1940 : i32
      %shift_right_arithmetic3A_1942 = arith.constant 4 : i32
      %shift_right_arithmetic3A_1943 = arith.shrsi %and3A_1939, %shift_right_arithmetic3A_1942 : i32
      %mul3A_1944 = arith.constant 16 : i32
      %mul3A_1945 = arith.muli %shift_right_arithmetic3A_1943, %mul3A_1944 : i32
      %multiple_of3A_1946 = tpu.assume_multiple %mul3A_1945, 16 : i32
      %shift_right_arithmetic3A_1947 = arith.constant 4 : i32
      %shift_right_arithmetic3A_1948 = arith.shrsi %and3A_1941, %shift_right_arithmetic3A_1947 : i32
      %mul3A_1949 = arith.constant 16 : i32
      %mul3A_1950 = arith.muli %shift_right_arithmetic3A_1948, %mul3A_1949 : i32
      %multiple_of3A_1951 = tpu.assume_multiple %mul3A_1950, 16 : i32
      %and3A_1952 = arith.constant 15 : i32
      %and3A_1953 = arith.andi %and3A_1939, %and3A_1952 : i32
      %and3A_1954 = arith.constant 15 : i32
      %and3A_1955 = arith.andi %and3A_1941, %and3A_1954 : i32
      %sub3A = arith.subi %and3A_1955, %and3A_1953 : i32
      %add3A_1956 = vector.broadcast %sub3A : i32 to vector<16xi32>
      %add3A_1957 = arith.addi %iota3A, %add3A_1956 : vector<16xi32>
      %and3A_1958 = arith.constant 15 : i32
      %and3A_1959 = vector.broadcast %and3A_1958 : i32 to vector<16xi32>
      %and3A_1960 = arith.andi %add3A_1957, %and3A_1959 : vector<16xi32>
      %broadcast_in_dim3A_1961 = arith.constant 0.000000e+00 : f32
      %broadcast_in_dim3A_1962 = vector.broadcast %broadcast_in_dim3A_1961 : f32 to vector<16xf32>
      %scan3A_1963 = arith.constant 0 : i32
      %scan3A_1964 = arith.constant 32 : i32
      %scan3A_1965 = arith.addi %scan3A_1963, %scan3A_1964 : i32
      %scan3A_1966 = arith.constant 1 : i32
      %scan3A_1967 = scf.for %scan3A_2030 = %scan3A_1963 to %scan3A_1965 step %scan3A_1966 iter_args(%scan3A_2031 = %broadcast_in_dim3A_1962) -> (vector<16xf32>)  : i32 {
        %get3A_2032 = arith.index_cast %and3A_1878 : i32 to index
        %get3A_2033 = arith.index_cast %scan3A_2030 : i32 to index
        %get3A_2034 = arith.index_cast %multiple_of3A_1946 : i32 to index
        %get3A_2035 = tpu.vector_load %arg15[%get3A_2032, %get3A_2033, %get3A_2034] {strides = array<i32>} : memref<8x32x128xf32, #tpu.memory_space<vmem>>, vector<1x1x16xf32>,
        %get3A_2036 = vector.shape_cast %get3A_2035 : vector<1x1x16xf32> to vector<16xf32>
        %get3A_2037 = arith.index_cast %and3A_1878 : i32 to index
        %get3A_2038 = arith.index_cast %scan3A_2030 : i32 to index
        %get3A_2039 = arith.index_cast %multiple_of3A_1951 : i32 to index
        %get3A_2040 = tpu.vector_load %arg16[%get3A_2037, %get3A_2038, %get3A_2039] {strides = array<i32>} : memref<8x32x128xf32, #tpu.memory_space<vmem>>, vector<1x1x16xf32>,
        %get3A_2041 = vector.shape_cast %get3A_2040 : vector<1x1x16xf32> to vector<16xf32>
        %lt3A_2042 = arith.constant 0 : i32
        %lt3A_2043 = vector.broadcast %lt3A_2042 : i32 to vector<16xi32>
        %lt3A_2044 = arith.cmpi slt, %and3A_1960, %lt3A_2043 : vector<16xi32>
        %add3A_2045 = arith.constant 16 : i32
        %add3A_2046 = vector.broadcast %add3A_2045 : i32 to vector<16xi32>
        %add3A_2047 = arith.addi %and3A_1960, %add3A_2046 : vector<16xi32>
        %select_n3A_2048 = arith.select %lt3A_2044, %add3A_2047, %and3A_1960 : vector<16xi1>, vector<16xi32>
        %broadcast_in_dim3A_2049 = vector.shape_cast %select_n3A_2048 : vector<16xi32> to vector<16x1xi32>
        %gather3A_2050 = vector.shape_cast %broadcast_in_dim3A_2049 : vector<16x1xi32> to vector<16xi32>
        %gather3A_2051 = tpu.dynamic_gather %get3A_2041[%gather3A_2050] in [0] : vector<16xf32>, vector<16xi32> -> vector<16xf32>
        %mul3A_2052 = arith.mulf %get3A_2036, %gather3A_2051 : vector<16xf32>
        %add3A_2053 = arith.addf %scan3A_2031, %mul3A_2052 : vector<16xf32>
        scf.yield %add3A_2053 : vector<16xf32>
      }
      %scan3A_1968 = arith.constant 32 : i32
      %broadcast_in_dim3A_1969 = vector.broadcast %and3A_1953 : i32 to vector<16xi32>
      %broadcast_in_dim3A_1970 = vector.broadcast %and3A_1955 : i32 to vector<16xi32>
      %lt3A = arith.constant 0 : i32
      %lt3A_1971 = vector.broadcast %lt3A : i32 to vector<16xi32>
      %lt3A_1972 = arith.cmpi slt, %broadcast_in_dim3A_1969, %lt3A_1971 : vector<16xi32>
      %add3A_1973 = arith.constant 16 : i32
      %add3A_1974 = vector.broadcast %add3A_1973 : i32 to vector<16xi32>
      %add3A_1975 = arith.addi %broadcast_in_dim3A_1969, %add3A_1974 : vector<16xi32>
      %select_n3A = arith.select %lt3A_1972, %add3A_1975, %broadcast_in_dim3A_1969 : vector<16xi1>, vector<16xi32>
      %broadcast_in_dim3A_1976 = vector.shape_cast %select_n3A : vector<16xi32> to vector<16x1xi32>
      %gather3A = vector.shape_cast %broadcast_in_dim3A_1976 : vector<16x1xi32> to vector<16xi32>
      %gather3A_1977 = tpu.dynamic_gather %scan3A_1967[%gather3A] in [0] : vector<16xf32>, vector<16xi32> -> vector<16xf32>
      %get3A_1978 = arith.constant 0 : i32
      %get3A_1979 = arith.index_cast %and3A_1878 : i32 to index
      %get3A_1980 = arith.index_cast %get3A_1978 : i32 to index
      %get3A_1981 = arith.index_cast %multiple_of3A_1946 : i32 to index
      %get3A_1982 = tpu.vector_load %arg17[%get3A_1979, %get3A_1980, %get3A_1981] {strides = array<i32>} : memref<8x1x128xf32, #tpu.memory_space<vmem>>, vector<1x1x16xf32>,
      %get3A_1983 = vector.shape_cast %get3A_1982 : vector<1x1x16xf32> to vector<16xf32>
      %lt3A_1984 = arith.constant 0 : i32
      %lt3A_1985 = vector.broadcast %lt3A_1984 : i32 to vector<16xi32>
      %lt3A_1986 = arith.cmpi slt, %broadcast_in_dim3A_1969, %lt3A_1985 : vector<16xi32>
      %add3A_1987 = arith.constant 16 : i32
      %add3A_1988 = vector.broadcast %add3A_1987 : i32 to vector<16xi32>
      %add3A_1989 = arith.addi %broadcast_in_dim3A_1969, %add3A_1988 : vector<16xi32>
      %select_n3A_1990 = arith.select %lt3A_1986, %add3A_1989, %broadcast_in_dim3A_1969 : vector<16xi1>, vector<16xi32>
      %broadcast_in_dim3A_1991 = vector.shape_cast %select_n3A_1990 : vector<16xi32> to vector<16x1xi32>
      %gather3A_1992 = vector.shape_cast %broadcast_in_dim3A_1991 : vector<16x1xi32> to vector<16xi32>
      %gather3A_1993 = tpu.dynamic_gather %get3A_1983[%gather3A_1992] in [0] : vector<16xf32>, vector<16xi32> -> vector<16xf32>
      %get3A_1994 = arith.constant 0 : i32
      %get3A_1995 = arith.index_cast %and3A_1878 : i32 to index
      %get3A_1996 = arith.index_cast %get3A_1994 : i32 to index
      %get3A_1997 = arith.index_cast %multiple_of3A_1951 : i32 to index
      %get3A_1998 = tpu.vector_load %arg18[%get3A_1995, %get3A_1996, %get3A_1997] {strides = array<i32>} : memref<8x1x128xf32, #tpu.memory_space<vmem>>, vector<1x1x16xf32>,
      %get3A_1999 = vector.shape_cast %get3A_1998 : vector<1x1x16xf32> to vector<16xf32>
      %lt3A_2000 = arith.constant 0 : i32
      %lt3A_2001 = vector.broadcast %lt3A_2000 : i32 to vector<16xi32>
      %lt3A_2002 = arith.cmpi slt, %broadcast_in_dim3A_1970, %lt3A_2001 : vector<16xi32>
      %add3A_2003 = arith.constant 16 : i32
      %add3A_2004 = vector.broadcast %add3A_2003 : i32 to vector<16xi32>
      %add3A_2005 = arith.addi %broadcast_in_dim3A_1970, %add3A_2004 : vector<16xi32>
      %select_n3A_2006 = arith.select %lt3A_2002, %add3A_2005, %broadcast_in_dim3A_1970 : vector<16xi1>, vector<16xi32>
      %broadcast_in_dim3A_2007 = vector.shape_cast %select_n3A_2006 : vector<16xi32> to vector<16x1xi32>
      %gather3A_2008 = vector.shape_cast %broadcast_in_dim3A_2007 : vector<16x1xi32> to vector<16xi32>
      %gather3A_2009 = tpu.dynamic_gather %get3A_1999[%gather3A_2008] in [0] : vector<16xf32>, vector<16xi32> -> vector<16xf32>
      %and3A_2010 = arith.constant 15 : i32
      %and3A_2011 = arith.andi %scan3A_1874, %and3A_2010 : i32
      %eq3A = vector.broadcast %and3A_2011 : i32 to vector<16xi32>
      %eq3A_2012 = arith.cmpi eq, %iota3A, %eq3A : vector<16xi32>
      %select_n3A_2013 = arith.select %eq3A_2012, %gather3A_1977, %scan3A_1875 : vector<16xi1>, vector<16xf32>
      %eq3A_2014 = vector.broadcast %and3A_2011 : i32 to vector<16xi32>
      %eq3A_2015 = arith.cmpi eq, %iota3A, %eq3A_2014 : vector<16xi32>
      %select_n3A_2016 = arith.select %eq3A_2015, %gather3A_1993, %scan3A_1876 : vector<16xi1>, vector<16xf32>
      %eq3A_2017 = vector.broadcast %and3A_2011 : i32 to vector<16xi32>
      %eq3A_2018 = arith.cmpi eq, %iota3A, %eq3A_2017 : vector<16xi32>
      %select_n3A_2019 = arith.select %eq3A_2018, %gather3A_2009, %scan3A_1877 : vector<16xi1>, vector<16xf32>
      %eq3A_2020 = arith.constant 15 : i32
      %eq3A_2021 = arith.cmpi eq, %and3A_2011, %eq3A_2020 : i32
      %convert_element_type3A = arith.extui %eq3A_2021 : i1 to i32
      %cond3A = arith.constant 0 : i32
      %cond3A_2022 = arith.cmpi ne, %convert_element_type3A, %cond3A : i32
      scf.if %cond3A_2022 {
        %shift_right_arithmetic3A_2030 = arith.constant 4 : i32
        %shift_right_arithmetic3A_2031 = arith.shrsi %scan3A_1874, %shift_right_arithmetic3A_2030 : i32
        %mul3A_2032 = arith.constant 16 : i32
        %mul3A_2033 = arith.muli %shift_right_arithmetic3A_2031, %mul3A_2032 : i32
        %multiple_of3A_2034 = tpu.assume_multiple %mul3A_2033, 16 : i32
        %swap3A_2035 = arith.index_cast %multiple_of3A_2034 : i32 to index
        %swap3A_2036 = tpu.vector_load %arg19[%swap3A_2035] {strides = array<i32>} : memref<128xf32, #tpu.memory_space<vmem>>, vector<16xf32>,
        %swap3A_2037 = vector.shape_cast %swap3A_2036 : vector<16xf32> to vector<16xf32>
        %swap3A_2038 = vector.shape_cast %select_n3A_2013 : vector<16xf32> to vector<16xf32>
        tpu.vector_store %arg19[%swap3A_2035], %swap3A_2038 {strides = array<i32>} : memref<128xf32, #tpu.memory_space<vmem>>, vector<16xf32>,
        %swap3A_2039 = arith.index_cast %multiple_of3A_2034 : i32 to index
        %swap3A_2040 = tpu.vector_load %arg20[%swap3A_2039] {strides = array<i32>} : memref<128xf32, #tpu.memory_space<vmem>>, vector<16xf32>,
        %swap3A_2041 = vector.shape_cast %swap3A_2040 : vector<16xf32> to vector<16xf32>
        %swap3A_2042 = vector.shape_cast %select_n3A_2016 : vector<16xf32> to vector<16xf32>
        tpu.vector_store %arg20[%swap3A_2039], %swap3A_2042 {strides = array<i32>} : memref<128xf32, #tpu.memory_space<vmem>>, vector<16xf32>,
        %swap3A_2043 = arith.index_cast %multiple_of3A_2034 : i32 to index
        %swap3A_2044 = tpu.vector_load %arg21[%swap3A_2043] {strides = array<i32>} : memref<128xf32, #tpu.memory_space<vmem>>, vector<16xf32>,
        %swap3A_2045 = vector.shape_cast %swap3A_2044 : vector<16xf32> to vector<16xf32>
        %swap3A_2046 = vector.shape_cast %select_n3A_2019 : vector<16xf32> to vector<16xf32>
        tpu.vector_store %arg21[%swap3A_2043], %swap3A_2046 {strides = array<i32>} : memref<128xf32, #tpu.memory_space<vmem>>, vector<16xf32>,
      } else {
      }
      %add3A_2023 = arith.constant 8 : i32
      %add3A_2024 = arith.addi %scan3A_1874, %add3A_2023 : i32
      %lt3A_2025 = arith.constant 128 : i32
      %lt3A_2026 = arith.cmpi slt, %add3A_2024, %lt3A_2025 : i32
      %convert_element_type3A_2027 = arith.extui %lt3A_2026 : i1 to i32
      %cond3A_2028 = arith.constant 0 : i32
      %cond3A_2029 = arith.cmpi ne, %convert_element_type3A_2027, %cond3A_2028 : i32
      scf.if %cond3A_2029 {
        %add3A_2030 = arith.constant 8 : i32
        %add3A_2031 = arith.addi %scan3A_1874, %add3A_2030 : i32
        %get3A_2032 = arith.index_cast %add3A_2031 : i32 to index
        %get3A_2033 = memref.load %arg11[%get3A_2032] : memref<128xi32, #tpu.memory_space<smem>>
        %get3A_2034 = arith.index_cast %add3A_2031 : i32 to index
        %get3A_2035 = memref.load %arg12[%get3A_2034] : memref<128xi32, #tpu.memory_space<smem>>
        %shift_right_arithmetic3A_2036 = arith.constant 7 : i32
        %shift_right_arithmetic3A_2037 = arith.shrsi %get3A_2033, %shift_right_arithmetic3A_2036 : i32
        %mul3A_2038 = arith.constant 128 : i32
        %mul3A_2039 = arith.muli %shift_right_arithmetic3A_2037, %mul3A_2038 : i32
        %multiple_of3A_2040 = tpu.assume_multiple %mul3A_2039, 128 : i32
        %shift_right_arithmetic3A_2041 = arith.constant 7 : i32
        %shift_right_arithmetic3A_2042 = arith.shrsi %get3A_2035, %shift_right_arithmetic3A_2041 : i32
        %mul3A_2043 = arith.constant 128 : i32
        %mul3A_2044 = arith.muli %shift_right_arithmetic3A_2042, %mul3A_2043 : i32
        %multiple_of3A_2045 = tpu.assume_multiple %mul3A_2044, 128 : i32
        %dma_start3A_2046 = arith.constant 0 : i32
        %dma_start3A_2047 = arith.constant 0 : i32
        %dma_start3A_2048 = tpu.memref_slice %arg15[%and3A_1878, %dma_start3A_2046, %dma_start3A_2047] : memref<8x32x128xf32, #tpu.memory_space<vmem>> -> memref<1x32x128xf32, #tpu.memory_space<vmem>>
        %dma_start3A_2049 = tpu.memref_squeeze %dma_start3A_2048 : memref<1x32x128xf32, #tpu.memory_space<vmem>> -> memref<32x128xf32, #tpu.memory_space<vmem>>
        %dma_start3A_2050 = arith.constant 0 : i32
        %dma_start3A_2051 = tpu.memref_slice %arg2[%dma_start3A_2050, %multiple_of3A_2040] : memref<32x1000000xf32, #tpu.memory_space<hbm>> -> memref<32x128xf32, #tpu.memory_space<hbm>>
        %dma_start3A_2052 = arith.constant 0 : i32
        %dma_start3A_2053 = arith.constant 0 : i32
        %dma_start3A_2054 = tpu.memref_slice %arg15[%and3A_1878, %dma_start3A_2052, %dma_start3A_2053] : memref<8x32x128xf32, #tpu.memory_space<vmem>> -> memref<1x32x128xf32, #tpu.memory_space<vmem>>
        %dma_start3A_2055 = tpu.memref_squeeze %dma_start3A_2054 : memref<1x32x128xf32, #tpu.memory_space<vmem>> -> memref<32x128xf32, #tpu.memory_space<vmem>>
        %dma_start3A_2056 = arith.constant 0 : i32
        %dma_start3A_2057 = tpu.memref_slice %arg2[%dma_start3A_2056, %multiple_of3A_2040] : memref<32x1000000xf32, #tpu.memory_space<hbm>> -> memref<32x128xf32, #tpu.memory_space<hbm>>
        tpu.enqueue_dma source(%dma_start3A_2057 : memref<32x128xf32, #tpu.memory_space<hbm>>) target(%dma_start3A_2055 : memref<32x128xf32, #tpu.memory_space<vmem>>) target_semaphore(%arg22 : memref<!tpu.dma_semaphore, #tpu.memory_space<semaphore_mem>>)
        %dma_start3A_2058 = arith.constant 0 : i32
        %dma_start3A_2059 = arith.constant 0 : i32
        %dma_start3A_2060 = tpu.memref_slice %arg16[%and3A_1878, %dma_start3A_2058, %dma_start3A_2059] : memref<8x32x128xf32, #tpu.memory_space<vmem>> -> memref<1x32x128xf32, #tpu.memory_space<vmem>>
        %dma_start3A_2061 = tpu.memref_squeeze %dma_start3A_2060 : memref<1x32x128xf32, #tpu.memory_space<vmem>> -> memref<32x128xf32, #tpu.memory_space<vmem>>
        %dma_start3A_2062 = arith.constant 0 : i32
        %dma_start3A_2063 = tpu.memref_slice %arg3[%dma_start3A_2062, %multiple_of3A_2045] : memref<32x1000000xf32, #tpu.memory_space<hbm>> -> memref<32x128xf32, #tpu.memory_space<hbm>>
        %dma_start3A_2064 = arith.constant 0 : i32
        %dma_start3A_2065 = arith.constant 0 : i32
        %dma_start3A_2066 = tpu.memref_slice %arg16[%and3A_1878, %dma_start3A_2064, %dma_start3A_2065] : memref<8x32x128xf32, #tpu.memory_space<vmem>> -> memref<1x32x128xf32, #tpu.memory_space<vmem>>
        %dma_start3A_2067 = tpu.memref_squeeze %dma_start3A_2066 : memref<1x32x128xf32, #tpu.memory_space<vmem>> -> memref<32x128xf32, #tpu.memory_space<vmem>>
        %dma_start3A_2068 = arith.constant 0 : i32
        %dma_start3A_2069 = tpu.memref_slice %arg3[%dma_start3A_2068, %multiple_of3A_2045] : memref<32x1000000xf32, #tpu.memory_space<hbm>> -> memref<32x128xf32, #tpu.memory_space<hbm>>
        tpu.enqueue_dma source(%dma_start3A_2069 : memref<32x128xf32, #tpu.memory_space<hbm>>) target(%dma_start3A_2067 : memref<32x128xf32, #tpu.memory_space<vmem>>) target_semaphore(%arg23 : memref<!tpu.dma_semaphore, #tpu.memory_space<semaphore_mem>>)
        %dma_start3A_2070 = arith.constant 0 : i32
        %dma_start3A_2071 = arith.constant 0 : i32
        %dma_start3A_2072 = tpu.memref_slice %arg17[%and3A_1878, %dma_start3A_2070, %dma_start3A_2071] : memref<8x1x128xf32, #tpu.memory_space<vmem>> -> memref<1x1x128xf32, #tpu.memory_space<vmem>>
        %dma_start3A_2073 = tpu.memref_squeeze %dma_start3A_2072 : memref<1x1x128xf32, #tpu.memory_space<vmem>> -> memref<1x128xf32, #tpu.memory_space<vmem>>
        %dma_start3A_2074 = arith.constant 0 : i32
        %dma_start3A_2075 = tpu.memref_slice %arg4[%dma_start3A_2074, %multiple_of3A_2040] : memref<1x1000000xf32, #tpu.memory_space<hbm>> -> memref<1x128xf32, #tpu.memory_space<hbm>>
        %dma_start3A_2076 = arith.constant 0 : i32
        %dma_start3A_2077 = arith.constant 0 : i32
        %dma_start3A_2078 = tpu.memref_slice %arg17[%and3A_1878, %dma_start3A_2076, %dma_start3A_2077] : memref<8x1x128xf32, #tpu.memory_space<vmem>> -> memref<1x1x128xf32, #tpu.memory_space<vmem>>
        %dma_start3A_2079 = tpu.memref_squeeze %dma_start3A_2078 : memref<1x1x128xf32, #tpu.memory_space<vmem>> -> memref<1x128xf32, #tpu.memory_space<vmem>>
        %dma_start3A_2080 = arith.constant 0 : i32
        %dma_start3A_2081 = tpu.memref_slice %arg4[%dma_start3A_2080, %multiple_of3A_2040] : memref<1x1000000xf32, #tpu.memory_space<hbm>> -> memref<1x128xf32, #tpu.memory_space<hbm>>
        tpu.enqueue_dma source(%dma_start3A_2081 : memref<1x128xf32, #tpu.memory_space<hbm>>) target(%dma_start3A_2079 : memref<1x128xf32, #tpu.memory_space<vmem>>) target_semaphore(%arg24 : memref<!tpu.dma_semaphore, #tpu.memory_space<semaphore_mem>>)
        %dma_start3A_2082 = arith.constant 0 : i32
        %dma_start3A_2083 = arith.constant 0 : i32
        %dma_start3A_2084 = tpu.memref_slice %arg18[%and3A_1878, %dma_start3A_2082, %dma_start3A_2083] : memref<8x1x128xf32, #tpu.memory_space<vmem>> -> memref<1x1x128xf32, #tpu.memory_space<vmem>>
        %dma_start3A_2085 = tpu.memref_squeeze %dma_start3A_2084 : memref<1x1x128xf32, #tpu.memory_space<vmem>> -> memref<1x128xf32, #tpu.memory_space<vmem>>
        %dma_start3A_2086 = arith.constant 0 : i32
        %dma_start3A_2087 = tpu.memref_slice %arg5[%dma_start3A_2086, %multiple_of3A_2045] : memref<1x1000000xf32, #tpu.memory_space<hbm>> -> memref<1x128xf32, #tpu.memory_space<hbm>>
        %dma_start3A_2088 = arith.constant 0 : i32
        %dma_start3A_2089 = arith.constant 0 : i32
        %dma_start3A_2090 = tpu.memref_slice %arg18[%and3A_1878, %dma_start3A_2088, %dma_start3A_2089] : memref<8x1x128xf32, #tpu.memory_space<vmem>> -> memref<1x1x128xf32, #tpu.memory_space<vmem>>
        %dma_start3A_2091 = tpu.memref_squeeze %dma_start3A_2090 : memref<1x1x128xf32, #tpu.memory_space<vmem>> -> memref<1x128xf32, #tpu.memory_space<vmem>>
        %dma_start3A_2092 = arith.constant 0 : i32
        %dma_start3A_2093 = tpu.memref_slice %arg5[%dma_start3A_2092, %multiple_of3A_2045] : memref<1x1000000xf32, #tpu.memory_space<hbm>> -> memref<1x128xf32, #tpu.memory_space<hbm>>
        tpu.enqueue_dma source(%dma_start3A_2093 : memref<1x128xf32, #tpu.memory_space<hbm>>) target(%dma_start3A_2091 : memref<1x128xf32, #tpu.memory_space<vmem>>) target_semaphore(%arg25 : memref<!tpu.dma_semaphore, #tpu.memory_space<semaphore_mem>>)
      } else {
      }
      scf.yield %select_n3A_2013, %select_n3A_2016, %select_n3A_2019 : vector<16xf32>, vector<16xf32>, vector<16xf32>
    }
    %scan3A_1873 = arith.constant 128 : i32
    "tpu.region"() ({
      %run_scoped3A = tpu.sem_alloc : memref<!tpu.dma_semaphore, #tpu.memory_space<semaphore_mem>>
      %dma_start3A_1874 = tpu.memref_slice %arg8[%mul3A_2] : memref<4096xf32, #tpu.memory_space<hbm>> -> memref<128xf32, #tpu.memory_space<hbm>>
      %dma_start3A_1875 = tpu.memref_slice %arg8[%mul3A_2] : memref<4096xf32, #tpu.memory_space<hbm>> -> memref<128xf32, #tpu.memory_space<hbm>>
      tpu.enqueue_dma source(%arg19 : memref<128xf32, #tpu.memory_space<vmem>>) target(%dma_start3A_1875 : memref<128xf32, #tpu.memory_space<hbm>>) target_semaphore(%run_scoped3A : memref<!tpu.dma_semaphore, #tpu.memory_space<semaphore_mem>>)
      %dma_wait3A = tpu.memref_slice %arg8[%mul3A_2] : memref<4096xf32, #tpu.memory_space<hbm>> -> memref<128xf32, #tpu.memory_space<hbm>>
      %dma_wait3A_1876 = tpu.memref_slice %arg8[%mul3A_2] : memref<4096xf32, #tpu.memory_space<hbm>> -> memref<128xf32, #tpu.memory_space<hbm>>
      tpu.wait_dma2 semaphore(%run_scoped3A : memref<!tpu.dma_semaphore, #tpu.memory_space<semaphore_mem>>) src(%arg19 : memref<128xf32, #tpu.memory_space<vmem>>) dst(%dma_wait3A_1876 : memref<128xf32, #tpu.memory_space<hbm>>)
      tpu.yield
    }) : () -> ()
    "tpu.region"() ({
      %run_scoped3A = tpu.sem_alloc : memref<!tpu.dma_semaphore, #tpu.memory_space<semaphore_mem>>
      %dma_start3A_1874 = tpu.memref_slice %arg9[%mul3A_2] : memref<4096xf32, #tpu.memory_space<hbm>> -> memref<128xf32, #tpu.memory_space<hbm>>
      %dma_start3A_1875 = tpu.memref_slice %arg9[%mul3A_2] : memref<4096xf32, #tpu.memory_space<hbm>> -> memref<128xf32, #tpu.memory_space<hbm>>
      tpu.enqueue_dma source(%arg20 : memref<128xf32, #tpu.memory_space<vmem>>) target(%dma_start3A_1875 : memref<128xf32, #tpu.memory_space<hbm>>) target_semaphore(%run_scoped3A : memref<!tpu.dma_semaphore, #tpu.memory_space<semaphore_mem>>)
      %dma_wait3A = tpu.memref_slice %arg9[%mul3A_2] : memref<4096xf32, #tpu.memory_space<hbm>> -> memref<128xf32, #tpu.memory_space<hbm>>
      %dma_wait3A_1876 = tpu.memref_slice %arg9[%mul3A_2] : memref<4096xf32, #tpu.memory_space<hbm>> -> memref<128xf32, #tpu.memory_space<hbm>>
      tpu.wait_dma2 semaphore(%run_scoped3A : memref<!tpu.dma_semaphore, #tpu.memory_space<semaphore_mem>>) src(%arg20 : memref<128xf32, #tpu.memory_space<vmem>>) dst(%dma_wait3A_1876 : memref<128xf32, #tpu.memory_space<hbm>>)
      tpu.yield
    }) : () -> ()
    "tpu.region"() ({
      %run_scoped3A = tpu.sem_alloc : memref<!tpu.dma_semaphore, #tpu.memory_space<semaphore_mem>>
      %dma_start3A_1874 = tpu.memref_slice %arg10[%mul3A_2] : memref<4096xf32, #tpu.memory_space<hbm>> -> memref<128xf32, #tpu.memory_space<hbm>>
      %dma_start3A_1875 = tpu.memref_slice %arg10[%mul3A_2] : memref<4096xf32, #tpu.memory_space<hbm>> -> memref<128xf32, #tpu.memory_space<hbm>>
      tpu.enqueue_dma source(%arg21 : memref<128xf32, #tpu.memory_space<vmem>>) target(%dma_start3A_1875 : memref<128xf32, #tpu.memory_space<hbm>>) target_semaphore(%run_scoped3A : memref<!tpu.dma_semaphore, #tpu.memory_space<semaphore_mem>>)
      %dma_wait3A = tpu.memref_slice %arg10[%mul3A_2] : memref<4096xf32, #tpu.memory_space<hbm>> -> memref<128xf32, #tpu.memory_space<hbm>>
      %dma_wait3A_1876 = tpu.memref_slice %arg10[%mul3A_2] : memref<4096xf32, #tpu.memory_space<hbm>> -> memref<128xf32, #tpu.memory_space<hbm>>
      tpu.wait_dma2 semaphore(%run_scoped3A : memref<!tpu.dma_semaphore, #tpu.memory_space<semaphore_mem>>) src(%arg21 : memref<128xf32, #tpu.memory_space<vmem>>) dst(%dma_wait3A_1876 : memref<128xf32, #tpu.memory_space<hbm>>)
      tpu.yield
    }) : () -> ()
    return
  }
}

module attributes {stable_mosaic.version = 14 : i64} {
  func.func @_loss_body(%arg0: memref<32x128xf32, #tpu.memory_space<vmem>>, %arg1: memref<32x128xf32, #tpu.memory_space<vmem>>, %arg2: memref<32x128xf32, #tpu.memory_space<vmem>>, %arg3: memref<32x128xf32, #tpu.memory_space<vmem>>, %arg4: memref<1x1xf32, #tpu.memory_space<smem>>) attributes {dimension_semantics = [], scalar_prefetch = 0 : i64, scratch_operands = 0 : i64, tpu.core_type = #tpu.core_type<tc>} {
    %get3A = arith.constant 0 : index
    %get3A_0 = arith.constant 0 : index
    %get3A_1 = vector.load %arg0[%get3A, %get3A_0] : memref<32x128xf32, #tpu.memory_space<vmem>>, vector<32x128xf32>
    %get3A_2 = arith.constant 0 : index
    %get3A_3 = arith.constant 0 : index
    %get3A_4 = vector.load %arg1[%get3A_2, %get3A_3] : memref<32x128xf32, #tpu.memory_space<vmem>>, vector<32x128xf32>
    %get3A_5 = arith.constant 0 : index
    %get3A_6 = arith.constant 0 : index
    %get3A_7 = vector.load %arg2[%get3A_5, %get3A_6] : memref<32x128xf32, #tpu.memory_space<vmem>>, vector<32x128xf32>
    %add3A = arith.addf %get3A_4, %get3A_7 : vector<32x128xf32>
    %get3A_8 = arith.constant 0 : index
    %get3A_9 = arith.constant 0 : index
    %get3A_10 = vector.load %arg3[%get3A_8, %get3A_9] : memref<32x128xf32, #tpu.memory_space<vmem>>, vector<32x128xf32>
    %mul3A = arith.constant 0.00999999977 : f32
    %mul3A_11 = vector.broadcast %mul3A : f32 to vector<32x128xf32>
    %mul3A_12 = arith.mulf %get3A_10, %mul3A_11 : vector<32x128xf32>
    %pow3A = arith.constant 7.500000e-01 : f32
    %pow3A_13 = vector.broadcast %pow3A : f32 to vector<32x128xf32>
    %pow3A_14 = math.powf %mul3A_12, %pow3A_13 : vector<32x128xf32>
    %min3A = arith.constant 1.000000e+00 : f32
    %min3A_15 = vector.broadcast %min3A : f32 to vector<32x128xf32>
    %min3A_16 = arith.minimumf %pow3A_14, %min3A_15 : vector<32x128xf32>
    %log3A = math.log %get3A_10 : vector<32x128xf32>
    %sub3A = arith.subf %get3A_1, %log3A : vector<32x128xf32>
    %reduce_sum3A = vector.shape_cast %min3A_16 : vector<32x128xf32> to vector<1x32x128xf32>
    %reduce_sum3A_17 = arith.constant dense<0.000000e+00> : vector<1xf32>
    %reduce_sum3A_18 = vector.multi_reduction <add>, %reduce_sum3A, %reduce_sum3A_17 [1, 2] : vector<1x32x128xf32> to vector<1xf32>
    %reduce_sum3A_19 = vector.shape_cast %reduce_sum3A_18 : vector<1xf32> to vector<1x1x1xf32>
    %reduce_sum3A_20 = vector.extract %reduce_sum3A_19[0, 0, 0] : f32 from vector<1x1x1xf32>
    %reduce_sum3A_21 = vector.shape_cast %add3A : vector<32x128xf32> to vector<1x32x128xf32>
    %reduce_sum3A_22 = arith.constant dense<0.000000e+00> : vector<1xf32>
    %reduce_sum3A_23 = vector.multi_reduction <add>, %reduce_sum3A_21, %reduce_sum3A_22 [1, 2] : vector<1x32x128xf32> to vector<1xf32>
    %reduce_sum3A_24 = vector.shape_cast %reduce_sum3A_23 : vector<1xf32> to vector<1x1x1xf32>
    %reduce_sum3A_25 = vector.extract %reduce_sum3A_24[0, 0, 0] : f32 from vector<1x1x1xf32>
    %mul3A_26 = arith.mulf %add3A, %add3A : vector<32x128xf32>
    %reduce_sum3A_27 = vector.shape_cast %mul3A_26 : vector<32x128xf32> to vector<1x32x128xf32>
    %reduce_sum3A_28 = arith.constant dense<0.000000e+00> : vector<1xf32>
    %reduce_sum3A_29 = vector.multi_reduction <add>, %reduce_sum3A_27, %reduce_sum3A_28 [1, 2] : vector<1x32x128xf32> to vector<1xf32>
    %reduce_sum3A_30 = vector.shape_cast %reduce_sum3A_29 : vector<1xf32> to vector<1x1x1xf32>
    %reduce_sum3A_31 = vector.extract %reduce_sum3A_30[0, 0, 0] : f32 from vector<1x1x1xf32>
    %mul3A_32 = arith.mulf %min3A_16, %sub3A : vector<32x128xf32>
    %reduce_sum3A_33 = vector.shape_cast %mul3A_32 : vector<32x128xf32> to vector<1x32x128xf32>
    %reduce_sum3A_34 = arith.constant dense<0.000000e+00> : vector<1xf32>
    %reduce_sum3A_35 = vector.multi_reduction <add>, %reduce_sum3A_33, %reduce_sum3A_34 [1, 2] : vector<1x32x128xf32> to vector<1xf32>
    %reduce_sum3A_36 = vector.shape_cast %reduce_sum3A_35 : vector<1xf32> to vector<1x1x1xf32>
    %reduce_sum3A_37 = vector.extract %reduce_sum3A_36[0, 0, 0] : f32 from vector<1x1x1xf32>
    %mul3A_38 = arith.mulf %mul3A_32, %sub3A : vector<32x128xf32>
    %reduce_sum3A_39 = vector.shape_cast %mul3A_38 : vector<32x128xf32> to vector<1x32x128xf32>
    %reduce_sum3A_40 = arith.constant dense<0.000000e+00> : vector<1xf32>
    %reduce_sum3A_41 = vector.multi_reduction <add>, %reduce_sum3A_39, %reduce_sum3A_40 [1, 2] : vector<1x32x128xf32> to vector<1xf32>
    %reduce_sum3A_42 = vector.shape_cast %reduce_sum3A_41 : vector<1xf32> to vector<1x1x1xf32>
    %reduce_sum3A_43 = vector.extract %reduce_sum3A_42[0, 0, 0] : f32 from vector<1x1x1xf32>
    %mul3A_44 = arith.mulf %reduce_sum3A_20, %reduce_sum3A_31 : f32
    %mul3A_45 = arith.constant 2.000000e+00 : f32
    %mul3A_46 = arith.mulf %mul3A_45, %reduce_sum3A_25 : f32
    %mul3A_47 = arith.mulf %mul3A_46, %reduce_sum3A_37 : f32
    %add3A_48 = arith.addf %mul3A_44, %mul3A_47 : f32
    %mul3A_49 = arith.constant 4.096000e+03 : f32
    %mul3A_50 = arith.mulf %mul3A_49, %reduce_sum3A_43 : f32
    %add3A_51 = arith.addf %add3A_48, %mul3A_50 : f32
    %mul3A_52 = arith.constant 4.096000e+03 : f32
    %mul3A_53 = arith.constant 4.096000e+03 : f32
    %mul3A_54 = arith.mulf %mul3A_52, %mul3A_53 : f32
    %div3A = arith.divf %add3A_51, %mul3A_54 : f32
    %swap3A = arith.constant 0 : index
    %swap3A_55 = arith.constant 0 : index
    %swap3A_56 = memref.load %arg4[%swap3A, %swap3A_55] : memref<1x1xf32, #tpu.memory_space<smem>>
    memref.store %div3A, %arg4[%swap3A, %swap3A_55] : memref<1x1xf32, #tpu.memory_space<smem>>
    return
  }
}

</mosaic_0001>

<sc_bundles>
// kernel: kernel.4.cloned.1.call-start
scs
__scs_entry_jumppad:
0x0: {  	(pc) =	sbr.rel $0x88, $3  }
0x1: {  	(tag) =	ssettag $0x0;
	lr =	simm.s32 $0x1  }
0x2: {  	[smem:$0x3F9A] =	sst lr;
	_ =	strace $0xD0000000  }
0x3: {  	_ = 	snop  }
0x4: {  	_ = 	snop  }
0x5: {  	_ = 	snop  }
0x6: {  	_ = 	snop  }
0x7: {  	_ = 	snop  }
__scs_overlays_trampoline_lowered:
0x8: {  	[smem:$0x3FA9] =	sst s0  }
0x9: {  	[smem:$0x3FAA] =	sst s1  }
0xa: {  	[smem:$0x3FAB] =	sst s2  }
0xb: {  	[smem:$0x3FAC] =	sst s3  }
0xc: {  	[smem:$0x3FAD] =	sst s4  }
0xd: {  	[smem:$0x3FAE] =	sst s5  }
0xe: {  	[smem:$0x3FAF] =	sst s6  }
0xf: {  	[smem:$0x3FB0] =	sst s7  }
0x10: {  	[smem:$0x3FB1] =	sst s8  }
0x11: {  	[smem:$0x3FB2] =	sst s9;
	s0 =	simm.s32 @!p0 $0x0  }
0x12: {  	s1 =	sld [smem:$0x3F98];
	s0 =	simm.s32 @p0 $0x1  }
0x13: {  	[smem:$0x3FB3] =	sst s0;
	s0 =	simm.s32 @!p1 $0x0  }
0x14: {  	s2 =	sld [smem:$0x3F97];
	s0 =	simm.s32 @p1 $0x1  }
0x15: {  	[smem:$0x3FB4] =	sst s0;
	s0 =	simm.s32 @!p2 $0x0  }
0x16: {  	s3 =	sld [smem:$0x3FDB];
	s0 =	simm.s32 @p2 $0x1  }
0x17: {  	s4 =	simm.s32 $0x1BF5;
	[smem:$0x3FB6] =	sst s0  }
0x18: {  	s0 =	sld [smem:$0x3F99];
	_ =	swait.ge [sflag:s4], $0x0  }
0x19: {  	s7 =	sld [smem:$0x3F9A]  }
0x1a: {  	s8 =	sadd.s32 $0xFFFFE003, lr  }
0x1b: {  	s9 =	sadd.s32 $0xFFFFFEF7, lr;
	s5 =	simm.s32 $0xFFFFFFFF;
	p2 =	slt.u32 s8, $0xFFFFF086  }
0x1c: {  	p1 =	slt.u32 s9, $0xF7A;
	s5 =	simm.s32 @!p2 $0x0  }
0x1d: {  	s5 =	simm.s32 @p1 $0x1;
	p0 =	seq.s32 s7, s2  }
0x1e: {  	s7 =	smul.u32 @!p0 $0xF7A, s2;
	p2 =	seq.s32 @!p0 s5, $0x0  }
0x1f: {  	s9 =	smul.u32 $0xF7A, s1;
	s8 =	simm.s32 @!p0 $0x1BF5;
	p2 =	por !p2, p0  }
0x20: {  	[sflag:s8] =	ssyncset.s32 @!p0 $0xFFFFF086;
	s6 =	sadd.s32 @!p0 s3, s7;
	s7 =	simm.s32 @!p0 $0x108  }
0x21: {  	s3 =	sadd.s32 s3, s9;
	s6 =	sadd.s32 @!p0 $0x88, s6;
	s7 =	simm.s32 @p2 $0x1082  }
0x22: {  	[simem:s7], [sflag:s8] =	dma.local @!p0 [hbm:s6], $0xF7A  }
0x23: {  	s9 =	sor.u32 $0xD0000000, s2;
	s6 =	simm.s32 $0x108;
	_ =	swait.ge @!p0 [sflag:s8], $0x0  }
0x24: {  	s3 =	sadd.s32 $0x88, s3;
	s6 =	simm.s32 @!p1 $0x1082;
	[sflag:s4] =	ssyncset.s32 $0xFFFFF086  }
0x25: {  	[simem:s6], [sflag:s4] =	dma.local [hbm:s3], $0xF7A  }
0x26: {  	[smem:$0x3F9A] =	sst s1;
	(tag) =	ssettag s2;
	_ =	strace s9  }
0x27: {  	s1 =	sld [smem:$0x3FAA]  }
0x28: {  	s2 =	sld [smem:$0x3FAB]  }
0x29: {  	s4 =	sld [smem:$0x3FAD]  }
0x2a: {  	p0 =	seq.s32 s5, $0x0;
	s5 =	sld [smem:$0x3FAE]  }
0x2b: {  	s6 =	sld [smem:$0x3FAF]  }
0x2c: {  	s7 =	sld [smem:$0x3FB0]  }
0x2d: {  	s3 =	simm.s32 $0x108;
	s8 =	sld [smem:$0x3FB1]  }
0x2e: {  	s3 =	simm.s32 @!p0 $0x1082;
	s9 =	sld [smem:$0x3FB2]  }
0x2f: {  	lr =	sadd.s32 s0, s3;
	s0 =	sld [smem:$0x3FA9]  }
0x30: {  	s3 =	sld [smem:$0x3FAC]  }
0x31: {  	[smem:$0x3FB5] =	sst s10  }
0x32: {  	s10 =	sld [smem:$0x3FB3];
	_ =	sdelay $0x3  }
0x33: {  	p0 =	seq.s32 s10, $0x1;
	s10 =	sld [smem:$0x3FB5];
	_ =	sdelay $0x3  }
0x34: {  	[smem:$0x3FB5] =	sst s10  }
0x35: {  	s10 =	sld [smem:$0x3FB4];
	_ =	sdelay $0x3  }
0x36: {  	p1 =	seq.s32 s10, $0x1;
	s10 =	sld [smem:$0x3FB5];
	_ =	sdelay $0x3  }
0x37: {  	[smem:$0x3FB5] =	sst s10  }
0x38: {  	s10 =	sld [smem:$0x3FB6]  }
0x39: {  	_ = 	snop;
	(pc) =	sbr.ind lr, $3  }
0x3a: {  	_ = 	snop  }
0x3b: {  	_ = 	snop  }
0x3c: {  	p2 =	seq.s32 s10, $0x1;
	s10 =	sld [smem:$0x3FB5]  }
0x3d: {  	_ =	shalt  }
0x3e: {  	_ =	shalt  }
0x3f: {  	_ =	shalt  }
0x40: {  	_ =	shalt  }
0x41: {  	_ =	shalt  }
0x42: {  	_ =	shalt  }
0x43: {  	_ =	shalt  }
0x44: {  	_ =	shalt  }
0x45: {  	_ =	shalt  }
0x46: {  	_ =	shalt  }
0x47: {  	_ =	shalt  }
0x48: {  	_ =	shalt  }
0x49: {  	_ =	shalt  }
0x4a: {  	_ =	shalt  }
0x4b: {  	_ =	shalt  }
0x4c: {  	_ =	shalt  }
0x4d: {  	_ =	shalt  }
0x4e: {  	_ =	shalt  }
0x4f: {  	_ =	shalt  }
0x50: {  	_ =	shalt  }
0x51: {  	_ =	shalt  }
0x52: {  	_ =	shalt  }
0x53: {  	_ =	shalt  }
0x54: {  	_ =	shalt  }
0x55: {  	_ =	shalt  }
0x56: {  	_ =	shalt  }
0x57: {  	_ =	shalt  }
0x58: {  	_ =	shalt  }
0x59: {  	_ =	shalt  }
0x5a: {  	_ =	shalt  }
0x5b: {  	_ =	shalt  }
0x5c: {  	_ =	shalt  }
0x5d: {  	_ =	shalt  }
0x5e: {  	_ =	shalt  }
0x5f: {  	_ =	shalt  }
0x60: {  	_ =	shalt  }
0x61: {  	_ =	shalt  }
0x62: {  	_ =	shalt  }
0x63: {  	_ =	shalt  }
0x64: {  	_ =	shalt  }
0x65: {  	_ =	shalt  }
0x66: {  	_ =	shalt  }
0x67: {  	_ =	shalt  }
0x68: {  	_ =	shalt  }
0x69: {  	_ =	shalt  }
0x6a: {  	_ =	shalt  }
0x6b: {  	_ =	shalt  }
0x6c: {  	_ =	shalt  }
0x6d: {  	_ =	shalt  }
0x6e: {  	_ =	shalt  }
0x6f: {  	_ =	shalt  }
0x70: {  	_ =	shalt  }
0x71: {  	_ =	shalt  }
0x72: {  	_ =	shalt  }
0x73: {  	_ =	shalt  }
0x74: {  	_ =	shalt  }
0x75: {  	_ =	shalt  }
0x76: {  	_ =	shalt  }
0x77: {  	_ =	shalt  }
0x78: {  	_ =	shalt  }
0x79: {  	_ =	shalt  }
0x7a: {  	_ =	shalt  }
0x7b: {  	_ =	shalt  }
0x7c: {  	_ =	shalt  }
0x7d: {  	_ =	shalt  }
0x7e: {  	_ =	shalt  }
0x7f: {  	_ =	shalt  }
0x80: {  	_ =	shalt  }
0x81: {  	_ =	shalt  }
0x82: {  	_ =	shalt  }
0x83: {  	_ =	shalt  }
0x84: {  	_ =	shalt  }
0x85: {  	_ =	shalt  }
0x86: {  	_ =	shalt  }
0x87: {  	_ =	shalt  }
.Lfunc_end0:
.L_simem_size_0:
called_computation_lowered:
.L_overlay_start_0:
0x88: {  	s2 =	sld [smem:$0x3FD9]  }
0x89: {  	s3 =	sld [smem:$0x3FFE];
	_ =	sdelay $0x1  }
0x8a: {  	s1 =	srdreg.scid  }
0x8b: {  	s0 =	sand.u32 $0x1, s1  }
0x8c: {  	s17 =	sshll.u32 s0, $0xA;
	s2 =	sadd.s32 s3, s2  }
0x8d: {  	s2 =	sadd.s32 s2, s17  }
0x8e: {  	[smem:$0x3FC1] =	sst s2  }
0x8f: {  	_ = 	snop  }
0x90: {  	s2 =	sld [smem:$0x3FC9]  }
0x91: {  	s18 =	sld [smem:$0x3FC8]  }
0x92: {  	s4 =	sld [smem:$0x3FC6]  }
0x93: {  	s5 =	sld [smem:$0x3FC5]  }
0x94: {  	s6 =	sld [smem:$0x3FC4]  }
0x95: {  	s7 =	sld [smem:$0x3FC3];
	(tm) =	ssettm $0x1  }
0x96: {  	s8 =	sld [smem:$0x3FFB];
	_ =	sdelay $0x3  }
0x97: {  	_ =	strace s8  }
0x98: {  	s8 =	sld [smem:$0x3FFC];
	_ =	sdelay $0x3  }
0x99: {  	_ =	strace s8  }
0x9a: {  	s8 =	sld [smem:$0x3FFD];
	_ =	sdelay $0x3  }
0x9b: {  	_ =	strace s8  }
0x9c: {  	_ =	strace $0x8FFFFFFF  }
0x9d: {  	s19 =	sld [smem:$0x3FDB];
	_ =	sdelay $0x1  }
0x9e: {  	s9 =	simm.s32 $_scs_section_size  }
0x9f: {  	s10 =	simm.s32 $_size__tile_overlayer_lowered;
	s11 =	simm.s32 $_tile_overlayer_lowered  }
0xa0: {  	s22 =	simm.s32 $0x1BFF;
	s21 =	sshll.u32 s11, $0x1;
	s8 =	sadd.s32 s9, s19  }
0xa1: {  	s12 =	simm.s32 $0x0;
	s20 =	sshll.u32 s10, $0x1;
	s10 =	sadd.s32 s21, s8  }
0xa2: {  	[timem:s12], [sflag:s22] =	dma.local [hbm:s10], s20  }
0xa3: {  	_ =	swait.ge [sflag:s22], s20  }
0xa4: {  	s9 =	ssub.s32 $0x0, s20;
	[sflag:s22] =	ssyncset.done $0x0  }
0xa5: {  	[sflag:s22] =	ssyncadd.s32 s9;
	_ =	sdelay $0x1  }
0xa6: {  	s23 =	simm.s32 $0x1B8B  }
0xa7: {  	_ =	swait.ge [sflag:s23], $0x1  }
0xa8: {  	[sflag:s23] =	ssyncset.done $0x0  }
0xa9: {  	s25 =	simm.s32 $0x1B8E;
	s24 =	sld [smem:$0x3FFE];
	[sflag:s23] =	ssyncadd.s32 $0xFFFFFFFF  }
0xaa: {  	s26 =	simm.s32 $execute0_lowered;
	[smem:$0x3FD2] =	sst s25  }
0xab: {  	s10 =	sshll.u32 s26, $0x1;
	_ =	strace $0x80000046;
	[dreg:$0x1] =	wrdreg $0xFFFFFFFF  }
0xac: {  	s28 =	simm.s32 $_size_execute0_lowered;
	s8 =	sadd.s32 s8, s10;
	[dreg:$0x0] =	wrdreg $0x0  }
0xad: {  	s10 =	sshll.u32 s28, $0x1;
	[dreg:$0x2] =	wrdreg s8  }
0xae: {  	[dreg:$0x3] =	wrdreg s10  }
0xaf: {  	[dreg:$0x4] =	wrdreg $0xC0  }
0xb0: {  	_ =	task [dreg:s12], $0x5FFFF  }
0xb1: {  	[dreg:$0x1] =	wrdreg $0xFFFFFFFF  }
0xb2: {  	[dreg:$0x0] =	wrdreg $0x60  }
0xb3: {  	[dreg:$0x2] =	wrdreg s4  }
0xb4: {  	[dreg:$0x3] =	wrdreg s5  }
0xb5: {  	[dreg:$0x4] =	wrdreg s6  }
0xb6: {  	[dreg:$0x5] =	wrdreg s7  }
0xb7: {  	[dreg:$0x6] =	wrdreg s2  }
0xb8: {  	[dreg:$0x7] =	wrdreg s18  }
0xb9: {  	[dreg:$0x8] =	wrdreg s24  }
0xba: {  	[dreg:$0x9] =	wrdreg $0x9  }
0xbb: {  	_ =	task.clear_ibuf [dreg:s12], $0xAFFFF;
	_ =	strace $0x90000046  }
0xbc: {  	s29 =	simm.s32 $0x9;
	_ =	strace $0x80000048  }
0xbd: {  	_ =	swait.ge [sflag:s29], $0x1  }
0xbe: {  	[sflag:s29] =	ssyncadd.s32 $0xFFFFFFFF  }
0xbf: {  	_ =	strace $0x90000048  }
0xc0: {  	_ =	sfence  }
0xc1: {  	s30 =	sld [smem:$0x0];
	_ =	sdelay $0x2  }
0xc2: {  	s31 =	sshll.u32 s1, $0xD;
	s1 =	sshrl.u32 s1, $0x2  }
0xc3: {  	s3 =	sand.u32 $0x4000, s31;
	s1 =	sadd.s32 s1, s30  }
0xc4: {  	s0 =	sor.u32 s3, s0;
	s1 =	sshll.u32 s1, $0x11  }
0xc5: {  	s0 =	sor.u32 s1, s0  }
0xc6: {  	s0 =	sadd.s32 $0x8F2B, s0  }
0xc7: {  	[sflag:s0] =	ssyncadd.remote.s32 $0x1  }
0xc8: {  	_ =	sfence.sel $0xFFFF  }
0xc9: {  	[dreg:$0x0] =	wrdreg $0xFFFFFFFF;
	(pc) =	sbr.abs _section_cstart, $3  }
0xca: {  	[dreg:$0x1] =	wrdreg $0xFFFFFFFF  }
0xcb: {  	_ =	task.clear_ibuf [dreg:s12], $0x2FFFF;
	_ =	strace $0x9FFFFFFF  }
0xcc: {  	(tm) =	ssettm $0x7FFFFFFF  }
0xcd: {  	_ =	shalt  }
tec
execute0_lowered:
.L_overlay_start_1:
0x0: {  	(tag) =	ssettag $0x1  }
0x1: {  	s0 =	rddreg [dreg:$0x0]  }
0x2: {  	s1 =	rddreg [dreg:$0x1]  }
0x3: {  	s3 =	rddreg [dreg:$0x2]  }
0x4: {  	s4 =	rddreg [dreg:$0x3]  }
0x5: {  	s2 =	rddreg [dreg:$0x4]  }
0x6: {  	s5 =	rddreg [dreg:$0x5]  }
0x7: {  	s7 =	rddreg [dreg:$0x6];
	s6 =	srdreg.scid  }
0x8: {  	s9 =	stileid.u32;
	s13 =	simm.s32 $0x5;
	s15 =	simm.s32 $0x400  }
0x9: {  	s16 =	simm.s32 $0x7A1400;
	s14 =	simm.s32 $0x2;
	s17 =	simm.s32 $0x3  }
0xa: {  	s18 =	simm.s32 $0x4;
	s21 =	simm.s32 $0x10A00;
	s22 =	simm.s32 $0x0  }
0xb: {  	s8 =	sand.u32 $0x1, s6;
	s6 =	simm.s32 $0x0;
	s9 =	sshll.u32 s9, $0x5  }
0xc: {  	s10 =	sshll.u32 s8, $0x4;
	[smem:$0x7FF] =	sst s6;
	s8 =	ssub.s32 $0x2, s8  }
0xd: {  	s9 =	sor.u32 s10, s9;
	_ =	strace $0x80000047;
	s31 =	sshrl.u32 s8, $0x1  }
0xe: {  	s11 =	sadd.s32 s9, s7;
	s12 =	ssub.s32 s8, s31;
	s7 =	sadd.s32 s2, s9  }
0xf: {  	s8 =	sadd.s32 s5, s9;
	s5 =	simm.s32 $0x1;
	s9 =	sadd.s32 $0x1000, s11  }
0x10: {  	v0 =	vlaneseq.u32;
	s10 =	sadd.s32 $0x1200, s11;
	s11 =	sadd.s32 $0x1400, s11;
	s12 =	smax.u32 s12, $0x1  }
.LBB2_1:
0x11: {  	[tilespmem:s6], [sflag:$0x5] =	stream.linear.gather [hbm4b:s7+s6], $0x80, $0x38;
	[tilespmem:$0x10A80] =	vst v63  }
0x12: {  	_ =	swait.ge [sflag:s13], $0x80  }
0x13: {  	[sflag:s13] =	ssyncset.done $0x0  }
0x14: {  	s2 =	simm.s32 $0x80;
	[sflag:s13] =	ssyncadd.s32 $0xFFFFFF80  }
0x15: {  	[tilespmem:s2], [sflag:$0x5] =	stream.linear.gather [hbm4b:s8+s6], $0x80, $0x38;
	[tilespmem:$0x10A80] =	vst v63  }
0x16: {  	_ =	swait.ge [sflag:s13], $0x80  }
0x17: {  	[sflag:s13] =	ssyncset.done $0x0  }
0x18: {  	[sflag:s13] =	ssyncadd.s32 $0xFFFFFF80  }
0x19: {  	v1 =	vld [tilespmem:$0x0]  }
0x1a: {  	v2 =	vld [tilespmem:$0x80];
	_ =	sdelay $0x3  }
0x1b: {  	(v2sf) =	vpush v1, $0x0  }
0x1c: {  	(v2sf) =	vpush v2, $0x0  }
0x1d: {  	(v2sf) =	vpush v1, $0x1  }
0x1e: {  	(v2sf) =	vpush v2, $0x1  }
0x1f: {  	(v2sf) =	vpush v1, $0x2  }
0x20: {  	(v2sf) =	vpush v2, $0x2  }
0x21: {  	(v2sf) =	vpush v1, $0x3  }
0x22: {  	(v2sf) =	vpush v2, $0x3  }
0x23: {  	(v2sf) =	vpush v1, $0x4  }
0x24: {  	(v2sf) =	vpush v2, $0x4  }
0x25: {  	(v2sf) =	vpush v1, $0x5  }
0x26: {  	(v2sf) =	vpush v2, $0x5  }
0x27: {  	(v2sf) =	vpush v1, $0x6  }
0x28: {  	(v2sf) =	vpush v2, $0x6  }
0x29: {  	(v2sf) =	vpush v1, $0x7  }
0x2a: {  	s24 =	spop (v2sf);
	(v2sf) =	vpush v2, $0x7  }
0x2b: {  	[smem:$0x0] =	sst s24;
	s25 =	spop (v2sf);
	(v2sf) =	vpush v1, $0x8  }
0x2c: {  	[smem:$0x80] =	sst s25;
	s26 =	spop (v2sf);
	(v2sf) =	vpush v2, $0x8  }
0x2d: {  	[smem:$0x1] =	sst s26;
	s28 =	spop (v2sf);
	(v2sf) =	vpush v1, $0x9  }
0x2e: {  	[smem:$0x81] =	sst s28;
	s29 =	spop (v2sf);
	(v2sf) =	vpush v2, $0x9  }
0x2f: {  	[smem:$0x2] =	sst s29;
	s30 =	spop (v2sf);
	(v2sf) =	vpush v1, $0xA  }
0x30: {  	[smem:$0x82] =	sst s30;
	s31 =	spop (v2sf);
	(v2sf) =	vpush v2, $0xA  }
0x31: {  	[smem:$0x3] =	sst s31;
	s19 =	spop (v2sf);
	(v2sf) =	vpush v1, $0xB  }
0x32: {  	[smem:$0x83] =	sst s19;
	s20 =	spop (v2sf);
	(v2sf) =	vpush v2, $0xB  }
0x33: {  	[smem:$0x4] =	sst s20;
	s23 =	spop (v2sf);
	(v2sf) =	vpush v1, $0xC  }
0x34: {  	[smem:$0x84] =	sst s23;
	s24 =	spop (v2sf);
	(v2sf) =	vpush v2, $0xC  }
0x35: {  	[smem:$0x5] =	sst s24;
	s25 =	spop (v2sf);
	(v2sf) =	vpush v1, $0xD  }
0x36: {  	v3 =	vld [tilespmem:$0x10];
	[smem:$0x85] =	sst s25;
	s26 =	spop (v2sf);
	(v2sf) =	vpush v2, $0xD  }
0x37: {  	v4 =	vld [tilespmem:$0x90];
	[smem:$0x6] =	sst s26;
	s28 =	spop (v2sf);
	(v2sf) =	vpush v1, $0xE  }
0x38: {  	[smem:$0x86] =	sst s28;
	s29 =	spop (v2sf);
	(v2sf) =	vpush v2, $0xE  }
0x39: {  	[smem:$0x7] =	sst s29;
	s30 =	spop (v2sf);
	(v2sf) =	vpush v1, $0xF  }
0x3a: {  	[smem:$0x87] =	sst s30;
	s31 =	spop (v2sf);
	(v2sf) =	vpush v2, $0xF  }
0x3b: {  	[smem:$0x8] =	sst s31;
	s19 =	spop (v2sf);
	(v2sf) =	vpush v3, $0x0  }
0x3c: {  	[smem:$0x88] =	sst s19;
	s20 =	spop (v2sf);
	(v2sf) =	vpush v4, $0x0  }
0x3d: {  	[smem:$0x9] =	sst s20;
	s23 =	spop (v2sf);
	(v2sf) =	vpush v3, $0x1  }
0x3e: {  	[smem:$0x89] =	sst s23;
	s24 =	spop (v2sf);
	(v2sf) =	vpush v4, $0x1  }
0x3f: {  	[smem:$0xA] =	sst s24;
	s25 =	spop (v2sf);
	(v2sf) =	vpush v3, $0x2  }
0x40: {  	[smem:$0x8A] =	sst s25;
	s26 =	spop (v2sf);
	(v2sf) =	vpush v4, $0x2  }
0x41: {  	[smem:$0xB] =	sst s26;
	s28 =	spop (v2sf);
	(v2sf) =	vpush v3, $0x3  }
0x42: {  	[smem:$0x8B] =	sst s28;
	s29 =	spop (v2sf);
	(v2sf) =	vpush v4, $0x3  }
0x43: {  	[smem:$0xC] =	sst s29;
	s30 =	spop (v2sf);
	(v2sf) =	vpush v3, $0x4  }
0x44: {  	[smem:$0x8C] =	sst s30;
	s31 =	spop (v2sf);
	(v2sf) =	vpush v4, $0x4  }
0x45: {  	[smem:$0xD] =	sst s31;
	s19 =	spop (v2sf);
	(v2sf) =	vpush v3, $0x5  }
0x46: {  	[smem:$0x8D] =	sst s19;
	s20 =	spop (v2sf);
	(v2sf) =	vpush v4, $0x5  }
0x47: {  	[smem:$0xE] =	sst s20;
	s23 =	spop (v2sf);
	(v2sf) =	vpush v3, $0x6  }
0x48: {  	[smem:$0x8E] =	sst s23;
	s24 =	spop (v2sf);
	(v2sf) =	vpush v4, $0x6  }
0x49: {  	[smem:$0xF] =	sst s24;
	s25 =	spop (v2sf);
	(v2sf) =	vpush v3, $0x7  }
0x4a: {  	[smem:$0x8F] =	sst s25;
	s26 =	spop (v2sf);
	(v2sf) =	vpush v4, $0x7  }
0x4b: {  	[smem:$0x10] =	sst s26;
	s28 =	spop (v2sf);
	(v2sf) =	vpush v3, $0x8  }
0x4c: {  	[smem:$0x90] =	sst s28;
	s29 =	spop (v2sf);
	(v2sf) =	vpush v4, $0x8  }
0x4d: {  	[smem:$0x11] =	sst s29;
	s30 =	spop (v2sf);
	(v2sf) =	vpush v3, $0x9  }
0x4e: {  	[smem:$0x91] =	sst s30;
	s31 =	spop (v2sf);
	(v2sf) =	vpush v4, $0x9  }
0x4f: {  	[smem:$0x12] =	sst s31;
	s19 =	spop (v2sf);
	(v2sf) =	vpush v3, $0xA  }
0x50: {  	[smem:$0x92] =	sst s19;
	s20 =	spop (v2sf);
	(v2sf) =	vpush v4, $0xA  }
0x51: {  	[smem:$0x13] =	sst s20;
	s23 =	spop (v2sf);
	(v2sf) =	vpush v3, $0xB  }
0x52: {  	[smem:$0x93] =	sst s23;
	s24 =	spop (v2sf);
	(v2sf) =	vpush v4, $0xB  }
0x53: {  	[smem:$0x14] =	sst s24;
	s25 =	spop (v2sf);
	(v2sf) =	vpush v3, $0xC  }
0x54: {  	[smem:$0x94] =	sst s25;
	s26 =	spop (v2sf);
	(v2sf) =	vpush v4, $0xC  }
0x55: {  	[smem:$0x15] =	sst s26;
	s28 =	spop (v2sf);
	(v2sf) =	vpush v3, $0xD  }
0x56: {  	v1 =	vld [tilespmem:$0x20];
	[smem:$0x95] =	sst s28;
	s29 =	spop (v2sf);
	(v2sf) =	vpush v4, $0xD  }
0x57: {  	v2 =	vld [tilespmem:$0xA0];
	[smem:$0x16] =	sst s29;
	s30 =	spop (v2sf);
	(v2sf) =	vpush v3, $0xE  }
0x58: {  	[smem:$0x96] =	sst s30;
	s31 =	spop (v2sf);
	(v2sf) =	vpush v4, $0xE  }
0x59: {  	[smem:$0x17] =	sst s31;
	s19 =	spop (v2sf);
	(v2sf) =	vpush v3, $0xF  }
0x5a: {  	[smem:$0x97] =	sst s19;
	s20 =	spop (v2sf);
	(v2sf) =	vpush v4, $0xF  }
0x5b: {  	[smem:$0x18] =	sst s20;
	s23 =	spop (v2sf);
	(v2sf) =	vpush v1, $0x0  }
0x5c: {  	[smem:$0x98] =	sst s23;
	s24 =	spop (v2sf);
	(v2sf) =	vpush v2, $0x0  }
0x5d: {  	[smem:$0x19] =	sst s24;
	s25 =	spop (v2sf);
	(v2sf) =	vpush v1, $0x1  }
0x5e: {  	[smem:$0x99] =	sst s25;
	s26 =	spop (v2sf);
	(v2sf) =	vpush v2, $0x1  }
0x5f: {  	[smem:$0x1A] =	sst s26;
	s28 =	spop (v2sf);
	(v2sf) =	vpush v1, $0x2  }
0x60: {  	[smem:$0x9A] =	sst s28;
	s29 =	spop (v2sf);
	(v2sf) =	vpush v2, $0x2  }
0x61: {  	[smem:$0x1B] =	sst s29;
	s30 =	spop (v2sf);
	(v2sf) =	vpush v1, $0x3  }
0x62: {  	[smem:$0x9B] =	sst s30;
	s31 =	spop (v2sf);
	(v2sf) =	vpush v2, $0x3  }
0x63: {  	[smem:$0x1C] =	sst s31;
	s19 =	spop (v2sf);
	(v2sf) =	vpush v1, $0x4  }
0x64: {  	[smem:$0x9C] =	sst s19;
	s20 =	spop (v2sf);
	(v2sf) =	vpush v2, $0x4  }
0x65: {  	[smem:$0x1D] =	sst s20;
	s23 =	spop (v2sf);
	(v2sf) =	vpush v1, $0x5  }
0x66: {  	[smem:$0x9D] =	sst s23;
	s24 =	spop (v2sf);
	(v2sf) =	vpush v2, $0x5  }
0x67: {  	[smem:$0x1E] =	sst s24;
	s25 =	spop (v2sf);
	(v2sf) =	vpush v1, $0x6  }
0x68: {  	[smem:$0x9E] =	sst s25;
	s26 =	spop (v2sf);
	(v2sf) =	vpush v2, $0x6  }
0x69: {  	[smem:$0x1F] =	sst s26;
	s28 =	spop (v2sf);
	(v2sf) =	vpush v1, $0x7  }
0x6a: {  	[smem:$0x9F] =	sst s28;
	s29 =	spop (v2sf);
	(v2sf) =	vpush v2, $0x7  }
0x6b: {  	[smem:$0x20] =	sst s29;
	s30 =	spop (v2sf);
	(v2sf) =	vpush v1, $0x8  }
0x6c: {  	[smem:$0xA0] =	sst s30;
	s31 =	spop (v2sf);
	(v2sf) =	vpush v2, $0x8  }
0x6d: {  	[smem:$0x21] =	sst s31;
	s19 =	spop (v2sf);
	(v2sf) =	vpush v1, $0x9  }
0x6e: {  	[smem:$0xA1] =	sst s19;
	s20 =	spop (v2sf);
	(v2sf) =	vpush v2, $0x9  }
0x6f: {  	[smem:$0x22] =	sst s20;
	s23 =	spop (v2sf);
	(v2sf) =	vpush v1, $0xA  }
0x70: {  	[smem:$0xA2] =	sst s23;
	s24 =	spop (v2sf);
	(v2sf) =	vpush v2, $0xA  }
0x71: {  	[smem:$0x23] =	sst s24;
	s25 =	spop (v2sf);
	(v2sf) =	vpush v1, $0xB  }
0x72: {  	[smem:$0xA3] =	sst s25;
	s26 =	spop (v2sf);
	(v2sf) =	vpush v2, $0xB  }
0x73: {  	[smem:$0x24] =	sst s26;
	s28 =	spop (v2sf);
	(v2sf) =	vpush v1, $0xC  }
0x74: {  	[smem:$0xA4] =	sst s28;
	s29 =	spop (v2sf);
	(v2sf) =	vpush v2, $0xC  }
0x75: {  	[smem:$0x25] =	sst s29;
	s30 =	spop (v2sf);
	(v2sf) =	vpush v1, $0xD  }
0x76: {  	v3 =	vld [tilespmem:$0x30];
	[smem:$0xA5] =	sst s30;
	s31 =	spop (v2sf);
	(v2sf) =	vpush v2, $0xD  }
0x77: {  	v4 =	vld [tilespmem:$0xB0];
	[smem:$0x26] =	sst s31;
	s19 =	spop (v2sf);
	(v2sf) =	vpush v1, $0xE  }
0x78: {  	[smem:$0xA6] =	sst s19;
	s20 =	spop (v2sf);
	(v2sf) =	vpush v2, $0xE  }
0x79: {  	[smem:$0x27] =	sst s20;
	s23 =	spop (v2sf);
	(v2sf) =	vpush v1, $0xF  }
0x7a: {  	[smem:$0xA7] =	sst s23;
	s24 =	spop (v2sf);
	(v2sf) =	vpush v2, $0xF  }
0x7b: {  	[smem:$0x28] =	sst s24;
	s25 =	spop (v2sf);
	(v2sf) =	vpush v3, $0x0  }
0x7c: {  	[smem:$0xA8] =	sst s25;
	s26 =	spop (v2sf);
	(v2sf) =	vpush v4, $0x0  }
0x7d: {  	[smem:$0x29] =	sst s26;
	s28 =	spop (v2sf);
	(v2sf) =	vpush v3, $0x1  }
0x7e: {  	[smem:$0xA9] =	sst s28;
	s29 =	spop (v2sf);
	(v2sf) =	vpush v4, $0x1  }
0x7f: {  	[smem:$0x2A] =	sst s29;
	s30 =	spop (v2sf);
	(v2sf) =	vpush v3, $0x2  }
0x80: {  	[smem:$0xAA] =	sst s30;
	s31 =	spop (v2sf);
	(v2sf) =	vpush v4, $0x2  }
0x81: {  	[smem:$0x2B] =	sst s31;
	s19 =	spop (v2sf);
	(v2sf) =	vpush v3, $0x3  }
0x82: {  	[smem:$0xAB] =	sst s19;
	s20 =	spop (v2sf);
	(v2sf) =	vpush v4, $0x3  }
0x83: {  	[smem:$0x2C] =	sst s20;
	s23 =	spop (v2sf);
	(v2sf) =	vpush v3, $0x4  }
0x84: {  	[smem:$0xAC] =	sst s23;
	s24 =	spop (v2sf);
	(v2sf) =	vpush v4, $0x4  }
0x85: {  	[smem:$0x2D] =	sst s24;
	s25 =	spop (v2sf);
	(v2sf) =	vpush v3, $0x5  }
0x86: {  	[smem:$0xAD] =	sst s25;
	s26 =	spop (v2sf);
	(v2sf) =	vpush v4, $0x5  }
0x87: {  	[smem:$0x2E] =	sst s26;
	s28 =	spop (v2sf)  }
0x88: {  	[smem:$0xAE] =	sst s28;
	s29 =	spop (v2sf)  }
0x89: {  	[smem:$0x2F] =	sst s29;
	s30 =	spop (v2sf)  }
0x8a: {  	[smem:$0xAF] =	sst s30;
	s31 =	spop (v2sf)  }
0x8b: {  	[smem:$0x30] =	sst s31;
	s19 =	spop (v2sf)  }
0x8c: {  	[smem:$0xB0] =	sst s19;
	s20 =	spop (v2sf)  }
0x8d: {  	[smem:$0x31] =	sst s20;
	s23 =	spop (v2sf)  }
0x8e: {  	[smem:$0xB1] =	sst s23;
	s24 =	spop (v2sf)  }
0x8f: {  	[smem:$0x32] =	sst s24;
	s25 =	spop (v2sf)  }
0x90: {  	[smem:$0xB2] =	sst s25;
	s26 =	spop (v2sf)  }
0x91: {  	[smem:$0x33] =	sst s26;
	s28 =	spop (v2sf)  }
0x92: {  	[smem:$0xB3] =	sst s28;
	s29 =	spop (v2sf)  }
0x93: {  	[smem:$0x34] =	sst s29;
	s30 =	spop (v2sf)  }
0x94: {  	[smem:$0xB4] =	sst s30;
	s31 =	spop (v2sf)  }
0x95: {  	[smem:$0x35] =	sst s31;
	s19 =	spop (v2sf)  }
0x96: {  	[smem:$0xB5] =	sst s19  }
0x97: {  	(v2sf) =	vpush v3, $0x6  }
0x98: {  	(v2sf) =	vpush v4, $0x6  }
0x99: {  	(v2sf) =	vpush v3, $0x7  }
0x9a: {  	(v2sf) =	vpush v4, $0x7  }
0x9b: {  	(v2sf) =	vpush v3, $0x8  }
0x9c: {  	(v2sf) =	vpush v4, $0x8  }
0x9d: {  	(v2sf) =	vpush v3, $0x9  }
0x9e: {  	(v2sf) =	vpush v4, $0x9  }
0x9f: {  	(v2sf) =	vpush v3, $0xA  }
0xa0: {  	(v2sf) =	vpush v4, $0xA  }
0xa1: {  	(v2sf) =	vpush v3, $0xB  }
0xa2: {  	(v2sf) =	vpush v4, $0xB  }
0xa3: {  	(v2sf) =	vpush v3, $0xC  }
0xa4: {  	(v2sf) =	vpush v4, $0xC  }
0xa5: {  	(v2sf) =	vpush v3, $0xD  }
0xa6: {  	v1 =	vld [tilespmem:$0x40];
	s20 =	spop (v2sf);
	(v2sf) =	vpush v4, $0xD  }
0xa7: {  	v2 =	vld [tilespmem:$0xC0];
	[smem:$0x36] =	sst s20;
	s23 =	spop (v2sf);
	(v2sf) =	vpush v3, $0xE  }
0xa8: {  	[smem:$0xB6] =	sst s23;
	s24 =	spop (v2sf);
	(v2sf) =	vpush v4, $0xE  }
0xa9: {  	[smem:$0x37] =	sst s24;
	s25 =	spop (v2sf);
	(v2sf) =	vpush v3, $0xF  }
0xaa: {  	[smem:$0xB7] =	sst s25;
	s26 =	spop (v2sf);
	(v2sf) =	vpush v4, $0xF  }
0xab: {  	[smem:$0x38] =	sst s26;
	s28 =	spop (v2sf);
	(v2sf) =	vpush v1, $0x0  }
0xac: {  	[smem:$0xB8] =	sst s28;
	s29 =	spop (v2sf);
	(v2sf) =	vpush v2, $0x0  }
0xad: {  	[smem:$0x39] =	sst s29;
	s30 =	spop (v2sf);
	(v2sf) =	vpush v1, $0x1  }
0xae: {  	[smem:$0xB9] =	sst s30;
	s31 =	spop (v2sf);
	(v2sf) =	vpush v2, $0x1  }
0xaf: {  	[smem:$0x3A] =	sst s31;
	s19 =	spop (v2sf);
	(v2sf) =	vpush v1, $0x2  }
0xb0: {  	[smem:$0xBA] =	sst s19;
	s20 =	spop (v2sf);
	(v2sf) =	vpush v2, $0x2  }
0xb1: {  	[smem:$0x3B] =	sst s20;
	s23 =	spop (v2sf);
	(v2sf) =	vpush v1, $0x3  }
0xb2: {  	[smem:$0xBB] =	sst s23;
	s24 =	spop (v2sf);
	(v2sf) =	vpush v2, $0x3  }
0xb3: {  	[smem:$0x3C] =	sst s24;
	s25 =	spop (v2sf);
	(v2sf) =	vpush v1, $0x4  }
0xb4: {  	[smem:$0xBC] =	sst s25;
	s26 =	spop (v2sf);
	(v2sf) =	vpush v2, $0x4  }
0xb5: {  	[smem:$0x3D] =	sst s26;
	s28 =	spop (v2sf);
	(v2sf) =	vpush v1, $0x5  }
0xb6: {  	[smem:$0xBD] =	sst s28;
	s29 =	spop (v2sf);
	(v2sf) =	vpush v2, $0x5  }
0xb7: {  	[smem:$0x3E] =	sst s29;
	s30 =	spop (v2sf);
	(v2sf) =	vpush v1, $0x6  }
0xb8: {  	[smem:$0xBE] =	sst s30;
	s31 =	spop (v2sf);
	(v2sf) =	vpush v2, $0x6  }
0xb9: {  	[smem:$0x3F] =	sst s31;
	s19 =	spop (v2sf);
	(v2sf) =	vpush v1, $0x7  }
0xba: {  	[smem:$0xBF] =	sst s19;
	s20 =	spop (v2sf);
	(v2sf) =	vpush v2, $0x7  }
0xbb: {  	[smem:$0x40] =	sst s20;
	s23 =	spop (v2sf);
	(v2sf) =	vpush v1, $0x8  }
0xbc: {  	[smem:$0xC0] =	sst s23;
	s24 =	spop (v2sf);
	(v2sf) =	vpush v2, $0x8  }
0xbd: {  	[smem:$0x41] =	sst s24;
	s25 =	spop (v2sf);
	(v2sf) =	vpush v1, $0x9  }
0xbe: {  	[smem:$0xC1] =	sst s25;
	s26 =	spop (v2sf);
	(v2sf) =	vpush v2, $0x9  }
0xbf: {  	[smem:$0x42] =	sst s26;
	s28 =	spop (v2sf);
	(v2sf) =	vpush v1, $0xA  }
0xc0: {  	[smem:$0xC2] =	sst s28;
	s29 =	spop (v2sf);
	(v2sf) =	vpush v2, $0xA  }
0xc1: {  	[smem:$0x43] =	sst s29;
	s30 =	spop (v2sf);
	(v2sf) =	vpush v1, $0xB  }
0xc2: {  	[smem:$0xC3] =	sst s30;
	s31 =	spop (v2sf);
	(v2sf) =	vpush v2, $0xB  }
0xc3: {  	[smem:$0x44] =	sst s31;
	s19 =	spop (v2sf);
	(v2sf) =	vpush v1, $0xC  }
0xc4: {  	[smem:$0xC4] =	sst s19;
	s20 =	spop (v2sf);
	(v2sf) =	vpush v2, $0xC  }
0xc5: {  	[smem:$0x45] =	sst s20;
	s23 =	spop (v2sf);
	(v2sf) =	vpush v1, $0xD  }
0xc6: {  	v3 =	vld [tilespmem:$0x50];
	[smem:$0xC5] =	sst s23;
	s24 =	spop (v2sf);
	(v2sf) =	vpush v2, $0xD  }
0xc7: {  	v4 =	vld [tilespmem:$0xD0];
	[smem:$0x46] =	sst s24;
	s25 =	spop (v2sf);
	(v2sf) =	vpush v1, $0xE  }
0xc8: {  	[smem:$0xC6] =	sst s25;
	s26 =	spop (v2sf);
	(v2sf) =	vpush v2, $0xE  }
0xc9: {  	[smem:$0x47] =	sst s26;
	s28 =	spop (v2sf);
	(v2sf) =	vpush v1, $0xF  }
0xca: {  	[smem:$0xC7] =	sst s28;
	s29 =	spop (v2sf);
	(v2sf) =	vpush v2, $0xF  }
0xcb: {  	[smem:$0x48] =	sst s29;
	s30 =	spop (v2sf);
	(v2sf) =	vpush v3, $0x0  }
0xcc: {  	[smem:$0xC8] =	sst s30;
	s31 =	spop (v2sf);
	(v2sf) =	vpush v4, $0x0  }
0xcd: {  	[smem:$0x49] =	sst s31;
	s19 =	spop (v2sf);
	(v2sf) =	vpush v3, $0x1  }
0xce: {  	[smem:$0xC9] =	sst s19;
	s20 =	spop (v2sf);
	(v2sf) =	vpush v4, $0x1  }
0xcf: {  	[smem:$0x4A] =	sst s20;
	s23 =	spop (v2sf);
	(v2sf) =	vpush v3, $0x2  }
0xd0: {  	[smem:$0xCA] =	sst s23;
	s24 =	spop (v2sf);
	(v2sf) =	vpush v4, $0x2  }
0xd1: {  	[smem:$0x4B] =	sst s24;
	s25 =	spop (v2sf);
	(v2sf) =	vpush v3, $0x3  }
0xd2: {  	[smem:$0xCB] =	sst s25;
	s26 =	spop (v2sf);
	(v2sf) =	vpush v4, $0x3  }
0xd3: {  	[smem:$0x4C] =	sst s26;
	s28 =	spop (v2sf);
	(v2sf) =	vpush v3, $0x4  }
0xd4: {  	[smem:$0xCC] =	sst s28;
	s29 =	spop (v2sf);
	(v2sf) =	vpush v4, $0x4  }
0xd5: {  	[smem:$0x4D] =	sst s29;
	s30 =	spop (v2sf);
	(v2sf) =	vpush v3, $0x5  }
0xd6: {  	[smem:$0xCD] =	sst s30;
	s31 =	spop (v2sf);
	(v2sf) =	vpush v4, $0x5  }
0xd7: {  	[smem:$0x4E] =	sst s31;
	s19 =	spop (v2sf);
	(v2sf) =	vpush v3, $0x6  }
0xd8: {  	[smem:$0xCE] =	sst s19;
	s20 =	spop (v2sf);
	(v2sf) =	vpush v4, $0x6  }
0xd9: {  	[smem:$0x4F] =	sst s20;
	s23 =	spop (v2sf);
	(v2sf) =	vpush v3, $0x7  }
0xda: {  	[smem:$0xCF] =	sst s23;
	s24 =	spop (v2sf);
	(v2sf) =	vpush v4, $0x7  }
0xdb: {  	[smem:$0x50] =	sst s24;
	s25 =	spop (v2sf);
	(v2sf) =	vpush v3, $0x8  }
0xdc: {  	[smem:$0xD0] =	sst s25;
	s26 =	spop (v2sf);
	(v2sf) =	vpush v4, $0x8  }
0xdd: {  	[smem:$0x51] =	sst s26;
	s28 =	spop (v2sf);
	(v2sf) =	vpush v3, $0x9  }
0xde: {  	[smem:$0xD1] =	sst s28;
	s29 =	spop (v2sf);
	(v2sf) =	vpush v4, $0x9  }
0xdf: {  	[smem:$0x52] =	sst s29;
	s30 =	spop (v2sf);
	(v2sf) =	vpush v3, $0xA  }
0xe0: {  	[smem:$0xD2] =	sst s30;
	s31 =	spop (v2sf);
	(v2sf) =	vpush v4, $0xA  }
0xe1: {  	[smem:$0x53] =	sst s31;
	s19 =	spop (v2sf);
	(v2sf) =	vpush v3, $0xB  }
0xe2: {  	[smem:$0xD3] =	sst s19;
	s20 =	spop (v2sf);
	(v2sf) =	vpush v4, $0xB  }
0xe3: {  	[smem:$0x54] =	sst s20;
	s23 =	spop (v2sf);
	(v2sf) =	vpush v3, $0xC  }
0xe4: {  	[smem:$0xD4] =	sst s23;
	s24 =	spop (v2sf);
	(v2sf) =	vpush v4, $0xC  }
0xe5: {  	[smem:$0x55] =	sst s24;
	s25 =	spop (v2sf);
	(v2sf) =	vpush v3, $0xD  }
0xe6: {  	v1 =	vld [tilespmem:$0x60];
	[smem:$0xD5] =	sst s25;
	s26 =	spop (v2sf);
	(v2sf) =	vpush v4, $0xD  }
0xe7: {  	v2 =	vld [tilespmem:$0xE0];
	[smem:$0x56] =	sst s26;
	s28 =	spop (v2sf);
	(v2sf) =	vpush v3, $0xE  }
0xe8: {  	[smem:$0xD6] =	sst s28;
	s29 =	spop (v2sf);
	(v2sf) =	vpush v4, $0xE  }
0xe9: {  	[smem:$0x57] =	sst s29;
	s30 =	spop (v2sf);
	(v2sf) =	vpush v3, $0xF  }
0xea: {  	[smem:$0xD7] =	sst s30;
	s31 =	spop (v2sf);
	(v2sf) =	vpush v4, $0xF  }
0xeb: {  	[smem:$0x58] =	sst s31;
	s19 =	spop (v2sf);
	(v2sf) =	vpush v1, $0x0  }
0xec: {  	[smem:$0xD8] =	sst s19;
	s20 =	spop (v2sf);
	(v2sf) =	vpush v2, $0x0  }
0xed: {  	[smem:$0x59] =	sst s20;
	s23 =	spop (v2sf);
	(v2sf) =	vpush v1, $0x1  }
0xee: {  	[smem:$0xD9] =	sst s23;
	s24 =	spop (v2sf);
	(v2sf) =	vpush v2, $0x1  }
0xef: {  	[smem:$0x5A] =	sst s24;
	s25 =	spop (v2sf);
	(v2sf) =	vpush v1, $0x2  }
0xf0: {  	[smem:$0xDA] =	sst s25;
	s26 =	spop (v2sf);
	(v2sf) =	vpush v2, $0x2  }
0xf1: {  	[smem:$0x5B] =	sst s26;
	s28 =	spop (v2sf);
	(v2sf) =	vpush v1, $0x3  }
0xf2: {  	[smem:$0xDB] =	sst s28;
	s29 =	spop (v2sf);
	(v2sf) =	vpush v2, $0x3  }
0xf3: {  	[smem:$0x5C] =	sst s29;
	s30 =	spop (v2sf);
	(v2sf) =	vpush v1, $0x4  }
0xf4: {  	[smem:$0xDC] =	sst s30;
	s31 =	spop (v2sf);
	(v2sf) =	vpush v2, $0x4  }
0xf5: {  	[smem:$0x5D] =	sst s31;
	s19 =	spop (v2sf);
	(v2sf) =	vpush v1, $0x5  }
0xf6: {  	[smem:$0xDD] =	sst s19;
	s20 =	spop (v2sf);
	(v2sf) =	vpush v2, $0x5  }
0xf7: {  	[smem:$0x5E] =	sst s20;
	s23 =	spop (v2sf);
	(v2sf) =	vpush v1, $0x6  }
0xf8: {  	[smem:$0xDE] =	sst s23;
	s24 =	spop (v2sf);
	(v2sf) =	vpush v2, $0x6  }
0xf9: {  	[smem:$0x5F] =	sst s24;
	s25 =	spop (v2sf);
	(v2sf) =	vpush v1, $0x7  }
0xfa: {  	[smem:$0xDF] =	sst s25;
	s26 =	spop (v2sf);
	(v2sf) =	vpush v2, $0x7  }
0xfb: {  	[smem:$0x60] =	sst s26;
	s28 =	spop (v2sf);
	(v2sf) =	vpush v1, $0x8  }
0xfc: {  	[smem:$0xE0] =	sst s28;
	s29 =	spop (v2sf);
	(v2sf) =	vpush v2, $0x8  }
0xfd: {  	[smem:$0x61] =	sst s29;
	s30 =	spop (v2sf);
	(v2sf) =	vpush v1, $0x9  }
0xfe: {  	[smem:$0xE1] =	sst s30;
	s31 =	spop (v2sf);
	(v2sf) =	vpush v2, $0x9  }
0xff: {  	[smem:$0x62] =	sst s31;
	s19 =	spop (v2sf);
	(v2sf) =	vpush v1, $0xA  }
0x100: {  	[smem:$0xE2] =	sst s19;
	s20 =	spop (v2sf);
	(v2sf) =	vpush v2, $0xA  }
0x101: {  	[smem:$0x63] =	sst s20;
	s23 =	spop (v2sf);
	(v2sf) =	vpush v1, $0xB  }
0x102: {  	[smem:$0xE3] =	sst s23;
	s24 =	spop (v2sf);
	(v2sf) =	vpush v2, $0xB  }
0x103: {  	[smem:$0x64] =	sst s24;
	s25 =	spop (v2sf);
	(v2sf) =	vpush v1, $0xC  }
0x104: {  	[smem:$0xE4] =	sst s25;
	s26 =	spop (v2sf);
	(v2sf) =	vpush v2, $0xC  }
0x105: {  	[smem:$0x65] =	sst s26;
	s28 =	spop (v2sf);
	(v2sf) =	vpush v1, $0xD  }
0x106: {  	v3 =	vld [tilespmem:$0x70];
	[smem:$0xE5] =	sst s28;
	s29 =	spop (v2sf);
	(v2sf) =	vpush v2, $0xD  }
0x107: {  	v4 =	vld [tilespmem:$0xF0];
	[smem:$0x66] =	sst s29;
	s30 =	spop (v2sf);
	(v2sf) =	vpush v1, $0xE  }
0x108: {  	[smem:$0xE6] =	sst s30;
	s31 =	spop (v2sf);
	(v2sf) =	vpush v2, $0xE  }
0x109: {  	(v2sf) =	vpush v1, $0xF;
	s23 =	spop (v2sf);
	[smem:$0x67] =	sst s31  }
0x10a: {  	[smem:$0xE7] =	sst s23;
	s19 =	spop (v2sf);
	(v2sf) =	vpush v2, $0xF  }
0x10b: {  	[smem:$0x68] =	sst s19;
	s20 =	spop (v2sf);
	(v2sf) =	vpush v3, $0x0  }
0x10c: {  	[smem:$0xE8] =	sst s20;
	s23 =	spop (v2sf);
	(v2sf) =	vpush v4, $0x0  }
0x10d: {  	[smem:$0x69] =	sst s23;
	s24 =	spop (v2sf);
	(v2sf) =	vpush v3, $0x1  }
0x10e: {  	[smem:$0xE9] =	sst s24;
	s25 =	spop (v2sf);
	(v2sf) =	vpush v4, $0x1  }
0x10f: {  	[smem:$0x6A] =	sst s25;
	s26 =	spop (v2sf);
	(v2sf) =	vpush v3, $0x2  }
0x110: {  	[smem:$0xEA] =	sst s26;
	s28 =	spop (v2sf);
	(v2sf) =	vpush v4, $0x2  }
0x111: {  	[smem:$0x6B] =	sst s28;
	s29 =	spop (v2sf);
	(v2sf) =	vpush v3, $0x3  }
0x112: {  	[smem:$0xEB] =	sst s29;
	s30 =	spop (v2sf);
	(v2sf) =	vpush v4, $0x3  }
0x113: {  	[smem:$0x6C] =	sst s30;
	s31 =	spop (v2sf);
	(v2sf) =	vpush v3, $0x4  }
0x114: {  	[smem:$0xEC] =	sst s31;
	s19 =	spop (v2sf);
	(v2sf) =	vpush v4, $0x4  }
0x115: {  	[smem:$0x6D] =	sst s19;
	s20 =	spop (v2sf);
	(v2sf) =	vpush v3, $0x5  }
0x116: {  	[smem:$0xED] =	sst s20;
	s23 =	spop (v2sf);
	(v2sf) =	vpush v4, $0x5  }
0x117: {  	[smem:$0x6E] =	sst s23;
	s24 =	spop (v2sf);
	(v2sf) =	vpush v3, $0x6  }
0x118: {  	[smem:$0xEE] =	sst s24;
	s25 =	spop (v2sf);
	(v2sf) =	vpush v4, $0x6  }
0x119: {  	[smem:$0x6F] =	sst s25;
	s26 =	spop (v2sf);
	(v2sf) =	vpush v3, $0x7  }
0x11a: {  	[smem:$0xEF] =	sst s26;
	s28 =	spop (v2sf);
	(v2sf) =	vpush v4, $0x7  }
0x11b: {  	[smem:$0x70] =	sst s28;
	s29 =	spop (v2sf);
	(v2sf) =	vpush v3, $0x8  }
0x11c: {  	[smem:$0xF0] =	sst s29;
	s30 =	spop (v2sf);
	(v2sf) =	vpush v4, $0x8  }
0x11d: {  	[smem:$0x71] =	sst s30;
	s31 =	spop (v2sf);
	(v2sf) =	vpush v3, $0x9  }
0x11e: {  	[smem:$0xF1] =	sst s31;
	s19 =	spop (v2sf);
	(v2sf) =	vpush v4, $0x9  }
0x11f: {  	[smem:$0x72] =	sst s19;
	s20 =	spop (v2sf);
	(v2sf) =	vpush v3, $0xA  }
0x120: {  	[smem:$0xF2] =	sst s20;
	s23 =	spop (v2sf);
	(v2sf) =	vpush v4, $0xA  }
0x121: {  	[smem:$0x73] =	sst s23;
	s24 =	spop (v2sf);
	(v2sf) =	vpush v3, $0xB  }
0x122: {  	[smem:$0xF3] =	sst s24;
	s25 =	spop (v2sf);
	(v2sf) =	vpush v4, $0xB  }
0x123: {  	[smem:$0x74] =	sst s25;
	s26 =	spop (v2sf);
	(v2sf) =	vpush v3, $0xC  }
0x124: {  	[smem:$0xF4] =	sst s26;
	s28 =	spop (v2sf);
	(v2sf) =	vpush v4, $0xC  }
0x125: {  	[smem:$0x75] =	sst s28;
	s29 =	spop (v2sf);
	(v2sf) =	vpush v3, $0xD  }
0x126: {  	[smem:$0xF5] =	sst s29;
	s30 =	spop (v2sf);
	(v2sf) =	vpush v4, $0xD  }
0x127: {  	[smem:$0x76] =	sst s30;
	s31 =	spop (v2sf);
	(v2sf) =	vpush v3, $0xE  }
0x128: {  	[smem:$0xF6] =	sst s31;
	s19 =	spop (v2sf);
	(v2sf) =	vpush v4, $0xE  }
0x129: {  	[smem:$0x77] =	sst s19;
	s20 =	spop (v2sf);
	(v2sf) =	vpush v3, $0xF  }
0x12a: {  	[smem:$0xF7] =	sst s20;
	s23 =	spop (v2sf);
	(v2sf) =	vpush v4, $0xF  }
0x12b: {  	s24 =	spop (v2sf);
	[smem:$0x78] =	sst s23  }
0x12c: {  	s25 =	spop (v2sf);
	[smem:$0xF8] =	sst s24  }
0x12d: {  	s26 =	spop (v2sf);
	[smem:$0x79] =	sst s25  }
0x12e: {  	s28 =	spop (v2sf);
	[smem:$0xF9] =	sst s26  }
0x12f: {  	s29 =	spop (v2sf);
	[smem:$0x7A] =	sst s28  }
0x130: {  	s30 =	spop (v2sf);
	[smem:$0xFA] =	sst s29  }
0x131: {  	s31 =	spop (v2sf);
	[smem:$0x7B] =	sst s30  }
0x132: {  	s19 =	spop (v2sf);
	[smem:$0xFB] =	sst s31  }
0x133: {  	s20 =	spop (v2sf);
	[smem:$0x7C] =	sst s19  }
0x134: {  	s24 =	spop (v2sf);
	[smem:$0xFC] =	sst s20  }
0x135: {  	s25 =	spop (v2sf);
	[smem:$0x7D] =	sst s24  }
0x136: {  	s26 =	spop (v2sf);
	[smem:$0xFD] =	sst s25  }
0x137: {  	s28 =	spop (v2sf);
	[smem:$0x7E] =	sst s26  }
0x138: {  	s29 =	spop (v2sf);
	[smem:$0xFE] =	sst s28  }
0x139: {  	[smem:$0x7F] =	sst s29;
	s30 =	spop (v2sf)  }
0x13a: {  	[smem:$0xFF] =	sst s30  }
0x13b: {  	s31 =	sld [smem:$0x80]  }
0x13c: {  	s2 =	sld [smem:$0x0]  }
0x13d: {  	s19 =	simm.s32 $0x100;
	s29 =	sld [smem:$0x1]  }
0x13e: {  	s25 =	simm.s32 $0x8100;
	s26 =	simm.s32 $0x10100;
	s30 =	simm.s32 $0x10500  }
0x13f: {  	s20 =	sand.u32 $0x1FFFFF80, s31;
	s28 =	sshrl.u32 s31, $0x3;
	s31 =	sld [smem:$0x81]  }
0x140: {  	s24 =	sand.u32 $0x1FFFFF80, s2;
	s2 =	sshrl.u32 s2, $0x3;
	s23 =	sshrl.u32 s29, $0x3  }
0x141: {  	s24 =	sadd.s32 s0, s24;
	s2 =	sand.u32 $0x1FFFFFF0, s2;
	s23 =	sand.u32 $0x1FFFFFF0, s23  }
0x142: {  	[tilespmem:s19], [sflag:$0x1] =	stream.strided.gather [hbm4b:s24+s15], $0x1000, s16, s15, $0x38;
	[tilespmem:$0x10A80] =	vst v63  }
0x143: {  	s24 =	sadd.s32 s1, s20;
	s2 =	sadd.s32 s3, s2;
	s19 =	sand.u32 $0x1FFFFF80, s29  }
0x144: {  	[tilespmem:s25], [sflag:$0x2] =	stream.strided.gather [hbm4b:s24+s15], $0x1000, s16, s15, $0x38;
	[tilespmem:$0x10A80] =	vst v63  }
0x145: {  	s20 =	simm.s32 $0x1100;
	s23 =	sadd.s32 s3, s23;
	s29 =	sld [smem:$0x2]  }
0x146: {  	[tilespmem:s26], [sflag:$0x3] =	stream.linear.gather [hbm4b:s2+s6], $0x80, $0x38;
	[tilespmem:$0x10A80] =	vst v63  }
0x147: {  	s24 =	sadd.s32 s0, s19;
	s25 =	sand.u32 $0x1FFFFF80, s31;
	s2 =	sand.u32 $0x1FFFFFF0, s28  }
0x148: {  	s19 =	sand.u32 $0x1FFFFF80, s29;
	s26 =	simm.s32 $0x9100;
	s2 =	sadd.s32 s4, s2  }
0x149: {  	[tilespmem:s30], [sflag:$0x4] =	stream.linear.gather [hbm4b:s2+s6], $0x80, $0x38;
	[tilespmem:$0x10A80] =	vst v63  }
0x14a: {  	s28 =	simm.s32 $0x10180;
	s2 =	sshrl.u32 s31, $0x3;
	s31 =	sld [smem:$0x82]  }
0x14b: {  	[tilespmem:s20], [sflag:$0x1] =	stream.strided.gather [hbm4b:s24+s15], $0x1000, s16, s15, $0x38;
	[tilespmem:$0x10A80] =	vst v63  }
0x14c: {  	s30 =	simm.s32 $0x10580;
	s2 =	sand.u32 $0x1FFFFFF0, s2;
	s24 =	sadd.s32 s1, s25  }
0x14d: {  	[tilespmem:s26], [sflag:$0x2] =	stream.strided.gather [hbm4b:s24+s15], $0x1000, s16, s15, $0x38;
	[tilespmem:$0x10A80] =	vst v63  }
0x14e: {  	s2 =	sadd.s32 s4, s2;
	s20 =	simm.s32 $0x2100;
	s25 =	sand.u32 $0x1FFFFF80, s31  }
0x14f: {  	[tilespmem:s28], [sflag:$0x3] =	stream.linear.gather [hbm4b:s23+s6], $0x80, $0x38;
	[tilespmem:$0x10A80] =	vst v63  }
0x150: {  	s24 =	sadd.s32 s0, s19;
	s26 =	simm.s32 $0xA100;
	s23 =	sshrl.u32 s29, $0x3  }
0x151: {  	s28 =	simm.s32 $0x10200;
	s29 =	sld [smem:$0x3];
	s23 =	sand.u32 $0x1FFFFFF0, s23  }
0x152: {  	[tilespmem:s30], [sflag:$0x4] =	stream.linear.gather [hbm4b:s2+s6], $0x80, $0x38;
	[tilespmem:$0x10A80] =	vst v63  }
0x153: {  	s23 =	sadd.s32 s3, s23;
	s2 =	sshrl.u32 s31, $0x3;
	s30 =	simm.s32 $0x10600  }
0x154: {  	[tilespmem:s20], [sflag:$0x1] =	stream.strided.gather [hbm4b:s24+s15], $0x1000, s16, s15, $0x38;
	[tilespmem:$0x10A80] =	vst v63  }
0x155: {  	s31 =	sld [smem:$0x83];
	s2 =	sand.u32 $0x1FFFFFF0, s2;
	s24 =	sadd.s32 s1, s25  }
0x156: {  	[tilespmem:s26], [sflag:$0x2] =	stream.strided.gather [hbm4b:s24+s15], $0x1000, s16, s15, $0x38;
	[tilespmem:$0x10A80] =	vst v63  }
0x157: {  	s19 =	sand.u32 $0x1FFFFF80, s29;
	s2 =	sadd.s32 s4, s2;
	s20 =	simm.s32 $0x3100  }
0x158: {  	[tilespmem:s28], [sflag:$0x3] =	stream.linear.gather [hbm4b:s23+s6], $0x80, $0x38;
	[tilespmem:$0x10A80] =	vst v63  }
0x159: {  	s25 =	sand.u32 $0x1FFFFF80, s31;
	s24 =	sadd.s32 s0, s19;
	s23 =	sshrl.u32 s29, $0x3  }
0x15a: {  	s26 =	simm.s32 $0xB100;
	s28 =	simm.s32 $0x10280;
	s23 =	sand.u32 $0x1FFFFFF0, s23  }
0x15b: {  	[tilespmem:s30], [sflag:$0x4] =	stream.linear.gather [hbm4b:s2+s6], $0x80, $0x38;
	[tilespmem:$0x10A80] =	vst v63  }
0x15c: {  	s29 =	sld [smem:$0x4];
	s23 =	sadd.s32 s3, s23;
	s2 =	sshrl.u32 s31, $0x3  }
0x15d: {  	[tilespmem:s20], [sflag:$0x1] =	stream.strided.gather [hbm4b:s24+s15], $0x1000, s16, s15, $0x38;
	[tilespmem:$0x10A80] =	vst v63  }
0x15e: {  	s31 =	sld [smem:$0x84];
	s2 =	sand.u32 $0x1FFFFFF0, s2;
	s24 =	sadd.s32 s1, s25  }
0x15f: {  	[tilespmem:s26], [sflag:$0x2] =	stream.strided.gather [hbm4b:s24+s15], $0x1000, s16, s15, $0x38;
	[tilespmem:$0x10A80] =	vst v63  }
0x160: {  	s30 =	simm.s32 $0x10680;
	s19 =	sand.u32 $0x1FFFFF80, s29;
	s2 =	sadd.s32 s4, s2  }
0x161: {  	[tilespmem:s28], [sflag:$0x3] =	stream.linear.gather [hbm4b:s23+s6], $0x80, $0x38;
	[tilespmem:$0x10A80] =	vst v63  }
0x162: {  	s20 =	simm.s32 $0x4100;
	s25 =	sand.u32 $0x1FFFFF80, s31;
	s23 =	sshrl.u32 s29, $0x3  }
0x163: {  	s24 =	sadd.s32 s0, s19;
	s26 =	simm.s32 $0xC100;
	s23 =	sand.u32 $0x1FFFFFF0, s23  }
0x164: {  	[tilespmem:s30], [sflag:$0x4] =	stream.linear.gather [hbm4b:s2+s6], $0x80, $0x38;
	[tilespmem:$0x10A80] =	vst v63  }
0x165: {  	s28 =	simm.s32 $0x10300;
	s29 =	sld [smem:$0x5];
	s23 =	sadd.s32 s3, s23  }
0x166: {  	s2 =	sshrl.u32 s31, $0x3;
	s30 =	simm.s32 $0x10700;
	s31 =	sld [smem:$0x85]  }
0x167: {  	[tilespmem:s20], [sflag:$0x1] =	stream.strided.gather [hbm4b:s24+s15], $0x1000, s16, s15, $0x38;
	[tilespmem:$0x10A80] =	vst v63  }
0x168: {  	s2 =	sand.u32 $0x1FFFFFF0, s2;
	s19 =	sand.u32 $0x1FFFFF80, s29;
	s24 =	sadd.s32 s1, s25  }
0x169: {  	[tilespmem:s26], [sflag:$0x2] =	stream.strided.gather [hbm4b:s24+s15], $0x1000, s16, s15, $0x38;
	[tilespmem:$0x10A80] =	vst v63  }
0x16a: {  	s2 =	sadd.s32 s4, s2;
	s20 =	simm.s32 $0x5100;
	s25 =	sand.u32 $0x1FFFFF80, s31  }
0x16b: {  	[tilespmem:s28], [sflag:$0x3] =	stream.linear.gather [hbm4b:s23+s6], $0x80, $0x38;
	[tilespmem:$0x10A80] =	vst v63  }
0x16c: {  	s24 =	sadd.s32 s0, s19;
	s26 =	simm.s32 $0xD100;
	s23 =	sshrl.u32 s29, $0x3  }
0x16d: {  	s28 =	simm.s32 $0x10380;
	s29 =	sld [smem:$0x6];
	s23 =	sand.u32 $0x1FFFFFF0, s23  }
0x16e: {  	[tilespmem:s30], [sflag:$0x4] =	stream.linear.gather [hbm4b:s2+s6], $0x80, $0x38;
	[tilespmem:$0x10A80] =	vst v63  }
0x16f: {  	s23 =	sadd.s32 s3, s23;
	s2 =	sshrl.u32 s31, $0x3;
	s30 =	simm.s32 $0x10780  }
0x170: {  	[tilespmem:s20], [sflag:$0x1] =	stream.strided.gather [hbm4b:s24+s15], $0x1000, s16, s15, $0x38;
	[tilespmem:$0x10A80] =	vst v63  }
0x171: {  	s31 =	sld [smem:$0x86];
	s2 =	sand.u32 $0x1FFFFFF0, s2;
	s24 =	sadd.s32 s1, s25  }
0x172: {  	s2 =	sadd.s32 s4, s2;
	s20 =	sand.u32 $0x1FFFFF80, s29;
	s25 =	simm.s32 $0x6100  }
0x173: {  	[tilespmem:s26], [sflag:$0x2] =	stream.strided.gather [hbm4b:s24+s15], $0x1000, s16, s15, $0x38;
	[tilespmem:$0x10A80] =	vst v63  }
0x174: {  	s24 =	sadd.s32 s0, s20;
	s26 =	sand.u32 $0x1FFFFF80, s31;
	s20 =	sld [smem:$0x87]  }
0x175: {  	[tilespmem:s28], [sflag:$0x3] =	stream.linear.gather [hbm4b:s23+s6], $0x80, $0x38;
	[tilespmem:$0x10A80] =	vst v63  }
0x176: {  	s28 =	simm.s32 $0xE100;
	s23 =	sshrl.u32 s29, $0x3;
	s29 =	simm.s32 $0x10400  }
0x177: {  	[tilespmem:s30], [sflag:$0x4] =	stream.linear.gather [hbm4b:s2+s6], $0x80, $0x38;
	[tilespmem:$0x10A80] =	vst v63  }
0x178: {  	s23 =	sand.u32 $0x1FFFFFF0, s23;
	s2 =	sshrl.u32 s31, $0x3;
	s30 =	sld [smem:$0x7]  }
0x179: {  	[tilespmem:s25], [sflag:$0x1] =	stream.strided.gather [hbm4b:s24+s15], $0x1000, s16, s15, $0x38;
	[tilespmem:$0x10A80] =	vst v63  }
0x17a: {  	s23 =	sadd.s32 s3, s23;
	s2 =	sand.u32 $0x1FFFFFF0, s2;
	s24 =	sadd.s32 s1, s26  }
0x17b: {  	[tilespmem:s28], [sflag:$0x2] =	stream.strided.gather [hbm4b:s24+s15], $0x1000, s16, s15, $0x38;
	[tilespmem:$0x10A80] =	vst v63  }
0x17c: {  	s31 =	simm.s32 $0x10800;
	s2 =	sadd.s32 s4, s2;
	s25 =	sand.u32 $0x1FFFFF80, s30  }
0x17d: {  	[tilespmem:s29], [sflag:$0x3] =	stream.linear.gather [hbm4b:s23+s6], $0x80, $0x38;
	[tilespmem:$0x10A80] =	vst v63  }
0x17e: {  	s26 =	simm.s32 $0x7100;
	s24 =	sadd.s32 s0, s25;
	s28 =	sand.u32 $0x1FFFFF80, s20  }
0x17f: {  	[tilespmem:s31], [sflag:$0x4] =	stream.linear.gather [hbm4b:s2+s6], $0x80, $0x38;
	[tilespmem:$0x10A80] =	vst v63  }
0x180: {  	s29 =	simm.s32 $0xF100;
	s23 =	sshrl.u32 s30, $0x3;
	s30 =	simm.s32 $0x10480  }
0x181: {  	[tilespmem:s26], [sflag:$0x1] =	stream.strided.gather [hbm4b:s24+s15], $0x1000, s16, s15, $0x38;
	[tilespmem:$0x10A80] =	vst v63  }
0x182: {  	s23 =	sand.u32 $0x1FFFFFF0, s23;
	s2 =	sshrl.u32 s20, $0x3;
	s24 =	sadd.s32 s1, s28  }
0x183: {  	[tilespmem:s29], [sflag:$0x2] =	stream.strided.gather [hbm4b:s24+s15], $0x1000, s16, s15, $0x38;
	[tilespmem:$0x10A80] =	vst v63  }
0x184: {  	s23 =	sadd.s32 s3, s23;
	s31 =	simm.s32 $0x10880;
	s2 =	sand.u32 $0x1FFFFFF0, s2  }
0x185: {  	[tilespmem:s30], [sflag:$0x3] =	stream.linear.gather [hbm4b:s23+s6], $0x80, $0x38;
	[tilespmem:$0x10A80] =	vst v63  }
0x186: {  	s2 =	sadd.s32 s4, s2;
	s24 =	simm.s32 $0x0;
	s23 =	simm.s32 $0x0  }
0x187: {  	v1 =	vimm.f32 $0.0e+00;
	v2 =	vimm.f32 $0.0e+00;
	v3 =	vimm.f32 $0.0e+00;
	[tilespmem:s31], [sflag:$0x4] =	stream.linear.gather [hbm4b:s2+s6], $0x80, $0x38;
	[tilespmem:$0x10A80] =	vst v63  }
.LBB2_2:
0x188: {  	_ =	swait.ge [sflag:s5], $0x1000  }
0x189: {  	[sflag:s5] =	ssyncset.done $0x0  }
0x18a: {  	[sflag:s5] =	ssyncadd.s32 $0xFFFFF000  }
0x18b: {  	_ =	swait.ge [sflag:s14], $0x1000  }
0x18c: {  	[sflag:s14] =	ssyncset.done $0x0  }
0x18d: {  	[sflag:s14] =	ssyncadd.s32 $0xFFFFF000  }
0x18e: {  	_ =	swait.ge [sflag:s17], $0x80  }
0x18f: {  	[sflag:s17] =	ssyncset.done $0x0  }
0x190: {  	[sflag:s17] =	ssyncadd.s32 $0xFFFFFF80  }
0x191: {  	_ =	swait.ge [sflag:s18], $0x80  }
0x192: {  	[sflag:s18] =	ssyncset.done $0x0  }
0x193: {  	[sflag:s18] =	ssyncadd.s32 $0xFFFFFF80  }
0x194: {  	s2 =	sld [smem:s24+$0x80];
	_ =	sdelay $0x1  }
0x195: {  	s26 =	sld [smem:s24+$0x0]  }
0x196: {  	s25 =	sshll.u32 s23, $0xE;
	s28 =	sshll.u32 s2, $0x2  }
0x197: {  	s25 =	sand.u32 $0x1C000, s25;
	s28 =	sand.u32 $0x1C0, s28  }
0x198: {  	s29 =	sshll.u32 s26, $0x2;
	s28 =	sor.u32 s28, s25  }
0x199: {  	s29 =	sand.u32 $0x1C0, s29;
	s28 =	sshrl.u32 s28, $0x2  }
0x19a: {  	s25 =	sor.u32 s29, s25;
	s28 =	sor.u32 $0x8100, s28  }
0x19b: {  	s25 =	sshrl.u32 s25, $0x2;
	v4 =	vmov s28  }
0x19c: {  	s25 =	sor.u32 $0x100, s25  }
0x19d: {  	v5 =	vmov s25;
	_ =	sdelay $0x1  }
0x19e: {  	s19 =	simm.s32 $0x0  }
0x19f: {  	v7 =	vld.idx.msk [tilespmem:v4+s19+$0x0 ss:$0x1], $0xffff  }
0x1a0: {  	s30 =	sand.u32 $0x7, s24;
	s29 =	ssub.s32 s2, s26  }
0x1a1: {  	s31 =	sand.u32 $0x70, s26;
	v6 =	vadd.s32 s29, v0;
	s29 =	sand.u32 $0xF, s26;
	s26 =	sand.u32 $0xF, s2;
	v8 =	vld.idx.msk [tilespmem:v5+s19+$0x0 ss:$0x1], $0xffff  }
0x1a2: {  	v9 =	vand.u32 $0xF, v6;
	v6 =	vimm.f32 $0.0e+00;
	s25 =	sshll.u32 s30, $0xC;
	s28 =	sand.u32 $0x70, s2;
	s2 =	simm.s32 $0x200  }
.LBB2_3:
0x1a3: {  	s19 =	sshra.s32 s2, $0x2;
	p0 =	sne.s32 s2, $0x3E00;
	s2 =	sadd.s32 $0x200, s2  }
.Ltmp0:
0x1a4: {  	v10 =	vperm.xlane v7, v9;
	v7 =	vld.idx.msk [tilespmem:v4+s19+$0x0 ss:$0x1], $0xffff;
	(pc) =	sbr.rel @p0 .LBB2_3-.Ltmp0, $3  }
0x1a5: {  	_ = 	snop  }
0x1a6: {  	v10 =	vmul.f32 v10, v8;
	v8 =	vld.idx.msk [tilespmem:v5+s19+$0x0 ss:$0x1], $0xffff;
	_ =	sdelay $0x1  }
0x1a7: {  	v6 =	vadd.f32 v10, v6  }
0x1a8: {  	s2 =	sshll.u32 s30, $0x7  }
0x1a9: {  	v4 =	vperm.xlane v7, v9;
	s19 =	sadd.s32 $0x10100, s2  }
0x1aa: {  	s2 =	sadd.s32 $0x10500, s2;
	s20 =	sor.u32 s31, s19  }
0x1ab: {  	v4 =	vmul.f32 v4, v8;
	s28 =	sor.u32 s28, s2;
	v5 =	vld [tilespmem:s20+$0x0]  }
0x1ac: {  	v60 =	vld [tilespmem:s28+$0x0]  }
0x1ad: {  	v4 =	vadd.f32 v4, v6  }
0x1ae: {  	v61 =	vmov s29;
	s31 =	sand.u32 $0xF, s24  }
0x1af: {  	p0 =	sgt.u32 s24, $0x77;
	v62 =	vmov s31;
	v4 =	vperm.xlane v4, v61  }
0x1b0: {  	v63 =	vmov s26;
	s26 =	sld @!p0 [smem:s24+$0x8];
	p1 =	sne.s32 s31, $0xF;
	vm0 =	veq.s32 v62, v0;
	v5 =	vperm.xlane v5, v61  }
0x1b1: {  	s28 =	sand.u32 @!p1 $0x70, s24;
	v6 =	vperm.xlane v60, v63;
	v3 =	vsel vm0, v4, v3  }
0x1b2: {  	[tilespmem:s28+$0x10900] =	vst @!p1 v3;
	v2 =	vsel vm0, v5, v2  }
0x1b3: {  	s29 =	sadd.s32 $0x100, s25;
	s30 =	sld @!p0 [smem:s24+$0x88];
	s31 =	sand.u32 @!p0 $0x1FFFFF80, s26;
	v1 =	vsel vm0, v6, v1;
	[tilespmem:s28+$0x10980] =	vst @!p1 v2  }
0x1b4: {  	s20 =	simm.s32 @!p0 $0x7A1400;
	[tilespmem:s28+$0x10A00] =	vst @!p1 v1;
	s28 =	sadd.s32 @!p0 s0, s31;
	s31 =	simm.s32 @!p0 $0x400  }
0x1b5: {  	[tilespmem:s29], [sflag:$0x1] =	stream.strided.gather @!p0 [hbm4b:s28+s31], $0x1000, s20, s31, $0x38;
	[tilespmem:$0x10A80] =	vst v63  }
0x1b6: {  	s28 =	sand.u32 @!p0 $0x1FFFFF80, s30  }
0x1b7: {  	s25 =	sadd.s32 $0x8100, s25;
	s28 =	sadd.s32 @!p0 s1, s28  }
0x1b8: {  	[tilespmem:s25], [sflag:$0x2] =	stream.strided.gather @!p0 [hbm4b:s28+s31], $0x1000, s20, s31, $0x38;
	[tilespmem:$0x10A80] =	vst v63  }
0x1b9: {  	s20 =	sshrl.u32 @!p0 s26, $0x3  }
0x1ba: {  	s20 =	sand.u32 @!p0 $0x1FFFFFF0, s20  }
0x1bb: {  	s25 =	simm.s32 @!p0 $0x0;
	s20 =	sadd.s32 @!p0 s3, s20  }
0x1bc: {  	[tilespmem:s19], [sflag:$0x3] =	stream.linear.gather @!p0 [hbm4b:s20+s25], $0x80, $0x38;
	[tilespmem:$0x10A80] =	vst v63  }
0x1bd: {  	s19 =	sshrl.u32 @!p0 s30, $0x3  }
0x1be: {  	s19 =	sand.u32 @!p0 $0x1FFFFFF0, s19  }
0x1bf: {  	s24 =	sadd.s32 $0x1, s24;
	s19 =	sadd.s32 @!p0 s4, s19  }
0x1c0: {  	[tilespmem:s2], [sflag:$0x4] =	stream.linear.gather @!p0 [hbm4b:s19+s25], $0x80, $0x38;
	[tilespmem:$0x10A80] =	vst v63  }
0x1c1: {  	p0 =	sne.s32 s24, $0x80  }
.Ltmp1:
0x1c2: {  	_ = 	snop;
	(pc) =	sbr.rel @p0 .LBB2_2-.Ltmp1, $2  }
0x1c3: {  	_ =	sdelay $0x2  }
0x1c4: {  	s23 =	sadd.s32 $0x1, s23  }
0x1c5: {  	s2 =	simm.s32 $0x10900  }
0x1c6: {  	[hbm4b:s9+s6] =	stream.linear.scatter [tilespmem:s2], [sflag:$0x5], $0x80, $0x38;
	[tilespmem:$0x10A80] =	vst v63  }
0x1c7: {  	_ =	swait.ge [sflag:s13], $0x80  }
0x1c8: {  	[sflag:s13] =	ssyncset.done $0x0  }
0x1c9: {  	s31 =	simm.s32 $0x10980;
	[sflag:s13] =	ssyncadd.s32 $0xFFFFFF80  }
0x1ca: {  	[hbm4b:s10+s6] =	stream.linear.scatter [tilespmem:s31], [sflag:$0x5], $0x80, $0x38;
	[tilespmem:$0x10A80] =	vst v63  }
0x1cb: {  	s22 =	sadd.s32 $0x1, s22;
	_ =	swait.ge [sflag:s13], $0x80  }
0x1cc: {  	p0 =	sne.s32 s22, s12;
	[sflag:s13] =	ssyncset.done $0x0  }
.Ltmp2:
0x1cd: {  	[sflag:s13] =	ssyncadd.s32 $0xFFFFFF80;
	(pc) =	sbr.rel @p0 .LBB2_1-.Ltmp2, $4  }
0x1ce: {  	[hbm4b:s11+s6] =	stream.linear.scatter [tilespmem:s21], [sflag:$0x5], $0x80, $0x38;
	[tilespmem:$0x10A80] =	vst v63  }
0x1cf: {  	_ =	swait.ge [sflag:s13], $0x80  }
0x1d0: {  	[sflag:s13] =	ssyncset.done $0x0  }
0x1d1: {  	[sflag:s13] =	ssyncadd.s32 $0xFFFFFF80  }
0x1d2: {  	_ =	sfence.sel $0x180000  }
0x1d3: {  	[bflag:$0x0] =	sbarrier.arrive $0xFFFF  }
0x1d4: {  	_ =	strace $0x90000047  }
0x1d5: {  	s0 =	stileid.u32;
	[bflag:$0x2] =	sbarrier.arrive $0xFFFF  }
0x1d6: {  	p0 =	sne.s32 s0, $0x0;
	s0 =	rddreg [dreg:$0x7]  }
0x1d7: {  	s0 =	sadd.s32 @!p0 $0x100000, s0  }
0x1d8: {  	[sflag:s0] =	ssyncadd.tile.s32 @!p0 $0x1;
	_ =	shalt  }
.Lfunc_end2:
_tile_overlayer_lowered:
.L_overlay_start_2:
0x1d9: {  	(tag) =	ssettag $0x2  }
0x1da: {  	s0 =	rddreg [dreg:$0x0];
	s2 =	stileid.u32  }
0x1db: {  	s1 =	rddreg [dreg:$0x1];
	p0 =	sne.s32 s2, $0x0  }
0x1dc: {  	s3 =	rddreg [dreg:$0x2];
	[bflag:$0x3] =	sbarrier.arrive $0xFFFF;
	s2 =	simm.s32 @!p0 $0x1C05  }
0x1dd: {  	[timem:s3], [sflag:s2] =	dma.local @!p0 [hbm:s0], s1  }
0x1de: {  	s0 =	simm.s32 @!p0 $0x5  }
0x1df: {  	_ =	swait.ge @!p0 [sflag:s0], s1  }
0x1e0: {  	s1 =	ssub.s32 @!p0 $0x0, s1;
	[sflag:s0] =	ssyncset.done @!p0 $0x0  }
0x1e1: {  	[sflag:s0] =	ssyncadd.s32 @!p0 s1  }
0x1e2: {  	[bflag:$0x3] =	sbarrier.arrive $0xFFFF  }
0x1e3: {  	_ =	shalt  }

</sc_bundles>
